<compile_context>
chip_gen: v7x
topology: tpu7x:2x2x1
jax: 0.10.2.dev20260603
libtpu: 0.0.44.dev20260713+nightly
codegen_flags: <defaults>
</compile_context>

<pallas_src>
import functools

import jax
import jax.numpy as jnp
from jax import lax
from jax.experimental import pallas as pl
from jax.experimental.pallas import tpu as pltpu
from jax.experimental.pallas import tpu_sc as plsc

EMBED = 64
NW = 32
BCHUNK = 256
IDX_ROW = 128
STREAMS = BCHUNK // IDX_ROW


@jax.jit
def _sc_embedding_gather(tw, xT):
    F, BATCH = xT.shape
    b_per_w = BATCH // NW
    n_chunks = b_per_w // BCHUNK
    n_blocks = F * n_chunks
    assert n_blocks % 2 == 0

    mesh = plsc.VectorSubcoreMesh(core_axis_name="c", subcore_axis_name="s")

    @functools.partial(
        pl.kernel,
        mesh=mesh,
        compiler_params=pltpu.CompilerParams(
            use_tc_tiling_on_sc=True, needs_layout_passes=False
        ),
        out_type=jax.ShapeDtypeStruct((F, EMBED, BATCH), jnp.float32),
        scratch_types=[
            pltpu.VMEM((F, b_per_w), jnp.int32),
            pltpu.VMEM((BCHUNK, 2 * EMBED), jnp.float32),
            pltpu.VMEM((BCHUNK, 2 * EMBED), jnp.float32),
            pltpu.VMEM((EMBED, BCHUNK), jnp.float32),
            pltpu.VMEM((EMBED, BCHUNK), jnp.float32),
            pltpu.SemaphoreType.DMA,
            pltpu.SemaphoreType.DMA,
        ],
    )
    def k(tw_hbm, xT_hbm, z_hbm, idx_v, w0_v, w1_v, t0_v, t1_v, gsem, osem):
        cid = lax.axis_index("c")
        sid = lax.axis_index("s")
        wid = sid * 2 + cid
        bbase = wid * b_per_w
        pltpu.sync_copy(xT_hbm.at[:, pl.ds(bbase, b_per_w)], idx_v)

        lane = lax.iota(jnp.int32, 16)

        def fire_gathers(blk, w_v):
            f = lax.rem(blk, F)
            boff = lax.div(blk, F) * BCHUNK
            for j in range(STREAMS):
                pltpu.async_copy(
                    tw_hbm.at[idx_v.at[f].at[pl.ds(boff + j * IDX_ROW, IDX_ROW)]],
                    w_v.at[pl.ds(j * IDX_ROW, IDX_ROW)],
                    gsem,
                )

        def wait_gathers():
            for j in range(STREAMS):
                pltpu.make_async_copy(
                    tw_hbm.at[idx_v.at[0].at[pl.ds(0, IDX_ROW)]],
                    w0_v.at[pl.ds(0, IDX_ROW)],
                    gsem,
                ).wait()

        def wait_one_out():
            pltpu.make_async_copy(
                t0_v,
                z_hbm.at[0].at[:, pl.ds(bbase, BCHUNK)],
                osem,
            ).wait()

        diag = [lax.rem(lane + r, 16) for r in range(16)]

        def transpose_and_send(blk, w_v, t_v):
            f = lax.rem(blk, F)
            boff = lax.div(blk, F) * BCHUNK

            @pl.loop(0, BCHUNK, step=16)
            def _(l0):
                row_v = lane + l0
                for c0 in range(0, EMBED, 16):
                    cols = [diag[r] + c0 for r in range(16)]
                    vals = [
                        plsc.load_gather(w_v, [row_v, cols[r]])
                        for r in range(16)
                    ]
                    for r in range(16):
                        plsc.store_scatter(t_v, [cols[r], row_v], vals[r])

            pltpu.async_copy(
                t_v,
                z_hbm.at[f].at[:, pl.ds(bbase + boff, BCHUNK)],
                osem,
            )

        fire_gathers(0, w0_v)

        @pl.loop(0, n_blocks, step=2)
        def _(blk0):
            for par, (w_v, t_v) in enumerate(((w0_v, t0_v), (w1_v, t1_v))):
                blk = blk0 + par
                other_w = w1_v if par == 0 else w0_v

                @pl.when(blk + 1 < n_blocks)
                def _():
                    fire_gathers(blk + 1, other_w)

                wait_gathers()

                @pl.when(blk >= 2)
                def _():
                    wait_one_out()

                transpose_and_send(blk, w_v, t_v)

        wait_one_out()
        wait_one_out()

    return k(tw, xT)


def kernel(x, table):
    b, f = x.shape
    xT = x.T
    tw = jnp.pad(table, ((0, 0), (0, 2 * EMBED - table.shape[1])))
    z = _sc_embedding_gather(tw, xT)
    return z.transpose(2, 0, 1)

# --- scband reference (transcript-rebuilt; emitter-appended) ---
"""Pipeline reference for scband-embedding-59124519796844 (READ-ONLY COPY).

The authoritative reference and input builder live on the scoring server;
editing this copy changes nothing except your own understanding.
"""

import jax, jax.numpy as jnp
import numpy as np

VOCAB = 1000000
EMBED = 64
BATCH = 16384
FIELDS = 26

def setup_inputs(seed: int = 0) -> dict:
    key = jax.random.key(seed)
    k1, k2 = jax.random.split(key)
    x = jax.random.randint(k1, (BATCH, FIELDS), 0, VOCAB, dtype=jnp.int64 if jax.config.jax_enable_x64 else jnp.int32)
    table = jax.random.normal(k2, (VOCAB, EMBED), dtype=jnp.float32) * 0.02
    return {"x": x, "table": table}

def reference(x, table):
    # embedding lookup: gather rows of table by index
    return jnp.take(table, x, axis=0)

if __name__ == "__main__":
    import jax
    _d = setup_inputs()
    print(jax.jit(kernel)(*tuple(_d.values())))

</pallas_src>

<mosaic_0001>
#map = affine_map<(d0, d1) -> (0, 0)>
#map1 = affine_map<(d0, d1) -> (0, 0, 0)>
module attributes {stable_mosaic.version = 14 : i64} {
  func.func @k(%arg0: i32, %arg1: i32, %arg2: memref<1000000x128xf32, #tpu.memory_space<hbm>>, %arg3: memref<26x16384xi32, #tpu.memory_space<hbm>>, %arg4: memref<26x64x16384xf32, #tpu.memory_space<hbm>>, %arg5: memref<26x512xi32, #tpu.memory_space<vmem>>, %arg6: memref<256x128xf32, #tpu.memory_space<vmem>>, %arg7: memref<256x128xf32, #tpu.memory_space<vmem>>, %arg8: memref<64x256xf32, #tpu.memory_space<vmem>>, %arg9: memref<64x256xf32, #tpu.memory_space<vmem>>, %arg10: memref<!tpu.dma_semaphore, #tpu.memory_space<semaphore_mem>>, %arg11: memref<!tpu.dma_semaphore, #tpu.memory_space<semaphore_mem>>) attributes {dimension_semantics = [#tpu.dimension_semantics<core_parallel>, #tpu.dimension_semantics<subcore_parallel>], iteration_bounds = array<i64: 2, 16>, scalar_prefetch = 0 : i64, scratch_operands = 7 : i64, tpu.core_type = #tpu.core_type<sc_vector_subcore>, window_params = [{transform_indices = #map}, {transform_indices = #map}, {transform_indices = #map1}]} {
    %mul3A = arith.constant 2 : i32
    %mul3A_0 = arith.muli %arg1, %mul3A : i32
    %add3A = arith.addi %mul3A_0, %arg0 : i32
    %mul3A_1 = arith.constant 512 : i32
    %mul3A_2 = arith.muli %add3A, %mul3A_1 : i32
    "tpu.region"() ({
      %run_scoped3A = tpu.sem_alloc : memref<!tpu.dma_semaphore, #tpu.memory_space<semaphore_mem>>
      %dma_start3A_157 = arith.constant 0 : i32
      %dma_start3A_158 = tpu.memref_slice %arg3[%dma_start3A_157, %mul3A_2] : memref<26x16384xi32, #tpu.memory_space<hbm>> -> memref<26x512xi32, #tpu.memory_space<hbm>>
      %dma_start3A_159 = arith.constant 0 : i32
      %dma_start3A_160 = tpu.memref_slice %arg3[%dma_start3A_159, %mul3A_2] : memref<26x16384xi32, #tpu.memory_space<hbm>> -> memref<26x512xi32, #tpu.memory_space<hbm>>
      tpu.enqueue_dma source(%dma_start3A_160 : memref<26x512xi32, #tpu.memory_space<hbm>>) target(%arg5 : memref<26x512xi32, #tpu.memory_space<vmem>>) target_semaphore(%run_scoped3A : memref<!tpu.dma_semaphore, #tpu.memory_space<semaphore_mem>>)
      %dma_wait3A_161 = arith.constant 0 : i32
      %dma_wait3A_162 = tpu.memref_slice %arg3[%dma_wait3A_161, %mul3A_2] : memref<26x16384xi32, #tpu.memory_space<hbm>> -> memref<26x512xi32, #tpu.memory_space<hbm>>
      %dma_wait3A_163 = arith.constant 0 : i32
      %dma_wait3A_164 = tpu.memref_slice %arg3[%dma_wait3A_163, %mul3A_2] : memref<26x16384xi32, #tpu.memory_space<hbm>> -> memref<26x512xi32, #tpu.memory_space<hbm>>
      tpu.wait_dma2 semaphore(%run_scoped3A : memref<!tpu.dma_semaphore, #tpu.memory_space<semaphore_mem>>) src(%dma_wait3A_164 : memref<26x512xi32, #tpu.memory_space<hbm>>) dst(%arg5 : memref<26x512xi32, #tpu.memory_space<vmem>>)
      tpu.yield
    }) : () -> ()
    %iota3A = tpu.iota {dimensions = array<i32: 0>} : vector<16xi32>
    %add3A_3 = arith.constant 0 : i32
    %add3A_4 = vector.broadcast %add3A_3 : i32 to vector<16xi32>
    %add3A_5 = arith.addi %iota3A, %add3A_4 : vector<16xi32>
    %rem3A = arith.constant 16 : i32
    %rem3A_6 = vector.broadcast %rem3A : i32 to vector<16xi32>
    %rem3A_7 = arith.remsi %add3A_5, %rem3A_6 : vector<16xi32>
    %add3A_8 = arith.constant 1 : i32
    %add3A_9 = vector.broadcast %add3A_8 : i32 to vector<16xi32>
    %add3A_10 = arith.addi %iota3A, %add3A_9 : vector<16xi32>
    %rem3A_11 = arith.constant 16 : i32
    %rem3A_12 = vector.broadcast %rem3A_11 : i32 to vector<16xi32>
    %rem3A_13 = arith.remsi %add3A_10, %rem3A_12 : vector<16xi32>
    %add3A_14 = arith.constant 2 : i32
    %add3A_15 = vector.broadcast %add3A_14 : i32 to vector<16xi32>
    %add3A_16 = arith.addi %iota3A, %add3A_15 : vector<16xi32>
    %rem3A_17 = arith.constant 16 : i32
    %rem3A_18 = vector.broadcast %rem3A_17 : i32 to vector<16xi32>
    %rem3A_19 = arith.remsi %add3A_16, %rem3A_18 : vector<16xi32>
    %add3A_20 = arith.constant 3 : i32
    %add3A_21 = vector.broadcast %add3A_20 : i32 to vector<16xi32>
    %add3A_22 = arith.addi %iota3A, %add3A_21 : vector<16xi32>
    %rem3A_23 = arith.constant 16 : i32
    %rem3A_24 = vector.broadcast %rem3A_23 : i32 to vector<16xi32>
    %rem3A_25 = arith.remsi %add3A_22, %rem3A_24 : vector<16xi32>
    %add3A_26 = arith.constant 4 : i32
    %add3A_27 = vector.broadcast %add3A_26 : i32 to vector<16xi32>
    %add3A_28 = arith.addi %iota3A, %add3A_27 : vector<16xi32>
    %rem3A_29 = arith.constant 16 : i32
    %rem3A_30 = vector.broadcast %rem3A_29 : i32 to vector<16xi32>
    %rem3A_31 = arith.remsi %add3A_28, %rem3A_30 : vector<16xi32>
    %add3A_32 = arith.constant 5 : i32
    %add3A_33 = vector.broadcast %add3A_32 : i32 to vector<16xi32>
    %add3A_34 = arith.addi %iota3A, %add3A_33 : vector<16xi32>
    %rem3A_35 = arith.constant 16 : i32
    %rem3A_36 = vector.broadcast %rem3A_35 : i32 to vector<16xi32>
    %rem3A_37 = arith.remsi %add3A_34, %rem3A_36 : vector<16xi32>
    %add3A_38 = arith.constant 6 : i32
    %add3A_39 = vector.broadcast %add3A_38 : i32 to vector<16xi32>
    %add3A_40 = arith.addi %iota3A, %add3A_39 : vector<16xi32>
    %rem3A_41 = arith.constant 16 : i32
    %rem3A_42 = vector.broadcast %rem3A_41 : i32 to vector<16xi32>
    %rem3A_43 = arith.remsi %add3A_40, %rem3A_42 : vector<16xi32>
    %add3A_44 = arith.constant 7 : i32
    %add3A_45 = vector.broadcast %add3A_44 : i32 to vector<16xi32>
    %add3A_46 = arith.addi %iota3A, %add3A_45 : vector<16xi32>
    %rem3A_47 = arith.constant 16 : i32
    %rem3A_48 = vector.broadcast %rem3A_47 : i32 to vector<16xi32>
    %rem3A_49 = arith.remsi %add3A_46, %rem3A_48 : vector<16xi32>
    %add3A_50 = arith.constant 8 : i32
    %add3A_51 = vector.broadcast %add3A_50 : i32 to vector<16xi32>
    %add3A_52 = arith.addi %iota3A, %add3A_51 : vector<16xi32>
    %rem3A_53 = arith.constant 16 : i32
    %rem3A_54 = vector.broadcast %rem3A_53 : i32 to vector<16xi32>
    %rem3A_55 = arith.remsi %add3A_52, %rem3A_54 : vector<16xi32>
    %add3A_56 = arith.constant 9 : i32
    %add3A_57 = vector.broadcast %add3A_56 : i32 to vector<16xi32>
    %add3A_58 = arith.addi %iota3A, %add3A_57 : vector<16xi32>
    %rem3A_59 = arith.constant 16 : i32
    %rem3A_60 = vector.broadcast %rem3A_59 : i32 to vector<16xi32>
    %rem3A_61 = arith.remsi %add3A_58, %rem3A_60 : vector<16xi32>
    %add3A_62 = arith.constant 10 : i32
    %add3A_63 = vector.broadcast %add3A_62 : i32 to vector<16xi32>
    %add3A_64 = arith.addi %iota3A, %add3A_63 : vector<16xi32>
    %rem3A_65 = arith.constant 16 : i32
    %rem3A_66 = vector.broadcast %rem3A_65 : i32 to vector<16xi32>
    %rem3A_67 = arith.remsi %add3A_64, %rem3A_66 : vector<16xi32>
    %add3A_68 = arith.constant 11 : i32
    %add3A_69 = vector.broadcast %add3A_68 : i32 to vector<16xi32>
    %add3A_70 = arith.addi %iota3A, %add3A_69 : vector<16xi32>
    %rem3A_71 = arith.constant 16 : i32
    %rem3A_72 = vector.broadcast %rem3A_71 : i32 to vector<16xi32>
    %rem3A_73 = arith.remsi %add3A_70, %rem3A_72 : vector<16xi32>
    %add3A_74 = arith.constant 12 : i32
    %add3A_75 = vector.broadcast %add3A_74 : i32 to vector<16xi32>
    %add3A_76 = arith.addi %iota3A, %add3A_75 : vector<16xi32>
    %rem3A_77 = arith.constant 16 : i32
    %rem3A_78 = vector.broadcast %rem3A_77 : i32 to vector<16xi32>
    %rem3A_79 = arith.remsi %add3A_76, %rem3A_78 : vector<16xi32>
    %add3A_80 = arith.constant 13 : i32
    %add3A_81 = vector.broadcast %add3A_80 : i32 to vector<16xi32>
    %add3A_82 = arith.addi %iota3A, %add3A_81 : vector<16xi32>
    %rem3A_83 = arith.constant 16 : i32
    %rem3A_84 = vector.broadcast %rem3A_83 : i32 to vector<16xi32>
    %rem3A_85 = arith.remsi %add3A_82, %rem3A_84 : vector<16xi32>
    %add3A_86 = arith.constant 14 : i32
    %add3A_87 = vector.broadcast %add3A_86 : i32 to vector<16xi32>
    %add3A_88 = arith.addi %iota3A, %add3A_87 : vector<16xi32>
    %rem3A_89 = arith.constant 16 : i32
    %rem3A_90 = vector.broadcast %rem3A_89 : i32 to vector<16xi32>
    %rem3A_91 = arith.remsi %add3A_88, %rem3A_90 : vector<16xi32>
    %add3A_92 = arith.constant 15 : i32
    %add3A_93 = vector.broadcast %add3A_92 : i32 to vector<16xi32>
    %add3A_94 = arith.addi %iota3A, %add3A_93 : vector<16xi32>
    %rem3A_95 = arith.constant 16 : i32
    %rem3A_96 = vector.broadcast %rem3A_95 : i32 to vector<16xi32>
    %rem3A_97 = arith.remsi %add3A_94, %rem3A_96 : vector<16xi32>
    %rem3A_98 = arith.constant 0 : i32
    %rem3A_99 = arith.constant 26 : i32
    %rem3A_100 = arith.remsi %rem3A_98, %rem3A_99 : i32
    %div3A = arith.constant 0 : i32
    %div3A_101 = arith.constant 26 : i32
    %div3A_102 = arith.divsi %div3A, %div3A_101 : i32
    %mul3A_103 = arith.constant 256 : i32
    %mul3A_104 = arith.muli %div3A_102, %mul3A_103 : i32
    %add3A_105 = arith.constant 0 : i32
    %add3A_106 = arith.addi %mul3A_104, %add3A_105 : i32
    %dma_start3A = arith.constant 0 : i32
    %dma_start3A_107 = arith.constant 0 : i32
    %dma_start3A_108 = tpu.memref_slice %arg6[%dma_start3A, %dma_start3A_107] : memref<256x128xf32, #tpu.memory_space<vmem>> -> memref<128x128xf32, #tpu.memory_space<vmem>>
    %dma_start3A_109 = arith.constant 0 : i32
    %dma_start3A_110 = tpu.memref_slice %arg5[%rem3A_100, %dma_start3A_109] : memref<26x512xi32, #tpu.memory_space<vmem>> -> memref<1x512xi32, #tpu.memory_space<vmem>>
    %dma_start3A_111 = tpu.memref_squeeze %dma_start3A_110 : memref<1x512xi32, #tpu.memory_space<vmem>> -> memref<512xi32, #tpu.memory_space<vmem>>
    %dma_start3A_112 = tpu.memref_slice %dma_start3A_111[%add3A_106] : memref<512xi32, #tpu.memory_space<vmem>> -> memref<128xi32, #tpu.memory_space<vmem>>
    %dma_start3A_113 = arith.constant 0 : i32
    %dma_start3A_114 = arith.constant 0 : i32
    %dma_start3A_115 = tpu.memref_slice %arg2[%dma_start3A_113, %dma_start3A_114] : memref<1000000x128xf32, #tpu.memory_space<hbm>> -> memref<1000000x128xf32, #tpu.memory_space<hbm>>
    tpu.enqueue_indirect_dma source(%dma_start3A_115 : memref<1000000x128xf32, #tpu.memory_space<hbm>>) target(%dma_start3A_108 : memref<128x128xf32, #tpu.memory_space<vmem>>) offsets(%dma_start3A_112 : memref<128xi32, #tpu.memory_space<vmem>>) semaphore(%arg10 : memref<!tpu.dma_semaphore, #tpu.memory_space<semaphore_mem>>)
    %add3A_116 = arith.constant 128 : i32
    %add3A_117 = arith.addi %mul3A_104, %add3A_116 : i32
    %dma_start3A_118 = arith.constant 128 : i32
    %dma_start3A_119 = arith.constant 0 : i32
    %dma_start3A_120 = tpu.memref_slice %arg6[%dma_start3A_118, %dma_start3A_119] : memref<256x128xf32, #tpu.memory_space<vmem>> -> memref<128x128xf32, #tpu.memory_space<vmem>>
    %dma_start3A_121 = arith.constant 0 : i32
    %dma_start3A_122 = tpu.memref_slice %arg5[%rem3A_100, %dma_start3A_121] : memref<26x512xi32, #tpu.memory_space<vmem>> -> memref<1x512xi32, #tpu.memory_space<vmem>>
    %dma_start3A_123 = tpu.memref_squeeze %dma_start3A_122 : memref<1x512xi32, #tpu.memory_space<vmem>> -> memref<512xi32, #tpu.memory_space<vmem>>
    %dma_start3A_124 = tpu.memref_slice %dma_start3A_123[%add3A_117] : memref<512xi32, #tpu.memory_space<vmem>> -> memref<128xi32, #tpu.memory_space<vmem>>
    %dma_start3A_125 = arith.constant 0 : i32
    %dma_start3A_126 = arith.constant 0 : i32
    %dma_start3A_127 = tpu.memref_slice %arg2[%dma_start3A_125, %dma_start3A_126] : memref<1000000x128xf32, #tpu.memory_space<hbm>> -> memref<1000000x128xf32, #tpu.memory_space<hbm>>
    tpu.enqueue_indirect_dma source(%dma_start3A_127 : memref<1000000x128xf32, #tpu.memory_space<hbm>>) target(%dma_start3A_120 : memref<128x128xf32, #tpu.memory_space<vmem>>) offsets(%dma_start3A_124 : memref<128xi32, #tpu.memory_space<vmem>>) semaphore(%arg10 : memref<!tpu.dma_semaphore, #tpu.memory_space<semaphore_mem>>)
    %scan3A = arith.constant 0 : i32
    %scan3A_128 = arith.constant 26 : i32
    %scan3A_129 = arith.addi %scan3A, %scan3A_128 : i32
    %scan3A_130 = arith.constant 1 : i32
    scf.for %scan3A_157 = %scan3A to %scan3A_129 step %scan3A_130  : i32 {
      %mul3A_158 = arith.constant 2 : i32
      %mul3A_159 = arith.muli %scan3A_157, %mul3A_158 : i32
      %add3A_160 = arith.constant 0 : i32
      %add3A_161 = arith.addi %add3A_160, %mul3A_159 : i32
      %add3A_162 = arith.constant 0 : i32
      %add3A_163 = arith.addi %add3A_161, %add3A_162 : i32
      %add3A_164 = arith.constant 1 : i32
      %add3A_165 = arith.addi %add3A_163, %add3A_164 : i32
      %lt3A = arith.constant 52 : i32
      %lt3A_166 = arith.cmpi slt, %add3A_165, %lt3A : i32
      %convert_element_type3A = arith.extui %lt3A_166 : i1 to i32
      %cond3A = arith.constant 0 : i32
      %cond3A_167 = arith.cmpi ne, %convert_element_type3A, %cond3A : i32
      scf.if %cond3A_167 {
        %add3A_282 = arith.constant 1 : i32
        %add3A_283 = arith.addi %add3A_163, %add3A_282 : i32
        %rem3A_284 = arith.constant 26 : i32
        %rem3A_285 = arith.remsi %add3A_283, %rem3A_284 : i32
        %div3A_286 = arith.constant 26 : i32
        %div3A_287 = arith.divsi %add3A_283, %div3A_286 : i32
        %mul3A_288 = arith.constant 256 : i32
        %mul3A_289 = arith.muli %div3A_287, %mul3A_288 : i32
        %add3A_290 = arith.constant 0 : i32
        %add3A_291 = arith.addi %mul3A_289, %add3A_290 : i32
        %dma_start3A_292 = arith.constant 0 : i32
        %dma_start3A_293 = arith.constant 0 : i32
        %dma_start3A_294 = tpu.memref_slice %arg7[%dma_start3A_292, %dma_start3A_293] : memref<256x128xf32, #tpu.memory_space<vmem>> -> memref<128x128xf32, #tpu.memory_space<vmem>>
        %dma_start3A_295 = arith.constant 0 : i32
        %dma_start3A_296 = tpu.memref_slice %arg5[%rem3A_285, %dma_start3A_295] : memref<26x512xi32, #tpu.memory_space<vmem>> -> memref<1x512xi32, #tpu.memory_space<vmem>>
        %dma_start3A_297 = tpu.memref_squeeze %dma_start3A_296 : memref<1x512xi32, #tpu.memory_space<vmem>> -> memref<512xi32, #tpu.memory_space<vmem>>
        %dma_start3A_298 = tpu.memref_slice %dma_start3A_297[%add3A_291] : memref<512xi32, #tpu.memory_space<vmem>> -> memref<128xi32, #tpu.memory_space<vmem>>
        %dma_start3A_299 = arith.constant 0 : i32
        %dma_start3A_300 = arith.constant 0 : i32
        %dma_start3A_301 = tpu.memref_slice %arg2[%dma_start3A_299, %dma_start3A_300] : memref<1000000x128xf32, #tpu.memory_space<hbm>> -> memref<1000000x128xf32, #tpu.memory_space<hbm>>
        tpu.enqueue_indirect_dma source(%dma_start3A_301 : memref<1000000x128xf32, #tpu.memory_space<hbm>>) target(%dma_start3A_294 : memref<128x128xf32, #tpu.memory_space<vmem>>) offsets(%dma_start3A_298 : memref<128xi32, #tpu.memory_space<vmem>>) semaphore(%arg10 : memref<!tpu.dma_semaphore, #tpu.memory_space<semaphore_mem>>)
        %add3A_302 = arith.constant 128 : i32
        %add3A_303 = arith.addi %mul3A_289, %add3A_302 : i32
        %dma_start3A_304 = arith.constant 128 : i32
        %dma_start3A_305 = arith.constant 0 : i32
        %dma_start3A_306 = tpu.memref_slice %arg7[%dma_start3A_304, %dma_start3A_305] : memref<256x128xf32, #tpu.memory_space<vmem>> -> memref<128x128xf32, #tpu.memory_space<vmem>>
        %dma_start3A_307 = arith.constant 0 : i32
        %dma_start3A_308 = tpu.memref_slice %arg5[%rem3A_285, %dma_start3A_307] : memref<26x512xi32, #tpu.memory_space<vmem>> -> memref<1x512xi32, #tpu.memory_space<vmem>>
        %dma_start3A_309 = tpu.memref_squeeze %dma_start3A_308 : memref<1x512xi32, #tpu.memory_space<vmem>> -> memref<512xi32, #tpu.memory_space<vmem>>
        %dma_start3A_310 = tpu.memref_slice %dma_start3A_309[%add3A_303] : memref<512xi32, #tpu.memory_space<vmem>> -> memref<128xi32, #tpu.memory_space<vmem>>
        %dma_start3A_311 = arith.constant 0 : i32
        %dma_start3A_312 = arith.constant 0 : i32
        %dma_start3A_313 = tpu.memref_slice %arg2[%dma_start3A_311, %dma_start3A_312] : memref<1000000x128xf32, #tpu.memory_space<hbm>> -> memref<1000000x128xf32, #tpu.memory_space<hbm>>
        tpu.enqueue_indirect_dma source(%dma_start3A_313 : memref<1000000x128xf32, #tpu.memory_space<hbm>>) target(%dma_start3A_306 : memref<128x128xf32, #tpu.memory_space<vmem>>) offsets(%dma_start3A_310 : memref<128xi32, #tpu.memory_space<vmem>>) semaphore(%arg10 : memref<!tpu.dma_semaphore, #tpu.memory_space<semaphore_mem>>)
      } else {
      }
      %dma_wait3A_168 = arith.constant 0 : i32
      %dma_wait3A_169 = arith.constant 0 : i32
      %dma_wait3A_170 = arith.constant 0 : i32
      %dma_wait3A_171 = tpu.memref_slice %arg6[%dma_wait3A_169, %dma_wait3A_170] : memref<256x128xf32, #tpu.memory_space<vmem>> -> memref<128x128xf32, #tpu.memory_space<vmem>>
      %dma_wait3A_172 = arith.constant 0 : i32
      %dma_wait3A_173 = tpu.memref_slice %arg5[%dma_wait3A_168, %dma_wait3A_172] : memref<26x512xi32, #tpu.memory_space<vmem>> -> memref<1x512xi32, #tpu.memory_space<vmem>>
      %dma_wait3A_174 = tpu.memref_squeeze %dma_wait3A_173 : memref<1x512xi32, #tpu.memory_space<vmem>> -> memref<512xi32, #tpu.memory_space<vmem>>
      %dma_wait3A_175 = arith.constant 0 : i32
      %dma_wait3A_176 = tpu.memref_slice %dma_wait3A_174[%dma_wait3A_175] : memref<512xi32, #tpu.memory_space<vmem>> -> memref<128xi32, #tpu.memory_space<vmem>>
      %dma_wait3A_177 = arith.constant 0 : i32
      %dma_wait3A_178 = arith.constant 0 : i32
      %dma_wait3A_179 = tpu.memref_slice %arg2[%dma_wait3A_177, %dma_wait3A_178] : memref<1000000x128xf32, #tpu.memory_space<hbm>> -> memref<1000000x128xf32, #tpu.memory_space<hbm>>
      tpu.wait_indirect_dma semaphore(%arg10 : memref<!tpu.dma_semaphore, #tpu.memory_space<semaphore_mem>>) src(%dma_wait3A_179 : memref<1000000x128xf32, #tpu.memory_space<hbm>>) dst(%dma_wait3A_171 : memref<128x128xf32, #tpu.memory_space<vmem>>)
      %dma_wait3A_180 = arith.constant 0 : i32
      %dma_wait3A_181 = arith.constant 0 : i32
      %dma_wait3A_182 = arith.constant 0 : i32
      %dma_wait3A_183 = tpu.memref_slice %arg6[%dma_wait3A_181, %dma_wait3A_182] : memref<256x128xf32, #tpu.memory_space<vmem>> -> memref<128x128xf32, #tpu.memory_space<vmem>>
      %dma_wait3A_184 = arith.constant 0 : i32
      %dma_wait3A_185 = tpu.memref_slice %arg5[%dma_wait3A_180, %dma_wait3A_184] : memref<26x512xi32, #tpu.memory_space<vmem>> -> memref<1x512xi32, #tpu.memory_space<vmem>>
      %dma_wait3A_186 = tpu.memref_squeeze %dma_wait3A_185 : memref<1x512xi32, #tpu.memory_space<vmem>> -> memref<512xi32, #tpu.memory_space<vmem>>
      %dma_wait3A_187 = arith.constant 0 : i32
      %dma_wait3A_188 = tpu.memref_slice %dma_wait3A_186[%dma_wait3A_187] : memref<512xi32, #tpu.memory_space<vmem>> -> memref<128xi32, #tpu.memory_space<vmem>>
      %dma_wait3A_189 = arith.constant 0 : i32
      %dma_wait3A_190 = arith.constant 0 : i32
      %dma_wait3A_191 = tpu.memref_slice %arg2[%dma_wait3A_189, %dma_wait3A_190] : memref<1000000x128xf32, #tpu.memory_space<hbm>> -> memref<1000000x128xf32, #tpu.memory_space<hbm>>
      tpu.wait_indirect_dma semaphore(%arg10 : memref<!tpu.dma_semaphore, #tpu.memory_space<semaphore_mem>>) src(%dma_wait3A_191 : memref<1000000x128xf32, #tpu.memory_space<hbm>>) dst(%dma_wait3A_183 : memref<128x128xf32, #tpu.memory_space<vmem>>)
      %ge3A = arith.constant 2 : i32
      %ge3A_192 = arith.cmpi sge, %add3A_163, %ge3A : i32
      %convert_element_type3A_193 = arith.extui %ge3A_192 : i1 to i32
      %cond3A_194 = arith.constant 0 : i32
      %cond3A_195 = arith.cmpi ne, %convert_element_type3A_193, %cond3A_194 : i32
      scf.if %cond3A_195 {
        %dma_wait3A_282 = arith.constant 0 : i32
        %dma_wait3A_283 = arith.constant 0 : i32
        %dma_wait3A_284 = arith.constant 0 : i32
        %dma_wait3A_285 = tpu.memref_slice %arg4[%dma_wait3A_282, %dma_wait3A_283, %dma_wait3A_284] : memref<26x64x16384xf32, #tpu.memory_space<hbm>> -> memref<1x64x16384xf32, #tpu.memory_space<hbm>>
        %dma_wait3A_286 = tpu.memref_squeeze %dma_wait3A_285 : memref<1x64x16384xf32, #tpu.memory_space<hbm>> -> memref<64x16384xf32, #tpu.memory_space<hbm>>
        %dma_wait3A_287 = arith.constant 0 : i32
        %dma_wait3A_288 = tpu.memref_slice %dma_wait3A_286[%dma_wait3A_287, %mul3A_2] : memref<64x16384xf32, #tpu.memory_space<hbm>> -> memref<64x256xf32, #tpu.memory_space<hbm>>
        %dma_wait3A_289 = arith.constant 0 : i32
        %dma_wait3A_290 = arith.constant 0 : i32
        %dma_wait3A_291 = tpu.memref_slice %arg4[%dma_wait3A_282, %dma_wait3A_289, %dma_wait3A_290] : memref<26x64x16384xf32, #tpu.memory_space<hbm>> -> memref<1x64x16384xf32, #tpu.memory_space<hbm>>
        %dma_wait3A_292 = tpu.memref_squeeze %dma_wait3A_291 : memref<1x64x16384xf32, #tpu.memory_space<hbm>> -> memref<64x16384xf32, #tpu.memory_space<hbm>>
        %dma_wait3A_293 = arith.constant 0 : i32
        %dma_wait3A_294 = tpu.memref_slice %dma_wait3A_292[%dma_wait3A_293, %mul3A_2] : memref<64x16384xf32, #tpu.memory_space<hbm>> -> memref<64x256xf32, #tpu.memory_space<hbm>>
        tpu.wait_dma2 semaphore(%arg11 : memref<!tpu.dma_semaphore, #tpu.memory_space<semaphore_mem>>) src(%arg8 : memref<64x256xf32, #tpu.memory_space<vmem>>) dst(%dma_wait3A_294 : memref<64x256xf32, #tpu.memory_space<hbm>>)
      } else {
      }
      %rem3A_196 = arith.constant 26 : i32
      %rem3A_197 = arith.remsi %add3A_163, %rem3A_196 : i32
      %div3A_198 = arith.constant 26 : i32
      %div3A_199 = arith.divsi %add3A_163, %div3A_198 : i32
      %mul3A_200 = arith.constant 256 : i32
      %mul3A_201 = arith.muli %div3A_199, %mul3A_200 : i32
      %scan3A_202 = arith.constant 0 : i32
      %scan3A_203 = arith.constant 16 : i32
      %scan3A_204 = arith.addi %scan3A_202, %scan3A_203 : i32
      %scan3A_205 = arith.constant 1 : i32
      scf.for %scan3A_282 = %scan3A_202 to %scan3A_204 step %scan3A_205  : i32 {
        %mul3A_283 = arith.constant 16 : i32
        %mul3A_284 = arith.muli %scan3A_282, %mul3A_283 : i32
        %add3A_285 = arith.constant 0 : i32
        %add3A_286 = arith.addi %add3A_285, %mul3A_284 : i32
        %add3A_287 = vector.broadcast %add3A_286 : i32 to vector<16xi32>
        %add3A_288 = arith.addi %iota3A, %add3A_287 : vector<16xi32>
        %add3A_289 = arith.constant 0 : i32
        %add3A_290 = vector.broadcast %add3A_289 : i32 to vector<16xi32>
        %add3A_291 = arith.addi %rem3A_7, %add3A_290 : vector<16xi32>
        %add3A_292 = arith.constant 0 : i32
        %add3A_293 = vector.broadcast %add3A_292 : i32 to vector<16xi32>
        %add3A_294 = arith.addi %rem3A_13, %add3A_293 : vector<16xi32>
        %add3A_295 = arith.constant 0 : i32
        %add3A_296 = vector.broadcast %add3A_295 : i32 to vector<16xi32>
        %add3A_297 = arith.addi %rem3A_19, %add3A_296 : vector<16xi32>
        %add3A_298 = arith.constant 0 : i32
        %add3A_299 = vector.broadcast %add3A_298 : i32 to vector<16xi32>
        %add3A_300 = arith.addi %rem3A_25, %add3A_299 : vector<16xi32>
        %add3A_301 = arith.constant 0 : i32
        %add3A_302 = vector.broadcast %add3A_301 : i32 to vector<16xi32>
        %add3A_303 = arith.addi %rem3A_31, %add3A_302 : vector<16xi32>
        %add3A_304 = arith.constant 0 : i32
        %add3A_305 = vector.broadcast %add3A_304 : i32 to vector<16xi32>
        %add3A_306 = arith.addi %rem3A_37, %add3A_305 : vector<16xi32>
        %add3A_307 = arith.constant 0 : i32
        %add3A_308 = vector.broadcast %add3A_307 : i32 to vector<16xi32>
        %add3A_309 = arith.addi %rem3A_43, %add3A_308 : vector<16xi32>
        %add3A_310 = arith.constant 0 : i32
        %add3A_311 = vector.broadcast %add3A_310 : i32 to vector<16xi32>
        %add3A_312 = arith.addi %rem3A_49, %add3A_311 : vector<16xi32>
        %add3A_313 = arith.constant 0 : i32
        %add3A_314 = vector.broadcast %add3A_313 : i32 to vector<16xi32>
        %add3A_315 = arith.addi %rem3A_55, %add3A_314 : vector<16xi32>
        %add3A_316 = arith.constant 0 : i32
        %add3A_317 = vector.broadcast %add3A_316 : i32 to vector<16xi32>
        %add3A_318 = arith.addi %rem3A_61, %add3A_317 : vector<16xi32>
        %add3A_319 = arith.constant 0 : i32
        %add3A_320 = vector.broadcast %add3A_319 : i32 to vector<16xi32>
        %add3A_321 = arith.addi %rem3A_67, %add3A_320 : vector<16xi32>
        %add3A_322 = arith.constant 0 : i32
        %add3A_323 = vector.broadcast %add3A_322 : i32 to vector<16xi32>
        %add3A_324 = arith.addi %rem3A_73, %add3A_323 : vector<16xi32>
        %add3A_325 = arith.constant 0 : i32
        %add3A_326 = vector.broadcast %add3A_325 : i32 to vector<16xi32>
        %add3A_327 = arith.addi %rem3A_79, %add3A_326 : vector<16xi32>
        %add3A_328 = arith.constant 0 : i32
        %add3A_329 = vector.broadcast %add3A_328 : i32 to vector<16xi32>
        %add3A_330 = arith.addi %rem3A_85, %add3A_329 : vector<16xi32>
        %add3A_331 = arith.constant 0 : i32
        %add3A_332 = vector.broadcast %add3A_331 : i32 to vector<16xi32>
        %add3A_333 = arith.addi %rem3A_91, %add3A_332 : vector<16xi32>
        %add3A_334 = arith.constant 0 : i32
        %add3A_335 = vector.broadcast %add3A_334 : i32 to vector<16xi32>
        %add3A_336 = arith.addi %rem3A_97, %add3A_335 : vector<16xi32>
        %gather3A = tpu.vector_load_idx %arg6[%add3A_288, %add3A_291] : memref<256x128xf32, #tpu.memory_space<vmem>>[vector<16xi32>, vector<16xi32>], vector<16xf32>,
        %gather3A_337 = tpu.vector_load_idx %arg6[%add3A_288, %add3A_294] : memref<256x128xf32, #tpu.memory_space<vmem>>[vector<16xi32>, vector<16xi32>], vector<16xf32>,
        %gather3A_338 = tpu.vector_load_idx %arg6[%add3A_288, %add3A_297] : memref<256x128xf32, #tpu.memory_space<vmem>>[vector<16xi32>, vector<16xi32>], vector<16xf32>,
        %gather3A_339 = tpu.vector_load_idx %arg6[%add3A_288, %add3A_300] : memref<256x128xf32, #tpu.memory_space<vmem>>[vector<16xi32>, vector<16xi32>], vector<16xf32>,
        %gather3A_340 = tpu.vector_load_idx %arg6[%add3A_288, %add3A_303] : memref<256x128xf32, #tpu.memory_space<vmem>>[vector<16xi32>, vector<16xi32>], vector<16xf32>,
        %gather3A_341 = tpu.vector_load_idx %arg6[%add3A_288, %add3A_306] : memref<256x128xf32, #tpu.memory_space<vmem>>[vector<16xi32>, vector<16xi32>], vector<16xf32>,
        %gather3A_342 = tpu.vector_load_idx %arg6[%add3A_288, %add3A_309] : memref<256x128xf32, #tpu.memory_space<vmem>>[vector<16xi32>, vector<16xi32>], vector<16xf32>,
        %gather3A_343 = tpu.vector_load_idx %arg6[%add3A_288, %add3A_312] : memref<256x128xf32, #tpu.memory_space<vmem>>[vector<16xi32>, vector<16xi32>], vector<16xf32>,
        %gather3A_344 = tpu.vector_load_idx %arg6[%add3A_288, %add3A_315] : memref<256x128xf32, #tpu.memory_space<vmem>>[vector<16xi32>, vector<16xi32>], vector<16xf32>,
        %gather3A_345 = tpu.vector_load_idx %arg6[%add3A_288, %add3A_318] : memref<256x128xf32, #tpu.memory_space<vmem>>[vector<16xi32>, vector<16xi32>], vector<16xf32>,
        %gather3A_346 = tpu.vector_load_idx %arg6[%add3A_288, %add3A_321] : memref<256x128xf32, #tpu.memory_space<vmem>>[vector<16xi32>, vector<16xi32>], vector<16xf32>,
        %gather3A_347 = tpu.vector_load_idx %arg6[%add3A_288, %add3A_324] : memref<256x128xf32, #tpu.memory_space<vmem>>[vector<16xi32>, vector<16xi32>], vector<16xf32>,
        %gather3A_348 = tpu.vector_load_idx %arg6[%add3A_288, %add3A_327] : memref<256x128xf32, #tpu.memory_space<vmem>>[vector<16xi32>, vector<16xi32>], vector<16xf32>,
        %gather3A_349 = tpu.vector_load_idx %arg6[%add3A_288, %add3A_330] : memref<256x128xf32, #tpu.memory_space<vmem>>[vector<16xi32>, vector<16xi32>], vector<16xf32>,
        %gather3A_350 = tpu.vector_load_idx %arg6[%add3A_288, %add3A_333] : memref<256x128xf32, #tpu.memory_space<vmem>>[vector<16xi32>, vector<16xi32>], vector<16xf32>,
        %gather3A_351 = tpu.vector_load_idx %arg6[%add3A_288, %add3A_336] : memref<256x128xf32, #tpu.memory_space<vmem>>[vector<16xi32>, vector<16xi32>], vector<16xf32>,
        tpu.vector_store_idx %arg8[%add3A_291, %add3A_288], %gather3A : memref<64x256xf32, #tpu.memory_space<vmem>>[vector<16xi32>, vector<16xi32>], vector<16xf32>,
        tpu.vector_store_idx %arg8[%add3A_294, %add3A_288], %gather3A_337 : memref<64x256xf32, #tpu.memory_space<vmem>>[vector<16xi32>, vector<16xi32>], vector<16xf32>,
        tpu.vector_store_idx %arg8[%add3A_297, %add3A_288], %gather3A_338 : memref<64x256xf32, #tpu.memory_space<vmem>>[vector<16xi32>, vector<16xi32>], vector<16xf32>,
        tpu.vector_store_idx %arg8[%add3A_300, %add3A_288], %gather3A_339 : memref<64x256xf32, #tpu.memory_space<vmem>>[vector<16xi32>, vector<16xi32>], vector<16xf32>,
        tpu.vector_store_idx %arg8[%add3A_303, %add3A_288], %gather3A_340 : memref<64x256xf32, #tpu.memory_space<vmem>>[vector<16xi32>, vector<16xi32>], vector<16xf32>,
        tpu.vector_store_idx %arg8[%add3A_306, %add3A_288], %gather3A_341 : memref<64x256xf32, #tpu.memory_space<vmem>>[vector<16xi32>, vector<16xi32>], vector<16xf32>,
        tpu.vector_store_idx %arg8[%add3A_309, %add3A_288], %gather3A_342 : memref<64x256xf32, #tpu.memory_space<vmem>>[vector<16xi32>, vector<16xi32>], vector<16xf32>,
        tpu.vector_store_idx %arg8[%add3A_312, %add3A_288], %gather3A_343 : memref<64x256xf32, #tpu.memory_space<vmem>>[vector<16xi32>, vector<16xi32>], vector<16xf32>,
        tpu.vector_store_idx %arg8[%add3A_315, %add3A_288], %gather3A_344 : memref<64x256xf32, #tpu.memory_space<vmem>>[vector<16xi32>, vector<16xi32>], vector<16xf32>,
        tpu.vector_store_idx %arg8[%add3A_318, %add3A_288], %gather3A_345 : memref<64x256xf32, #tpu.memory_space<vmem>>[vector<16xi32>, vector<16xi32>], vector<16xf32>,
        tpu.vector_store_idx %arg8[%add3A_321, %add3A_288], %gather3A_346 : memref<64x256xf32, #tpu.memory_space<vmem>>[vector<16xi32>, vector<16xi32>], vector<16xf32>,
        tpu.vector_store_idx %arg8[%add3A_324, %add3A_288], %gather3A_347 : memref<64x256xf32, #tpu.memory_space<vmem>>[vector<16xi32>, vector<16xi32>], vector<16xf32>,
        tpu.vector_store_idx %arg8[%add3A_327, %add3A_288], %gather3A_348 : memref<64x256xf32, #tpu.memory_space<vmem>>[vector<16xi32>, vector<16xi32>], vector<16xf32>,
        tpu.vector_store_idx %arg8[%add3A_330, %add3A_288], %gather3A_349 : memref<64x256xf32, #tpu.memory_space<vmem>>[vector<16xi32>, vector<16xi32>], vector<16xf32>,
        tpu.vector_store_idx %arg8[%add3A_333, %add3A_288], %gather3A_350 : memref<64x256xf32, #tpu.memory_space<vmem>>[vector<16xi32>, vector<16xi32>], vector<16xf32>,
        tpu.vector_store_idx %arg8[%add3A_336, %add3A_288], %gather3A_351 : memref<64x256xf32, #tpu.memory_space<vmem>>[vector<16xi32>, vector<16xi32>], vector<16xf32>,
        %add3A_352 = arith.constant 16 : i32
        %add3A_353 = vector.broadcast %add3A_352 : i32 to vector<16xi32>
        %add3A_354 = arith.addi %rem3A_7, %add3A_353 : vector<16xi32>
        %add3A_355 = arith.constant 16 : i32
        %add3A_356 = vector.broadcast %add3A_355 : i32 to vector<16xi32>
        %add3A_357 = arith.addi %rem3A_13, %add3A_356 : vector<16xi32>
        %add3A_358 = arith.constant 16 : i32
        %add3A_359 = vector.broadcast %add3A_358 : i32 to vector<16xi32>
        %add3A_360 = arith.addi %rem3A_19, %add3A_359 : vector<16xi32>
        %add3A_361 = arith.constant 16 : i32
        %add3A_362 = vector.broadcast %add3A_361 : i32 to vector<16xi32>
        %add3A_363 = arith.addi %rem3A_25, %add3A_362 : vector<16xi32>
        %add3A_364 = arith.constant 16 : i32
        %add3A_365 = vector.broadcast %add3A_364 : i32 to vector<16xi32>
        %add3A_366 = arith.addi %rem3A_31, %add3A_365 : vector<16xi32>
        %add3A_367 = arith.constant 16 : i32
        %add3A_368 = vector.broadcast %add3A_367 : i32 to vector<16xi32>
        %add3A_369 = arith.addi %rem3A_37, %add3A_368 : vector<16xi32>
        %add3A_370 = arith.constant 16 : i32
        %add3A_371 = vector.broadcast %add3A_370 : i32 to vector<16xi32>
        %add3A_372 = arith.addi %rem3A_43, %add3A_371 : vector<16xi32>
        %add3A_373 = arith.constant 16 : i32
        %add3A_374 = vector.broadcast %add3A_373 : i32 to vector<16xi32>
        %add3A_375 = arith.addi %rem3A_49, %add3A_374 : vector<16xi32>
        %add3A_376 = arith.constant 16 : i32
        %add3A_377 = vector.broadcast %add3A_376 : i32 to vector<16xi32>
        %add3A_378 = arith.addi %rem3A_55, %add3A_377 : vector<16xi32>
        %add3A_379 = arith.constant 16 : i32
        %add3A_380 = vector.broadcast %add3A_379 : i32 to vector<16xi32>
        %add3A_381 = arith.addi %rem3A_61, %add3A_380 : vector<16xi32>
        %add3A_382 = arith.constant 16 : i32
        %add3A_383 = vector.broadcast %add3A_382 : i32 to vector<16xi32>
        %add3A_384 = arith.addi %rem3A_67, %add3A_383 : vector<16xi32>
        %add3A_385 = arith.constant 16 : i32
        %add3A_386 = vector.broadcast %add3A_385 : i32 to vector<16xi32>
        %add3A_387 = arith.addi %rem3A_73, %add3A_386 : vector<16xi32>
        %add3A_388 = arith.constant 16 : i32
        %add3A_389 = vector.broadcast %add3A_388 : i32 to vector<16xi32>
        %add3A_390 = arith.addi %rem3A_79, %add3A_389 : vector<16xi32>
        %add3A_391 = arith.constant 16 : i32
        %add3A_392 = vector.broadcast %add3A_391 : i32 to vector<16xi32>
        %add3A_393 = arith.addi %rem3A_85, %add3A_392 : vector<16xi32>
        %add3A_394 = arith.constant 16 : i32
        %add3A_395 = vector.broadcast %add3A_394 : i32 to vector<16xi32>
        %add3A_396 = arith.addi %rem3A_91, %add3A_395 : vector<16xi32>
        %add3A_397 = arith.constant 16 : i32
        %add3A_398 = vector.broadcast %add3A_397 : i32 to vector<16xi32>
        %add3A_399 = arith.addi %rem3A_97, %add3A_398 : vector<16xi32>
        %gather3A_400 = tpu.vector_load_idx %arg6[%add3A_288, %add3A_354] : memref<256x128xf32, #tpu.memory_space<vmem>>[vector<16xi32>, vector<16xi32>], vector<16xf32>,
        %gather3A_401 = tpu.vector_load_idx %arg6[%add3A_288, %add3A_357] : memref<256x128xf32, #tpu.memory_space<vmem>>[vector<16xi32>, vector<16xi32>], vector<16xf32>,
        %gather3A_402 = tpu.vector_load_idx %arg6[%add3A_288, %add3A_360] : memref<256x128xf32, #tpu.memory_space<vmem>>[vector<16xi32>, vector<16xi32>], vector<16xf32>,
        %gather3A_403 = tpu.vector_load_idx %arg6[%add3A_288, %add3A_363] : memref<256x128xf32, #tpu.memory_space<vmem>>[vector<16xi32>, vector<16xi32>], vector<16xf32>,
        %gather3A_404 = tpu.vector_load_idx %arg6[%add3A_288, %add3A_366] : memref<256x128xf32, #tpu.memory_space<vmem>>[vector<16xi32>, vector<16xi32>], vector<16xf32>,
        %gather3A_405 = tpu.vector_load_idx %arg6[%add3A_288, %add3A_369] : memref<256x128xf32, #tpu.memory_space<vmem>>[vector<16xi32>, vector<16xi32>], vector<16xf32>,
        %gather3A_406 = tpu.vector_load_idx %arg6[%add3A_288, %add3A_372] : memref<256x128xf32, #tpu.memory_space<vmem>>[vector<16xi32>, vector<16xi32>], vector<16xf32>,
        %gather3A_407 = tpu.vector_load_idx %arg6[%add3A_288, %add3A_375] : memref<256x128xf32, #tpu.memory_space<vmem>>[vector<16xi32>, vector<16xi32>], vector<16xf32>,
        %gather3A_408 = tpu.vector_load_idx %arg6[%add3A_288, %add3A_378] : memref<256x128xf32, #tpu.memory_space<vmem>>[vector<16xi32>, vector<16xi32>], vector<16xf32>,
        %gather3A_409 = tpu.vector_load_idx %arg6[%add3A_288, %add3A_381] : memref<256x128xf32, #tpu.memory_space<vmem>>[vector<16xi32>, vector<16xi32>], vector<16xf32>,
        %gather3A_410 = tpu.vector_load_idx %arg6[%add3A_288, %add3A_384] : memref<256x128xf32, #tpu.memory_space<vmem>>[vector<16xi32>, vector<16xi32>], vector<16xf32>,
        %gather3A_411 = tpu.vector_load_idx %arg6[%add3A_288, %add3A_387] : memref<256x128xf32, #tpu.memory_space<vmem>>[vector<16xi32>, vector<16xi32>], vector<16xf32>,
        %gather3A_412 = tpu.vector_load_idx %arg6[%add3A_288, %add3A_390] : memref<256x128xf32, #tpu.memory_space<vmem>>[vector<16xi32>, vector<16xi32>], vector<16xf32>,
        %gather3A_413 = tpu.vector_load_idx %arg6[%add3A_288, %add3A_393] : memref<256x128xf32, #tpu.memory_space<vmem>>[vector<16xi32>, vector<16xi32>], vector<16xf32>,
        %gather3A_414 = tpu.vector_load_idx %arg6[%add3A_288, %add3A_396] : memref<256x128xf32, #tpu.memory_space<vmem>>[vector<16xi32>, vector<16xi32>], vector<16xf32>,
        %gather3A_415 = tpu.vector_load_idx %arg6[%add3A_288, %add3A_399] : memref<256x128xf32, #tpu.memory_space<vmem>>[vector<16xi32>, vector<16xi32>], vector<16xf32>,
        tpu.vector_store_idx %arg8[%add3A_354, %add3A_288], %gather3A_400 : memref<64x256xf32, #tpu.memory_space<vmem>>[vector<16xi32>, vector<16xi32>], vector<16xf32>,
        tpu.vector_store_idx %arg8[%add3A_357, %add3A_288], %gather3A_401 : memref<64x256xf32, #tpu.memory_space<vmem>>[vector<16xi32>, vector<16xi32>], vector<16xf32>,
        tpu.vector_store_idx %arg8[%add3A_360, %add3A_288], %gather3A_402 : memref<64x256xf32, #tpu.memory_space<vmem>>[vector<16xi32>, vector<16xi32>], vector<16xf32>,
        tpu.vector_store_idx %arg8[%add3A_363, %add3A_288], %gather3A_403 : memref<64x256xf32, #tpu.memory_space<vmem>>[vector<16xi32>, vector<16xi32>], vector<16xf32>,
        tpu.vector_store_idx %arg8[%add3A_366, %add3A_288], %gather3A_404 : memref<64x256xf32, #tpu.memory_space<vmem>>[vector<16xi32>, vector<16xi32>], vector<16xf32>,
        tpu.vector_store_idx %arg8[%add3A_369, %add3A_288], %gather3A_405 : memref<64x256xf32, #tpu.memory_space<vmem>>[vector<16xi32>, vector<16xi32>], vector<16xf32>,
        tpu.vector_store_idx %arg8[%add3A_372, %add3A_288], %gather3A_406 : memref<64x256xf32, #tpu.memory_space<vmem>>[vector<16xi32>, vector<16xi32>], vector<16xf32>,
        tpu.vector_store_idx %arg8[%add3A_375, %add3A_288], %gather3A_407 : memref<64x256xf32, #tpu.memory_space<vmem>>[vector<16xi32>, vector<16xi32>], vector<16xf32>,
        tpu.vector_store_idx %arg8[%add3A_378, %add3A_288], %gather3A_408 : memref<64x256xf32, #tpu.memory_space<vmem>>[vector<16xi32>, vector<16xi32>], vector<16xf32>,
        tpu.vector_store_idx %arg8[%add3A_381, %add3A_288], %gather3A_409 : memref<64x256xf32, #tpu.memory_space<vmem>>[vector<16xi32>, vector<16xi32>], vector<16xf32>,
        tpu.vector_store_idx %arg8[%add3A_384, %add3A_288], %gather3A_410 : memref<64x256xf32, #tpu.memory_space<vmem>>[vector<16xi32>, vector<16xi32>], vector<16xf32>,
        tpu.vector_store_idx %arg8[%add3A_387, %add3A_288], %gather3A_411 : memref<64x256xf32, #tpu.memory_space<vmem>>[vector<16xi32>, vector<16xi32>], vector<16xf32>,
        tpu.vector_store_idx %arg8[%add3A_390, %add3A_288], %gather3A_412 : memref<64x256xf32, #tpu.memory_space<vmem>>[vector<16xi32>, vector<16xi32>], vector<16xf32>,
        tpu.vector_store_idx %arg8[%add3A_393, %add3A_288], %gather3A_413 : memref<64x256xf32, #tpu.memory_space<vmem>>[vector<16xi32>, vector<16xi32>], vector<16xf32>,
        tpu.vector_store_idx %arg8[%add3A_396, %add3A_288], %gather3A_414 : memref<64x256xf32, #tpu.memory_space<vmem>>[vector<16xi32>, vector<16xi32>], vector<16xf32>,
        tpu.vector_store_idx %arg8[%add3A_399, %add3A_288], %gather3A_415 : memref<64x256xf32, #tpu.memory_space<vmem>>[vector<16xi32>, vector<16xi32>], vector<16xf32>,
        %add3A_416 = arith.constant 32 : i32
        %add3A_417 = vector.broadcast %add3A_416 : i32 to vector<16xi32>
        %add3A_418 = arith.addi %rem3A_7, %add3A_417 : vector<16xi32>
        %add3A_419 = arith.constant 32 : i32
        %add3A_420 = vector.broadcast %add3A_419 : i32 to vector<16xi32>
        %add3A_421 = arith.addi %rem3A_13, %add3A_420 : vector<16xi32>
        %add3A_422 = arith.constant 32 : i32
        %add3A_423 = vector.broadcast %add3A_422 : i32 to vector<16xi32>
        %add3A_424 = arith.addi %rem3A_19, %add3A_423 : vector<16xi32>
        %add3A_425 = arith.constant 32 : i32
        %add3A_426 = vector.broadcast %add3A_425 : i32 to vector<16xi32>
        %add3A_427 = arith.addi %rem3A_25, %add3A_426 : vector<16xi32>
        %add3A_428 = arith.constant 32 : i32
        %add3A_429 = vector.broadcast %add3A_428 : i32 to vector<16xi32>
        %add3A_430 = arith.addi %rem3A_31, %add3A_429 : vector<16xi32>
        %add3A_431 = arith.constant 32 : i32
        %add3A_432 = vector.broadcast %add3A_431 : i32 to vector<16xi32>
        %add3A_433 = arith.addi %rem3A_37, %add3A_432 : vector<16xi32>
        %add3A_434 = arith.constant 32 : i32
        %add3A_435 = vector.broadcast %add3A_434 : i32 to vector<16xi32>
        %add3A_436 = arith.addi %rem3A_43, %add3A_435 : vector<16xi32>
        %add3A_437 = arith.constant 32 : i32
        %add3A_438 = vector.broadcast %add3A_437 : i32 to vector<16xi32>
        %add3A_439 = arith.addi %rem3A_49, %add3A_438 : vector<16xi32>
        %add3A_440 = arith.constant 32 : i32
        %add3A_441 = vector.broadcast %add3A_440 : i32 to vector<16xi32>
        %add3A_442 = arith.addi %rem3A_55, %add3A_441 : vector<16xi32>
        %add3A_443 = arith.constant 32 : i32
        %add3A_444 = vector.broadcast %add3A_443 : i32 to vector<16xi32>
        %add3A_445 = arith.addi %rem3A_61, %add3A_444 : vector<16xi32>
        %add3A_446 = arith.constant 32 : i32
        %add3A_447 = vector.broadcast %add3A_446 : i32 to vector<16xi32>
        %add3A_448 = arith.addi %rem3A_67, %add3A_447 : vector<16xi32>
        %add3A_449 = arith.constant 32 : i32
        %add3A_450 = vector.broadcast %add3A_449 : i32 to vector<16xi32>
        %add3A_451 = arith.addi %rem3A_73, %add3A_450 : vector<16xi32>
        %add3A_452 = arith.constant 32 : i32
        %add3A_453 = vector.broadcast %add3A_452 : i32 to vector<16xi32>
        %add3A_454 = arith.addi %rem3A_79, %add3A_453 : vector<16xi32>
        %add3A_455 = arith.constant 32 : i32
        %add3A_456 = vector.broadcast %add3A_455 : i32 to vector<16xi32>
        %add3A_457 = arith.addi %rem3A_85, %add3A_456 : vector<16xi32>
        %add3A_458 = arith.constant 32 : i32
        %add3A_459 = vector.broadcast %add3A_458 : i32 to vector<16xi32>
        %add3A_460 = arith.addi %rem3A_91, %add3A_459 : vector<16xi32>
        %add3A_461 = arith.constant 32 : i32
        %add3A_462 = vector.broadcast %add3A_461 : i32 to vector<16xi32>
        %add3A_463 = arith.addi %rem3A_97, %add3A_462 : vector<16xi32>
        %gather3A_464 = tpu.vector_load_idx %arg6[%add3A_288, %add3A_418] : memref<256x128xf32, #tpu.memory_space<vmem>>[vector<16xi32>, vector<16xi32>], vector<16xf32>,
        %gather3A_465 = tpu.vector_load_idx %arg6[%add3A_288, %add3A_421] : memref<256x128xf32, #tpu.memory_space<vmem>>[vector<16xi32>, vector<16xi32>], vector<16xf32>,
        %gather3A_466 = tpu.vector_load_idx %arg6[%add3A_288, %add3A_424] : memref<256x128xf32, #tpu.memory_space<vmem>>[vector<16xi32>, vector<16xi32>], vector<16xf32>,
        %gather3A_467 = tpu.vector_load_idx %arg6[%add3A_288, %add3A_427] : memref<256x128xf32, #tpu.memory_space<vmem>>[vector<16xi32>, vector<16xi32>], vector<16xf32>,
        %gather3A_468 = tpu.vector_load_idx %arg6[%add3A_288, %add3A_430] : memref<256x128xf32, #tpu.memory_space<vmem>>[vector<16xi32>, vector<16xi32>], vector<16xf32>,
        %gather3A_469 = tpu.vector_load_idx %arg6[%add3A_288, %add3A_433] : memref<256x128xf32, #tpu.memory_space<vmem>>[vector<16xi32>, vector<16xi32>], vector<16xf32>,
        %gather3A_470 = tpu.vector_load_idx %arg6[%add3A_288, %add3A_436] : memref<256x128xf32, #tpu.memory_space<vmem>>[vector<16xi32>, vector<16xi32>], vector<16xf32>,
        %gather3A_471 = tpu.vector_load_idx %arg6[%add3A_288, %add3A_439] : memref<256x128xf32, #tpu.memory_space<vmem>>[vector<16xi32>, vector<16xi32>], vector<16xf32>,
        %gather3A_472 = tpu.vector_load_idx %arg6[%add3A_288, %add3A_442] : memref<256x128xf32, #tpu.memory_space<vmem>>[vector<16xi32>, vector<16xi32>], vector<16xf32>,
        %gather3A_473 = tpu.vector_load_idx %arg6[%add3A_288, %add3A_445] : memref<256x128xf32, #tpu.memory_space<vmem>>[vector<16xi32>, vector<16xi32>], vector<16xf32>,
        %gather3A_474 = tpu.vector_load_idx %arg6[%add3A_288, %add3A_448] : memref<256x128xf32, #tpu.memory_space<vmem>>[vector<16xi32>, vector<16xi32>], vector<16xf32>,
        %gather3A_475 = tpu.vector_load_idx %arg6[%add3A_288, %add3A_451] : memref<256x128xf32, #tpu.memory_space<vmem>>[vector<16xi32>, vector<16xi32>], vector<16xf32>,
        %gather3A_476 = tpu.vector_load_idx %arg6[%add3A_288, %add3A_454] : memref<256x128xf32, #tpu.memory_space<vmem>>[vector<16xi32>, vector<16xi32>], vector<16xf32>,
        %gather3A_477 = tpu.vector_load_idx %arg6[%add3A_288, %add3A_457] : memref<256x128xf32, #tpu.memory_space<vmem>>[vector<16xi32>, vector<16xi32>], vector<16xf32>,
        %gather3A_478 = tpu.vector_load_idx %arg6[%add3A_288, %add3A_460] : memref<256x128xf32, #tpu.memory_space<vmem>>[vector<16xi32>, vector<16xi32>], vector<16xf32>,
        %gather3A_479 = tpu.vector_load_idx %arg6[%add3A_288, %add3A_463] : memref<256x128xf32, #tpu.memory_space<vmem>>[vector<16xi32>, vector<16xi32>], vector<16xf32>,
        tpu.vector_store_idx %arg8[%add3A_418, %add3A_288], %gather3A_464 : memref<64x256xf32, #tpu.memory_space<vmem>>[vector<16xi32>, vector<16xi32>], vector<16xf32>,
        tpu.vector_store_idx %arg8[%add3A_421, %add3A_288], %gather3A_465 : memref<64x256xf32, #tpu.memory_space<vmem>>[vector<16xi32>, vector<16xi32>], vector<16xf32>,
        tpu.vector_store_idx %arg8[%add3A_424, %add3A_288], %gather3A_466 : memref<64x256xf32, #tpu.memory_space<vmem>>[vector<16xi32>, vector<16xi32>], vector<16xf32>,
        tpu.vector_store_idx %arg8[%add3A_427, %add3A_288], %gather3A_467 : memref<64x256xf32, #tpu.memory_space<vmem>>[vector<16xi32>, vector<16xi32>], vector<16xf32>,
        tpu.vector_store_idx %arg8[%add3A_430, %add3A_288], %gather3A_468 : memref<64x256xf32, #tpu.memory_space<vmem>>[vector<16xi32>, vector<16xi32>], vector<16xf32>,
        tpu.vector_store_idx %arg8[%add3A_433, %add3A_288], %gather3A_469 : memref<64x256xf32, #tpu.memory_space<vmem>>[vector<16xi32>, vector<16xi32>], vector<16xf32>,
        tpu.vector_store_idx %arg8[%add3A_436, %add3A_288], %gather3A_470 : memref<64x256xf32, #tpu.memory_space<vmem>>[vector<16xi32>, vector<16xi32>], vector<16xf32>,
        tpu.vector_store_idx %arg8[%add3A_439, %add3A_288], %gather3A_471 : memref<64x256xf32, #tpu.memory_space<vmem>>[vector<16xi32>, vector<16xi32>], vector<16xf32>,
        tpu.vector_store_idx %arg8[%add3A_442, %add3A_288], %gather3A_472 : memref<64x256xf32, #tpu.memory_space<vmem>>[vector<16xi32>, vector<16xi32>], vector<16xf32>,
        tpu.vector_store_idx %arg8[%add3A_445, %add3A_288], %gather3A_473 : memref<64x256xf32, #tpu.memory_space<vmem>>[vector<16xi32>, vector<16xi32>], vector<16xf32>,
        tpu.vector_store_idx %arg8[%add3A_448, %add3A_288], %gather3A_474 : memref<64x256xf32, #tpu.memory_space<vmem>>[vector<16xi32>, vector<16xi32>], vector<16xf32>,
        tpu.vector_store_idx %arg8[%add3A_451, %add3A_288], %gather3A_475 : memref<64x256xf32, #tpu.memory_space<vmem>>[vector<16xi32>, vector<16xi32>], vector<16xf32>,
        tpu.vector_store_idx %arg8[%add3A_454, %add3A_288], %gather3A_476 : memref<64x256xf32, #tpu.memory_space<vmem>>[vector<16xi32>, vector<16xi32>], vector<16xf32>,
        tpu.vector_store_idx %arg8[%add3A_457, %add3A_288], %gather3A_477 : memref<64x256xf32, #tpu.memory_space<vmem>>[vector<16xi32>, vector<16xi32>], vector<16xf32>,
        tpu.vector_store_idx %arg8[%add3A_460, %add3A_288], %gather3A_478 : memref<64x256xf32, #tpu.memory_space<vmem>>[vector<16xi32>, vector<16xi32>], vector<16xf32>,
        tpu.vector_store_idx %arg8[%add3A_463, %add3A_288], %gather3A_479 : memref<64x256xf32, #tpu.memory_space<vmem>>[vector<16xi32>, vector<16xi32>], vector<16xf32>,
        %add3A_480 = arith.constant 48 : i32
        %add3A_481 = vector.broadcast %add3A_480 : i32 to vector<16xi32>
        %add3A_482 = arith.addi %rem3A_7, %add3A_481 : vector<16xi32>
        %add3A_483 = arith.constant 48 : i32
        %add3A_484 = vector.broadcast %add3A_483 : i32 to vector<16xi32>
        %add3A_485 = arith.addi %rem3A_13, %add3A_484 : vector<16xi32>
        %add3A_486 = arith.constant 48 : i32
        %add3A_487 = vector.broadcast %add3A_486 : i32 to vector<16xi32>
        %add3A_488 = arith.addi %rem3A_19, %add3A_487 : vector<16xi32>
        %add3A_489 = arith.constant 48 : i32
        %add3A_490 = vector.broadcast %add3A_489 : i32 to vector<16xi32>
        %add3A_491 = arith.addi %rem3A_25, %add3A_490 : vector<16xi32>
        %add3A_492 = arith.constant 48 : i32
        %add3A_493 = vector.broadcast %add3A_492 : i32 to vector<16xi32>
        %add3A_494 = arith.addi %rem3A_31, %add3A_493 : vector<16xi32>
        %add3A_495 = arith.constant 48 : i32
        %add3A_496 = vector.broadcast %add3A_495 : i32 to vector<16xi32>
        %add3A_497 = arith.addi %rem3A_37, %add3A_496 : vector<16xi32>
        %add3A_498 = arith.constant 48 : i32
        %add3A_499 = vector.broadcast %add3A_498 : i32 to vector<16xi32>
        %add3A_500 = arith.addi %rem3A_43, %add3A_499 : vector<16xi32>
        %add3A_501 = arith.constant 48 : i32
        %add3A_502 = vector.broadcast %add3A_501 : i32 to vector<16xi32>
        %add3A_503 = arith.addi %rem3A_49, %add3A_502 : vector<16xi32>
        %add3A_504 = arith.constant 48 : i32
        %add3A_505 = vector.broadcast %add3A_504 : i32 to vector<16xi32>
        %add3A_506 = arith.addi %rem3A_55, %add3A_505 : vector<16xi32>
        %add3A_507 = arith.constant 48 : i32
        %add3A_508 = vector.broadcast %add3A_507 : i32 to vector<16xi32>
        %add3A_509 = arith.addi %rem3A_61, %add3A_508 : vector<16xi32>
        %add3A_510 = arith.constant 48 : i32
        %add3A_511 = vector.broadcast %add3A_510 : i32 to vector<16xi32>
        %add3A_512 = arith.addi %rem3A_67, %add3A_511 : vector<16xi32>
        %add3A_513 = arith.constant 48 : i32
        %add3A_514 = vector.broadcast %add3A_513 : i32 to vector<16xi32>
        %add3A_515 = arith.addi %rem3A_73, %add3A_514 : vector<16xi32>
        %add3A_516 = arith.constant 48 : i32
        %add3A_517 = vector.broadcast %add3A_516 : i32 to vector<16xi32>
        %add3A_518 = arith.addi %rem3A_79, %add3A_517 : vector<16xi32>
        %add3A_519 = arith.constant 48 : i32
        %add3A_520 = vector.broadcast %add3A_519 : i32 to vector<16xi32>
        %add3A_521 = arith.addi %rem3A_85, %add3A_520 : vector<16xi32>
        %add3A_522 = arith.constant 48 : i32
        %add3A_523 = vector.broadcast %add3A_522 : i32 to vector<16xi32>
        %add3A_524 = arith.addi %rem3A_91, %add3A_523 : vector<16xi32>
        %add3A_525 = arith.constant 48 : i32
        %add3A_526 = vector.broadcast %add3A_525 : i32 to vector<16xi32>
        %add3A_527 = arith.addi %rem3A_97, %add3A_526 : vector<16xi32>
        %gather3A_528 = tpu.vector_load_idx %arg6[%add3A_288, %add3A_482] : memref<256x128xf32, #tpu.memory_space<vmem>>[vector<16xi32>, vector<16xi32>], vector<16xf32>,
        %gather3A_529 = tpu.vector_load_idx %arg6[%add3A_288, %add3A_485] : memref<256x128xf32, #tpu.memory_space<vmem>>[vector<16xi32>, vector<16xi32>], vector<16xf32>,
        %gather3A_530 = tpu.vector_load_idx %arg6[%add3A_288, %add3A_488] : memref<256x128xf32, #tpu.memory_space<vmem>>[vector<16xi32>, vector<16xi32>], vector<16xf32>,
        %gather3A_531 = tpu.vector_load_idx %arg6[%add3A_288, %add3A_491] : memref<256x128xf32, #tpu.memory_space<vmem>>[vector<16xi32>, vector<16xi32>], vector<16xf32>,
        %gather3A_532 = tpu.vector_load_idx %arg6[%add3A_288, %add3A_494] : memref<256x128xf32, #tpu.memory_space<vmem>>[vector<16xi32>, vector<16xi32>], vector<16xf32>,
        %gather3A_533 = tpu.vector_load_idx %arg6[%add3A_288, %add3A_497] : memref<256x128xf32, #tpu.memory_space<vmem>>[vector<16xi32>, vector<16xi32>], vector<16xf32>,
        %gather3A_534 = tpu.vector_load_idx %arg6[%add3A_288, %add3A_500] : memref<256x128xf32, #tpu.memory_space<vmem>>[vector<16xi32>, vector<16xi32>], vector<16xf32>,
        %gather3A_535 = tpu.vector_load_idx %arg6[%add3A_288, %add3A_503] : memref<256x128xf32, #tpu.memory_space<vmem>>[vector<16xi32>, vector<16xi32>], vector<16xf32>,
        %gather3A_536 = tpu.vector_load_idx %arg6[%add3A_288, %add3A_506] : memref<256x128xf32, #tpu.memory_space<vmem>>[vector<16xi32>, vector<16xi32>], vector<16xf32>,
        %gather3A_537 = tpu.vector_load_idx %arg6[%add3A_288, %add3A_509] : memref<256x128xf32, #tpu.memory_space<vmem>>[vector<16xi32>, vector<16xi32>], vector<16xf32>,
        %gather3A_538 = tpu.vector_load_idx %arg6[%add3A_288, %add3A_512] : memref<256x128xf32, #tpu.memory_space<vmem>>[vector<16xi32>, vector<16xi32>], vector<16xf32>,
        %gather3A_539 = tpu.vector_load_idx %arg6[%add3A_288, %add3A_515] : memref<256x128xf32, #tpu.memory_space<vmem>>[vector<16xi32>, vector<16xi32>], vector<16xf32>,
        %gather3A_540 = tpu.vector_load_idx %arg6[%add3A_288, %add3A_518] : memref<256x128xf32, #tpu.memory_space<vmem>>[vector<16xi32>, vector<16xi32>], vector<16xf32>,
        %gather3A_541 = tpu.vector_load_idx %arg6[%add3A_288, %add3A_521] : memref<256x128xf32, #tpu.memory_space<vmem>>[vector<16xi32>, vector<16xi32>], vector<16xf32>,
        %gather3A_542 = tpu.vector_load_idx %arg6[%add3A_288, %add3A_524] : memref<256x128xf32, #tpu.memory_space<vmem>>[vector<16xi32>, vector<16xi32>], vector<16xf32>,
        %gather3A_543 = tpu.vector_load_idx %arg6[%add3A_288, %add3A_527] : memref<256x128xf32, #tpu.memory_space<vmem>>[vector<16xi32>, vector<16xi32>], vector<16xf32>,
        tpu.vector_store_idx %arg8[%add3A_482, %add3A_288], %gather3A_528 : memref<64x256xf32, #tpu.memory_space<vmem>>[vector<16xi32>, vector<16xi32>], vector<16xf32>,
        tpu.vector_store_idx %arg8[%add3A_485, %add3A_288], %gather3A_529 : memref<64x256xf32, #tpu.memory_space<vmem>>[vector<16xi32>, vector<16xi32>], vector<16xf32>,
        tpu.vector_store_idx %arg8[%add3A_488, %add3A_288], %gather3A_530 : memref<64x256xf32, #tpu.memory_space<vmem>>[vector<16xi32>, vector<16xi32>], vector<16xf32>,
        tpu.vector_store_idx %arg8[%add3A_491, %add3A_288], %gather3A_531 : memref<64x256xf32, #tpu.memory_space<vmem>>[vector<16xi32>, vector<16xi32>], vector<16xf32>,
        tpu.vector_store_idx %arg8[%add3A_494, %add3A_288], %gather3A_532 : memref<64x256xf32, #tpu.memory_space<vmem>>[vector<16xi32>, vector<16xi32>], vector<16xf32>,
        tpu.vector_store_idx %arg8[%add3A_497, %add3A_288], %gather3A_533 : memref<64x256xf32, #tpu.memory_space<vmem>>[vector<16xi32>, vector<16xi32>], vector<16xf32>,
        tpu.vector_store_idx %arg8[%add3A_500, %add3A_288], %gather3A_534 : memref<64x256xf32, #tpu.memory_space<vmem>>[vector<16xi32>, vector<16xi32>], vector<16xf32>,
        tpu.vector_store_idx %arg8[%add3A_503, %add3A_288], %gather3A_535 : memref<64x256xf32, #tpu.memory_space<vmem>>[vector<16xi32>, vector<16xi32>], vector<16xf32>,
        tpu.vector_store_idx %arg8[%add3A_506, %add3A_288], %gather3A_536 : memref<64x256xf32, #tpu.memory_space<vmem>>[vector<16xi32>, vector<16xi32>], vector<16xf32>,
        tpu.vector_store_idx %arg8[%add3A_509, %add3A_288], %gather3A_537 : memref<64x256xf32, #tpu.memory_space<vmem>>[vector<16xi32>, vector<16xi32>], vector<16xf32>,
        tpu.vector_store_idx %arg8[%add3A_512, %add3A_288], %gather3A_538 : memref<64x256xf32, #tpu.memory_space<vmem>>[vector<16xi32>, vector<16xi32>], vector<16xf32>,
        tpu.vector_store_idx %arg8[%add3A_515, %add3A_288], %gather3A_539 : memref<64x256xf32, #tpu.memory_space<vmem>>[vector<16xi32>, vector<16xi32>], vector<16xf32>,
        tpu.vector_store_idx %arg8[%add3A_518, %add3A_288], %gather3A_540 : memref<64x256xf32, #tpu.memory_space<vmem>>[vector<16xi32>, vector<16xi32>], vector<16xf32>,
        tpu.vector_store_idx %arg8[%add3A_521, %add3A_288], %gather3A_541 : memref<64x256xf32, #tpu.memory_space<vmem>>[vector<16xi32>, vector<16xi32>], vector<16xf32>,
        tpu.vector_store_idx %arg8[%add3A_524, %add3A_288], %gather3A_542 : memref<64x256xf32, #tpu.memory_space<vmem>>[vector<16xi32>, vector<16xi32>], vector<16xf32>,
        tpu.vector_store_idx %arg8[%add3A_527, %add3A_288], %gather3A_543 : memref<64x256xf32, #tpu.memory_space<vmem>>[vector<16xi32>, vector<16xi32>], vector<16xf32>,
      }
      %scan3A_206 = arith.constant 16 : i32
      %add3A_207 = arith.addi %mul3A_2, %mul3A_201 : i32
      %dma_start3A_208 = arith.constant 0 : i32
      %dma_start3A_209 = arith.constant 0 : i32
      %dma_start3A_210 = tpu.memref_slice %arg4[%rem3A_197, %dma_start3A_208, %dma_start3A_209] : memref<26x64x16384xf32, #tpu.memory_space<hbm>> -> memref<1x64x16384xf32, #tpu.memory_space<hbm>>
      %dma_start3A_211 = tpu.memref_squeeze %dma_start3A_210 : memref<1x64x16384xf32, #tpu.memory_space<hbm>> -> memref<64x16384xf32, #tpu.memory_space<hbm>>
      %dma_start3A_212 = arith.constant 0 : i32
      %dma_start3A_213 = tpu.memref_slice %dma_start3A_211[%dma_start3A_212, %add3A_207] : memref<64x16384xf32, #tpu.memory_space<hbm>> -> memref<64x256xf32, #tpu.memory_space<hbm>>
      %dma_start3A_214 = arith.constant 0 : i32
      %dma_start3A_215 = arith.constant 0 : i32
      %dma_start3A_216 = tpu.memref_slice %arg4[%rem3A_197, %dma_start3A_214, %dma_start3A_215] : memref<26x64x16384xf32, #tpu.memory_space<hbm>> -> memref<1x64x16384xf32, #tpu.memory_space<hbm>>
      %dma_start3A_217 = tpu.memref_squeeze %dma_start3A_216 : memref<1x64x16384xf32, #tpu.memory_space<hbm>> -> memref<64x16384xf32, #tpu.memory_space<hbm>>
      %dma_start3A_218 = arith.constant 0 : i32
      %dma_start3A_219 = tpu.memref_slice %dma_start3A_217[%dma_start3A_218, %add3A_207] : memref<64x16384xf32, #tpu.memory_space<hbm>> -> memref<64x256xf32, #tpu.memory_space<hbm>>
      tpu.enqueue_dma source(%arg8 : memref<64x256xf32, #tpu.memory_space<vmem>>) target(%dma_start3A_219 : memref<64x256xf32, #tpu.memory_space<hbm>>) target_semaphore(%arg11 : memref<!tpu.dma_semaphore, #tpu.memory_space<semaphore_mem>>)
      %add3A_220 = arith.constant 1 : i32
      %add3A_221 = arith.addi %add3A_161, %add3A_220 : i32
      %add3A_222 = arith.constant 1 : i32
      %add3A_223 = arith.addi %add3A_221, %add3A_222 : i32
      %lt3A_224 = arith.constant 52 : i32
      %lt3A_225 = arith.cmpi slt, %add3A_223, %lt3A_224 : i32
      %convert_element_type3A_226 = arith.extui %lt3A_225 : i1 to i32
      %cond3A_227 = arith.constant 0 : i32
      %cond3A_228 = arith.cmpi ne, %convert_element_type3A_226, %cond3A_227 : i32
      scf.if %cond3A_228 {
        %add3A_282 = arith.constant 1 : i32
        %add3A_283 = arith.addi %add3A_221, %add3A_282 : i32
        %rem3A_284 = arith.constant 26 : i32
        %rem3A_285 = arith.remsi %add3A_283, %rem3A_284 : i32
        %div3A_286 = arith.constant 26 : i32
        %div3A_287 = arith.divsi %add3A_283, %div3A_286 : i32
        %mul3A_288 = arith.constant 256 : i32
        %mul3A_289 = arith.muli %div3A_287, %mul3A_288 : i32
        %add3A_290 = arith.constant 0 : i32
        %add3A_291 = arith.addi %mul3A_289, %add3A_290 : i32
        %dma_start3A_292 = arith.constant 0 : i32
        %dma_start3A_293 = arith.constant 0 : i32
        %dma_start3A_294 = tpu.memref_slice %arg6[%dma_start3A_292, %dma_start3A_293] : memref<256x128xf32, #tpu.memory_space<vmem>> -> memref<128x128xf32, #tpu.memory_space<vmem>>
        %dma_start3A_295 = arith.constant 0 : i32
        %dma_start3A_296 = tpu.memref_slice %arg5[%rem3A_285, %dma_start3A_295] : memref<26x512xi32, #tpu.memory_space<vmem>> -> memref<1x512xi32, #tpu.memory_space<vmem>>
        %dma_start3A_297 = tpu.memref_squeeze %dma_start3A_296 : memref<1x512xi32, #tpu.memory_space<vmem>> -> memref<512xi32, #tpu.memory_space<vmem>>
        %dma_start3A_298 = tpu.memref_slice %dma_start3A_297[%add3A_291] : memref<512xi32, #tpu.memory_space<vmem>> -> memref<128xi32, #tpu.memory_space<vmem>>
        %dma_start3A_299 = arith.constant 0 : i32
        %dma_start3A_300 = arith.constant 0 : i32
        %dma_start3A_301 = tpu.memref_slice %arg2[%dma_start3A_299, %dma_start3A_300] : memref<1000000x128xf32, #tpu.memory_space<hbm>> -> memref<1000000x128xf32, #tpu.memory_space<hbm>>
        tpu.enqueue_indirect_dma source(%dma_start3A_301 : memref<1000000x128xf32, #tpu.memory_space<hbm>>) target(%dma_start3A_294 : memref<128x128xf32, #tpu.memory_space<vmem>>) offsets(%dma_start3A_298 : memref<128xi32, #tpu.memory_space<vmem>>) semaphore(%arg10 : memref<!tpu.dma_semaphore, #tpu.memory_space<semaphore_mem>>)
        %add3A_302 = arith.constant 128 : i32
        %add3A_303 = arith.addi %mul3A_289, %add3A_302 : i32
        %dma_start3A_304 = arith.constant 128 : i32
        %dma_start3A_305 = arith.constant 0 : i32
        %dma_start3A_306 = tpu.memref_slice %arg6[%dma_start3A_304, %dma_start3A_305] : memref<256x128xf32, #tpu.memory_space<vmem>> -> memref<128x128xf32, #tpu.memory_space<vmem>>
        %dma_start3A_307 = arith.constant 0 : i32
        %dma_start3A_308 = tpu.memref_slice %arg5[%rem3A_285, %dma_start3A_307] : memref<26x512xi32, #tpu.memory_space<vmem>> -> memref<1x512xi32, #tpu.memory_space<vmem>>
        %dma_start3A_309 = tpu.memref_squeeze %dma_start3A_308 : memref<1x512xi32, #tpu.memory_space<vmem>> -> memref<512xi32, #tpu.memory_space<vmem>>
        %dma_start3A_310 = tpu.memref_slice %dma_start3A_309[%add3A_303] : memref<512xi32, #tpu.memory_space<vmem>> -> memref<128xi32, #tpu.memory_space<vmem>>
        %dma_start3A_311 = arith.constant 0 : i32
        %dma_start3A_312 = arith.constant 0 : i32
        %dma_start3A_313 = tpu.memref_slice %arg2[%dma_start3A_311, %dma_start3A_312] : memref<1000000x128xf32, #tpu.memory_space<hbm>> -> memref<1000000x128xf32, #tpu.memory_space<hbm>>
        tpu.enqueue_indirect_dma source(%dma_start3A_313 : memref<1000000x128xf32, #tpu.memory_space<hbm>>) target(%dma_start3A_306 : memref<128x128xf32, #tpu.memory_space<vmem>>) offsets(%dma_start3A_310 : memref<128xi32, #tpu.memory_space<vmem>>) semaphore(%arg10 : memref<!tpu.dma_semaphore, #tpu.memory_space<semaphore_mem>>)
      } else {
      }
      %dma_wait3A_229 = arith.constant 0 : i32
      %dma_wait3A_230 = arith.constant 0 : i32
      %dma_wait3A_231 = arith.constant 0 : i32
      %dma_wait3A_232 = tpu.memref_slice %arg6[%dma_wait3A_230, %dma_wait3A_231] : memref<256x128xf32, #tpu.memory_space<vmem>> -> memref<128x128xf32, #tpu.memory_space<vmem>>
      %dma_wait3A_233 = arith.constant 0 : i32
      %dma_wait3A_234 = tpu.memref_slice %arg5[%dma_wait3A_229, %dma_wait3A_233] : memref<26x512xi32, #tpu.memory_space<vmem>> -> memref<1x512xi32, #tpu.memory_space<vmem>>
      %dma_wait3A_235 = tpu.memref_squeeze %dma_wait3A_234 : memref<1x512xi32, #tpu.memory_space<vmem>> -> memref<512xi32, #tpu.memory_space<vmem>>
      %dma_wait3A_236 = arith.constant 0 : i32
      %dma_wait3A_237 = tpu.memref_slice %dma_wait3A_235[%dma_wait3A_236] : memref<512xi32, #tpu.memory_space<vmem>> -> memref<128xi32, #tpu.memory_space<vmem>>
      %dma_wait3A_238 = arith.constant 0 : i32
      %dma_wait3A_239 = arith.constant 0 : i32
      %dma_wait3A_240 = tpu.memref_slice %arg2[%dma_wait3A_238, %dma_wait3A_239] : memref<1000000x128xf32, #tpu.memory_space<hbm>> -> memref<1000000x128xf32, #tpu.memory_space<hbm>>
      tpu.wait_indirect_dma semaphore(%arg10 : memref<!tpu.dma_semaphore, #tpu.memory_space<semaphore_mem>>) src(%dma_wait3A_240 : memref<1000000x128xf32, #tpu.memory_space<hbm>>) dst(%dma_wait3A_232 : memref<128x128xf32, #tpu.memory_space<vmem>>)
      %dma_wait3A_241 = arith.constant 0 : i32
      %dma_wait3A_242 = arith.constant 0 : i32
      %dma_wait3A_243 = arith.constant 0 : i32
      %dma_wait3A_244 = tpu.memref_slice %arg6[%dma_wait3A_242, %dma_wait3A_243] : memref<256x128xf32, #tpu.memory_space<vmem>> -> memref<128x128xf32, #tpu.memory_space<vmem>>
      %dma_wait3A_245 = arith.constant 0 : i32
      %dma_wait3A_246 = tpu.memref_slice %arg5[%dma_wait3A_241, %dma_wait3A_245] : memref<26x512xi32, #tpu.memory_space<vmem>> -> memref<1x512xi32, #tpu.memory_space<vmem>>
      %dma_wait3A_247 = tpu.memref_squeeze %dma_wait3A_246 : memref<1x512xi32, #tpu.memory_space<vmem>> -> memref<512xi32, #tpu.memory_space<vmem>>
      %dma_wait3A_248 = arith.constant 0 : i32
      %dma_wait3A_249 = tpu.memref_slice %dma_wait3A_247[%dma_wait3A_248] : memref<512xi32, #tpu.memory_space<vmem>> -> memref<128xi32, #tpu.memory_space<vmem>>
      %dma_wait3A_250 = arith.constant 0 : i32
      %dma_wait3A_251 = arith.constant 0 : i32
      %dma_wait3A_252 = tpu.memref_slice %arg2[%dma_wait3A_250, %dma_wait3A_251] : memref<1000000x128xf32, #tpu.memory_space<hbm>> -> memref<1000000x128xf32, #tpu.memory_space<hbm>>
      tpu.wait_indirect_dma semaphore(%arg10 : memref<!tpu.dma_semaphore, #tpu.memory_space<semaphore_mem>>) src(%dma_wait3A_252 : memref<1000000x128xf32, #tpu.memory_space<hbm>>) dst(%dma_wait3A_244 : memref<128x128xf32, #tpu.memory_space<vmem>>)
      %ge3A_253 = arith.constant 2 : i32
      %ge3A_254 = arith.cmpi sge, %add3A_221, %ge3A_253 : i32
      %convert_element_type3A_255 = arith.extui %ge3A_254 : i1 to i32
      %cond3A_256 = arith.constant 0 : i32
      %cond3A_257 = arith.cmpi ne, %convert_element_type3A_255, %cond3A_256 : i32
      scf.if %cond3A_257 {
        %dma_wait3A_282 = arith.constant 0 : i32
        %dma_wait3A_283 = arith.constant 0 : i32
        %dma_wait3A_284 = arith.constant 0 : i32
        %dma_wait3A_285 = tpu.memref_slice %arg4[%dma_wait3A_282, %dma_wait3A_283, %dma_wait3A_284] : memref<26x64x16384xf32, #tpu.memory_space<hbm>> -> memref<1x64x16384xf32, #tpu.memory_space<hbm>>
        %dma_wait3A_286 = tpu.memref_squeeze %dma_wait3A_285 : memref<1x64x16384xf32, #tpu.memory_space<hbm>> -> memref<64x16384xf32, #tpu.memory_space<hbm>>
        %dma_wait3A_287 = arith.constant 0 : i32
        %dma_wait3A_288 = tpu.memref_slice %dma_wait3A_286[%dma_wait3A_287, %mul3A_2] : memref<64x16384xf32, #tpu.memory_space<hbm>> -> memref<64x256xf32, #tpu.memory_space<hbm>>
        %dma_wait3A_289 = arith.constant 0 : i32
        %dma_wait3A_290 = arith.constant 0 : i32
        %dma_wait3A_291 = tpu.memref_slice %arg4[%dma_wait3A_282, %dma_wait3A_289, %dma_wait3A_290] : memref<26x64x16384xf32, #tpu.memory_space<hbm>> -> memref<1x64x16384xf32, #tpu.memory_space<hbm>>
        %dma_wait3A_292 = tpu.memref_squeeze %dma_wait3A_291 : memref<1x64x16384xf32, #tpu.memory_space<hbm>> -> memref<64x16384xf32, #tpu.memory_space<hbm>>
        %dma_wait3A_293 = arith.constant 0 : i32
        %dma_wait3A_294 = tpu.memref_slice %dma_wait3A_292[%dma_wait3A_293, %mul3A_2] : memref<64x16384xf32, #tpu.memory_space<hbm>> -> memref<64x256xf32, #tpu.memory_space<hbm>>
        tpu.wait_dma2 semaphore(%arg11 : memref<!tpu.dma_semaphore, #tpu.memory_space<semaphore_mem>>) src(%arg8 : memref<64x256xf32, #tpu.memory_space<vmem>>) dst(%dma_wait3A_294 : memref<64x256xf32, #tpu.memory_space<hbm>>)
      } else {
      }
      %rem3A_258 = arith.constant 26 : i32
      %rem3A_259 = arith.remsi %add3A_221, %rem3A_258 : i32
      %div3A_260 = arith.constant 26 : i32
      %div3A_261 = arith.divsi %add3A_221, %div3A_260 : i32
      %mul3A_262 = arith.constant 256 : i32
      %mul3A_263 = arith.muli %div3A_261, %mul3A_262 : i32
      %scan3A_264 = arith.constant 0 : i32
      %scan3A_265 = arith.constant 16 : i32
      %scan3A_266 = arith.addi %scan3A_264, %scan3A_265 : i32
      %scan3A_267 = arith.constant 1 : i32
      scf.for %scan3A_282 = %scan3A_264 to %scan3A_266 step %scan3A_267  : i32 {
        %mul3A_283 = arith.constant 16 : i32
        %mul3A_284 = arith.muli %scan3A_282, %mul3A_283 : i32
        %add3A_285 = arith.constant 0 : i32
        %add3A_286 = arith.addi %add3A_285, %mul3A_284 : i32
        %add3A_287 = vector.broadcast %add3A_286 : i32 to vector<16xi32>
        %add3A_288 = arith.addi %iota3A, %add3A_287 : vector<16xi32>
        %add3A_289 = arith.constant 0 : i32
        %add3A_290 = vector.broadcast %add3A_289 : i32 to vector<16xi32>
        %add3A_291 = arith.addi %rem3A_7, %add3A_290 : vector<16xi32>
        %add3A_292 = arith.constant 0 : i32
        %add3A_293 = vector.broadcast %add3A_292 : i32 to vector<16xi32>
        %add3A_294 = arith.addi %rem3A_13, %add3A_293 : vector<16xi32>
        %add3A_295 = arith.constant 0 : i32
        %add3A_296 = vector.broadcast %add3A_295 : i32 to vector<16xi32>
        %add3A_297 = arith.addi %rem3A_19, %add3A_296 : vector<16xi32>
        %add3A_298 = arith.constant 0 : i32
        %add3A_299 = vector.broadcast %add3A_298 : i32 to vector<16xi32>
        %add3A_300 = arith.addi %rem3A_25, %add3A_299 : vector<16xi32>
        %add3A_301 = arith.constant 0 : i32
        %add3A_302 = vector.broadcast %add3A_301 : i32 to vector<16xi32>
        %add3A_303 = arith.addi %rem3A_31, %add3A_302 : vector<16xi32>
        %add3A_304 = arith.constant 0 : i32
        %add3A_305 = vector.broadcast %add3A_304 : i32 to vector<16xi32>
        %add3A_306 = arith.addi %rem3A_37, %add3A_305 : vector<16xi32>
        %add3A_307 = arith.constant 0 : i32
        %add3A_308 = vector.broadcast %add3A_307 : i32 to vector<16xi32>
        %add3A_309 = arith.addi %rem3A_43, %add3A_308 : vector<16xi32>
        %add3A_310 = arith.constant 0 : i32
        %add3A_311 = vector.broadcast %add3A_310 : i32 to vector<16xi32>
        %add3A_312 = arith.addi %rem3A_49, %add3A_311 : vector<16xi32>
        %add3A_313 = arith.constant 0 : i32
        %add3A_314 = vector.broadcast %add3A_313 : i32 to vector<16xi32>
        %add3A_315 = arith.addi %rem3A_55, %add3A_314 : vector<16xi32>
        %add3A_316 = arith.constant 0 : i32
        %add3A_317 = vector.broadcast %add3A_316 : i32 to vector<16xi32>
        %add3A_318 = arith.addi %rem3A_61, %add3A_317 : vector<16xi32>
        %add3A_319 = arith.constant 0 : i32
        %add3A_320 = vector.broadcast %add3A_319 : i32 to vector<16xi32>
        %add3A_321 = arith.addi %rem3A_67, %add3A_320 : vector<16xi32>
        %add3A_322 = arith.constant 0 : i32
        %add3A_323 = vector.broadcast %add3A_322 : i32 to vector<16xi32>
        %add3A_324 = arith.addi %rem3A_73, %add3A_323 : vector<16xi32>
        %add3A_325 = arith.constant 0 : i32
        %add3A_326 = vector.broadcast %add3A_325 : i32 to vector<16xi32>
        %add3A_327 = arith.addi %rem3A_79, %add3A_326 : vector<16xi32>
        %add3A_328 = arith.constant 0 : i32
        %add3A_329 = vector.broadcast %add3A_328 : i32 to vector<16xi32>
        %add3A_330 = arith.addi %rem3A_85, %add3A_329 : vector<16xi32>
        %add3A_331 = arith.constant 0 : i32
        %add3A_332 = vector.broadcast %add3A_331 : i32 to vector<16xi32>
        %add3A_333 = arith.addi %rem3A_91, %add3A_332 : vector<16xi32>
        %add3A_334 = arith.constant 0 : i32
        %add3A_335 = vector.broadcast %add3A_334 : i32 to vector<16xi32>
        %add3A_336 = arith.addi %rem3A_97, %add3A_335 : vector<16xi32>
        %gather3A = tpu.vector_load_idx %arg7[%add3A_288, %add3A_291] : memref<256x128xf32, #tpu.memory_space<vmem>>[vector<16xi32>, vector<16xi32>], vector<16xf32>,
        %gather3A_337 = tpu.vector_load_idx %arg7[%add3A_288, %add3A_294] : memref<256x128xf32, #tpu.memory_space<vmem>>[vector<16xi32>, vector<16xi32>], vector<16xf32>,
        %gather3A_338 = tpu.vector_load_idx %arg7[%add3A_288, %add3A_297] : memref<256x128xf32, #tpu.memory_space<vmem>>[vector<16xi32>, vector<16xi32>], vector<16xf32>,
        %gather3A_339 = tpu.vector_load_idx %arg7[%add3A_288, %add3A_300] : memref<256x128xf32, #tpu.memory_space<vmem>>[vector<16xi32>, vector<16xi32>], vector<16xf32>,
        %gather3A_340 = tpu.vector_load_idx %arg7[%add3A_288, %add3A_303] : memref<256x128xf32, #tpu.memory_space<vmem>>[vector<16xi32>, vector<16xi32>], vector<16xf32>,
        %gather3A_341 = tpu.vector_load_idx %arg7[%add3A_288, %add3A_306] : memref<256x128xf32, #tpu.memory_space<vmem>>[vector<16xi32>, vector<16xi32>], vector<16xf32>,
        %gather3A_342 = tpu.vector_load_idx %arg7[%add3A_288, %add3A_309] : memref<256x128xf32, #tpu.memory_space<vmem>>[vector<16xi32>, vector<16xi32>], vector<16xf32>,
        %gather3A_343 = tpu.vector_load_idx %arg7[%add3A_288, %add3A_312] : memref<256x128xf32, #tpu.memory_space<vmem>>[vector<16xi32>, vector<16xi32>], vector<16xf32>,
        %gather3A_344 = tpu.vector_load_idx %arg7[%add3A_288, %add3A_315] : memref<256x128xf32, #tpu.memory_space<vmem>>[vector<16xi32>, vector<16xi32>], vector<16xf32>,
        %gather3A_345 = tpu.vector_load_idx %arg7[%add3A_288, %add3A_318] : memref<256x128xf32, #tpu.memory_space<vmem>>[vector<16xi32>, vector<16xi32>], vector<16xf32>,
        %gather3A_346 = tpu.vector_load_idx %arg7[%add3A_288, %add3A_321] : memref<256x128xf32, #tpu.memory_space<vmem>>[vector<16xi32>, vector<16xi32>], vector<16xf32>,
        %gather3A_347 = tpu.vector_load_idx %arg7[%add3A_288, %add3A_324] : memref<256x128xf32, #tpu.memory_space<vmem>>[vector<16xi32>, vector<16xi32>], vector<16xf32>,
        %gather3A_348 = tpu.vector_load_idx %arg7[%add3A_288, %add3A_327] : memref<256x128xf32, #tpu.memory_space<vmem>>[vector<16xi32>, vector<16xi32>], vector<16xf32>,
        %gather3A_349 = tpu.vector_load_idx %arg7[%add3A_288, %add3A_330] : memref<256x128xf32, #tpu.memory_space<vmem>>[vector<16xi32>, vector<16xi32>], vector<16xf32>,
        %gather3A_350 = tpu.vector_load_idx %arg7[%add3A_288, %add3A_333] : memref<256x128xf32, #tpu.memory_space<vmem>>[vector<16xi32>, vector<16xi32>], vector<16xf32>,
        %gather3A_351 = tpu.vector_load_idx %arg7[%add3A_288, %add3A_336] : memref<256x128xf32, #tpu.memory_space<vmem>>[vector<16xi32>, vector<16xi32>], vector<16xf32>,
        tpu.vector_store_idx %arg9[%add3A_291, %add3A_288], %gather3A : memref<64x256xf32, #tpu.memory_space<vmem>>[vector<16xi32>, vector<16xi32>], vector<16xf32>,
        tpu.vector_store_idx %arg9[%add3A_294, %add3A_288], %gather3A_337 : memref<64x256xf32, #tpu.memory_space<vmem>>[vector<16xi32>, vector<16xi32>], vector<16xf32>,
        tpu.vector_store_idx %arg9[%add3A_297, %add3A_288], %gather3A_338 : memref<64x256xf32, #tpu.memory_space<vmem>>[vector<16xi32>, vector<16xi32>], vector<16xf32>,
        tpu.vector_store_idx %arg9[%add3A_300, %add3A_288], %gather3A_339 : memref<64x256xf32, #tpu.memory_space<vmem>>[vector<16xi32>, vector<16xi32>], vector<16xf32>,
        tpu.vector_store_idx %arg9[%add3A_303, %add3A_288], %gather3A_340 : memref<64x256xf32, #tpu.memory_space<vmem>>[vector<16xi32>, vector<16xi32>], vector<16xf32>,
        tpu.vector_store_idx %arg9[%add3A_306, %add3A_288], %gather3A_341 : memref<64x256xf32, #tpu.memory_space<vmem>>[vector<16xi32>, vector<16xi32>], vector<16xf32>,
        tpu.vector_store_idx %arg9[%add3A_309, %add3A_288], %gather3A_342 : memref<64x256xf32, #tpu.memory_space<vmem>>[vector<16xi32>, vector<16xi32>], vector<16xf32>,
        tpu.vector_store_idx %arg9[%add3A_312, %add3A_288], %gather3A_343 : memref<64x256xf32, #tpu.memory_space<vmem>>[vector<16xi32>, vector<16xi32>], vector<16xf32>,
        tpu.vector_store_idx %arg9[%add3A_315, %add3A_288], %gather3A_344 : memref<64x256xf32, #tpu.memory_space<vmem>>[vector<16xi32>, vector<16xi32>], vector<16xf32>,
        tpu.vector_store_idx %arg9[%add3A_318, %add3A_288], %gather3A_345 : memref<64x256xf32, #tpu.memory_space<vmem>>[vector<16xi32>, vector<16xi32>], vector<16xf32>,
        tpu.vector_store_idx %arg9[%add3A_321, %add3A_288], %gather3A_346 : memref<64x256xf32, #tpu.memory_space<vmem>>[vector<16xi32>, vector<16xi32>], vector<16xf32>,
        tpu.vector_store_idx %arg9[%add3A_324, %add3A_288], %gather3A_347 : memref<64x256xf32, #tpu.memory_space<vmem>>[vector<16xi32>, vector<16xi32>], vector<16xf32>,
        tpu.vector_store_idx %arg9[%add3A_327, %add3A_288], %gather3A_348 : memref<64x256xf32, #tpu.memory_space<vmem>>[vector<16xi32>, vector<16xi32>], vector<16xf32>,
        tpu.vector_store_idx %arg9[%add3A_330, %add3A_288], %gather3A_349 : memref<64x256xf32, #tpu.memory_space<vmem>>[vector<16xi32>, vector<16xi32>], vector<16xf32>,
        tpu.vector_store_idx %arg9[%add3A_333, %add3A_288], %gather3A_350 : memref<64x256xf32, #tpu.memory_space<vmem>>[vector<16xi32>, vector<16xi32>], vector<16xf32>,
        tpu.vector_store_idx %arg9[%add3A_336, %add3A_288], %gather3A_351 : memref<64x256xf32, #tpu.memory_space<vmem>>[vector<16xi32>, vector<16xi32>], vector<16xf32>,
        %add3A_352 = arith.constant 16 : i32
        %add3A_353 = vector.broadcast %add3A_352 : i32 to vector<16xi32>
        %add3A_354 = arith.addi %rem3A_7, %add3A_353 : vector<16xi32>
        %add3A_355 = arith.constant 16 : i32
        %add3A_356 = vector.broadcast %add3A_355 : i32 to vector<16xi32>
        %add3A_357 = arith.addi %rem3A_13, %add3A_356 : vector<16xi32>
        %add3A_358 = arith.constant 16 : i32
        %add3A_359 = vector.broadcast %add3A_358 : i32 to vector<16xi32>
        %add3A_360 = arith.addi %rem3A_19, %add3A_359 : vector<16xi32>
        %add3A_361 = arith.constant 16 : i32
        %add3A_362 = vector.broadcast %add3A_361 : i32 to vector<16xi32>
        %add3A_363 = arith.addi %rem3A_25, %add3A_362 : vector<16xi32>
        %add3A_364 = arith.constant 16 : i32
        %add3A_365 = vector.broadcast %add3A_364 : i32 to vector<16xi32>
        %add3A_366 = arith.addi %rem3A_31, %add3A_365 : vector<16xi32>
        %add3A_367 = arith.constant 16 : i32
        %add3A_368 = vector.broadcast %add3A_367 : i32 to vector<16xi32>
        %add3A_369 = arith.addi %rem3A_37, %add3A_368 : vector<16xi32>
        %add3A_370 = arith.constant 16 : i32
        %add3A_371 = vector.broadcast %add3A_370 : i32 to vector<16xi32>
        %add3A_372 = arith.addi %rem3A_43, %add3A_371 : vector<16xi32>
        %add3A_373 = arith.constant 16 : i32
        %add3A_374 = vector.broadcast %add3A_373 : i32 to vector<16xi32>
        %add3A_375 = arith.addi %rem3A_49, %add3A_374 : vector<16xi32>
        %add3A_376 = arith.constant 16 : i32
        %add3A_377 = vector.broadcast %add3A_376 : i32 to vector<16xi32>
        %add3A_378 = arith.addi %rem3A_55, %add3A_377 : vector<16xi32>
        %add3A_379 = arith.constant 16 : i32
        %add3A_380 = vector.broadcast %add3A_379 : i32 to vector<16xi32>
        %add3A_381 = arith.addi %rem3A_61, %add3A_380 : vector<16xi32>
        %add3A_382 = arith.constant 16 : i32
        %add3A_383 = vector.broadcast %add3A_382 : i32 to vector<16xi32>
        %add3A_384 = arith.addi %rem3A_67, %add3A_383 : vector<16xi32>
        %add3A_385 = arith.constant 16 : i32
        %add3A_386 = vector.broadcast %add3A_385 : i32 to vector<16xi32>
        %add3A_387 = arith.addi %rem3A_73, %add3A_386 : vector<16xi32>
        %add3A_388 = arith.constant 16 : i32
        %add3A_389 = vector.broadcast %add3A_388 : i32 to vector<16xi32>
        %add3A_390 = arith.addi %rem3A_79, %add3A_389 : vector<16xi32>
        %add3A_391 = arith.constant 16 : i32
        %add3A_392 = vector.broadcast %add3A_391 : i32 to vector<16xi32>
        %add3A_393 = arith.addi %rem3A_85, %add3A_392 : vector<16xi32>
        %add3A_394 = arith.constant 16 : i32
        %add3A_395 = vector.broadcast %add3A_394 : i32 to vector<16xi32>
        %add3A_396 = arith.addi %rem3A_91, %add3A_395 : vector<16xi32>
        %add3A_397 = arith.constant 16 : i32
        %add3A_398 = vector.broadcast %add3A_397 : i32 to vector<16xi32>
        %add3A_399 = arith.addi %rem3A_97, %add3A_398 : vector<16xi32>
        %gather3A_400 = tpu.vector_load_idx %arg7[%add3A_288, %add3A_354] : memref<256x128xf32, #tpu.memory_space<vmem>>[vector<16xi32>, vector<16xi32>], vector<16xf32>,
        %gather3A_401 = tpu.vector_load_idx %arg7[%add3A_288, %add3A_357] : memref<256x128xf32, #tpu.memory_space<vmem>>[vector<16xi32>, vector<16xi32>], vector<16xf32>,
        %gather3A_402 = tpu.vector_load_idx %arg7[%add3A_288, %add3A_360] : memref<256x128xf32, #tpu.memory_space<vmem>>[vector<16xi32>, vector<16xi32>], vector<16xf32>,
        %gather3A_403 = tpu.vector_load_idx %arg7[%add3A_288, %add3A_363] : memref<256x128xf32, #tpu.memory_space<vmem>>[vector<16xi32>, vector<16xi32>], vector<16xf32>,
        %gather3A_404 = tpu.vector_load_idx %arg7[%add3A_288, %add3A_366] : memref<256x128xf32, #tpu.memory_space<vmem>>[vector<16xi32>, vector<16xi32>], vector<16xf32>,
        %gather3A_405 = tpu.vector_load_idx %arg7[%add3A_288, %add3A_369] : memref<256x128xf32, #tpu.memory_space<vmem>>[vector<16xi32>, vector<16xi32>], vector<16xf32>,
        %gather3A_406 = tpu.vector_load_idx %arg7[%add3A_288, %add3A_372] : memref<256x128xf32, #tpu.memory_space<vmem>>[vector<16xi32>, vector<16xi32>], vector<16xf32>,
        %gather3A_407 = tpu.vector_load_idx %arg7[%add3A_288, %add3A_375] : memref<256x128xf32, #tpu.memory_space<vmem>>[vector<16xi32>, vector<16xi32>], vector<16xf32>,
        %gather3A_408 = tpu.vector_load_idx %arg7[%add3A_288, %add3A_378] : memref<256x128xf32, #tpu.memory_space<vmem>>[vector<16xi32>, vector<16xi32>], vector<16xf32>,
        %gather3A_409 = tpu.vector_load_idx %arg7[%add3A_288, %add3A_381] : memref<256x128xf32, #tpu.memory_space<vmem>>[vector<16xi32>, vector<16xi32>], vector<16xf32>,
        %gather3A_410 = tpu.vector_load_idx %arg7[%add3A_288, %add3A_384] : memref<256x128xf32, #tpu.memory_space<vmem>>[vector<16xi32>, vector<16xi32>], vector<16xf32>,
        %gather3A_411 = tpu.vector_load_idx %arg7[%add3A_288, %add3A_387] : memref<256x128xf32, #tpu.memory_space<vmem>>[vector<16xi32>, vector<16xi32>], vector<16xf32>,
        %gather3A_412 = tpu.vector_load_idx %arg7[%add3A_288, %add3A_390] : memref<256x128xf32, #tpu.memory_space<vmem>>[vector<16xi32>, vector<16xi32>], vector<16xf32>,
        %gather3A_413 = tpu.vector_load_idx %arg7[%add3A_288, %add3A_393] : memref<256x128xf32, #tpu.memory_space<vmem>>[vector<16xi32>, vector<16xi32>], vector<16xf32>,
        %gather3A_414 = tpu.vector_load_idx %arg7[%add3A_288, %add3A_396] : memref<256x128xf32, #tpu.memory_space<vmem>>[vector<16xi32>, vector<16xi32>], vector<16xf32>,
        %gather3A_415 = tpu.vector_load_idx %arg7[%add3A_288, %add3A_399] : memref<256x128xf32, #tpu.memory_space<vmem>>[vector<16xi32>, vector<16xi32>], vector<16xf32>,
        tpu.vector_store_idx %arg9[%add3A_354, %add3A_288], %gather3A_400 : memref<64x256xf32, #tpu.memory_space<vmem>>[vector<16xi32>, vector<16xi32>], vector<16xf32>,
        tpu.vector_store_idx %arg9[%add3A_357, %add3A_288], %gather3A_401 : memref<64x256xf32, #tpu.memory_space<vmem>>[vector<16xi32>, vector<16xi32>], vector<16xf32>,
        tpu.vector_store_idx %arg9[%add3A_360, %add3A_288], %gather3A_402 : memref<64x256xf32, #tpu.memory_space<vmem>>[vector<16xi32>, vector<16xi32>], vector<16xf32>,
        tpu.vector_store_idx %arg9[%add3A_363, %add3A_288], %gather3A_403 : memref<64x256xf32, #tpu.memory_space<vmem>>[vector<16xi32>, vector<16xi32>], vector<16xf32>,
        tpu.vector_store_idx %arg9[%add3A_366, %add3A_288], %gather3A_404 : memref<64x256xf32, #tpu.memory_space<vmem>>[vector<16xi32>, vector<16xi32>], vector<16xf32>,
        tpu.vector_store_idx %arg9[%add3A_369, %add3A_288], %gather3A_405 : memref<64x256xf32, #tpu.memory_space<vmem>>[vector<16xi32>, vector<16xi32>], vector<16xf32>,
        tpu.vector_store_idx %arg9[%add3A_372, %add3A_288], %gather3A_406 : memref<64x256xf32, #tpu.memory_space<vmem>>[vector<16xi32>, vector<16xi32>], vector<16xf32>,
        tpu.vector_store_idx %arg9[%add3A_375, %add3A_288], %gather3A_407 : memref<64x256xf32, #tpu.memory_space<vmem>>[vector<16xi32>, vector<16xi32>], vector<16xf32>,
        tpu.vector_store_idx %arg9[%add3A_378, %add3A_288], %gather3A_408 : memref<64x256xf32, #tpu.memory_space<vmem>>[vector<16xi32>, vector<16xi32>], vector<16xf32>,
        tpu.vector_store_idx %arg9[%add3A_381, %add3A_288], %gather3A_409 : memref<64x256xf32, #tpu.memory_space<vmem>>[vector<16xi32>, vector<16xi32>], vector<16xf32>,
        tpu.vector_store_idx %arg9[%add3A_384, %add3A_288], %gather3A_410 : memref<64x256xf32, #tpu.memory_space<vmem>>[vector<16xi32>, vector<16xi32>], vector<16xf32>,
        tpu.vector_store_idx %arg9[%add3A_387, %add3A_288], %gather3A_411 : memref<64x256xf32, #tpu.memory_space<vmem>>[vector<16xi32>, vector<16xi32>], vector<16xf32>,
        tpu.vector_store_idx %arg9[%add3A_390, %add3A_288], %gather3A_412 : memref<64x256xf32, #tpu.memory_space<vmem>>[vector<16xi32>, vector<16xi32>], vector<16xf32>,
        tpu.vector_store_idx %arg9[%add3A_393, %add3A_288], %gather3A_413 : memref<64x256xf32, #tpu.memory_space<vmem>>[vector<16xi32>, vector<16xi32>], vector<16xf32>,
        tpu.vector_store_idx %arg9[%add3A_396, %add3A_288], %gather3A_414 : memref<64x256xf32, #tpu.memory_space<vmem>>[vector<16xi32>, vector<16xi32>], vector<16xf32>,
        tpu.vector_store_idx %arg9[%add3A_399, %add3A_288], %gather3A_415 : memref<64x256xf32, #tpu.memory_space<vmem>>[vector<16xi32>, vector<16xi32>], vector<16xf32>,
        %add3A_416 = arith.constant 32 : i32
        %add3A_417 = vector.broadcast %add3A_416 : i32 to vector<16xi32>
        %add3A_418 = arith.addi %rem3A_7, %add3A_417 : vector<16xi32>
        %add3A_419 = arith.constant 32 : i32
        %add3A_420 = vector.broadcast %add3A_419 : i32 to vector<16xi32>
        %add3A_421 = arith.addi %rem3A_13, %add3A_420 : vector<16xi32>
        %add3A_422 = arith.constant 32 : i32
        %add3A_423 = vector.broadcast %add3A_422 : i32 to vector<16xi32>
        %add3A_424 = arith.addi %rem3A_19, %add3A_423 : vector<16xi32>
        %add3A_425 = arith.constant 32 : i32
        %add3A_426 = vector.broadcast %add3A_425 : i32 to vector<16xi32>
        %add3A_427 = arith.addi %rem3A_25, %add3A_426 : vector<16xi32>
        %add3A_428 = arith.constant 32 : i32
        %add3A_429 = vector.broadcast %add3A_428 : i32 to vector<16xi32>
        %add3A_430 = arith.addi %rem3A_31, %add3A_429 : vector<16xi32>
        %add3A_431 = arith.constant 32 : i32
        %add3A_432 = vector.broadcast %add3A_431 : i32 to vector<16xi32>
        %add3A_433 = arith.addi %rem3A_37, %add3A_432 : vector<16xi32>
        %add3A_434 = arith.constant 32 : i32
        %add3A_435 = vector.broadcast %add3A_434 : i32 to vector<16xi32>
        %add3A_436 = arith.addi %rem3A_43, %add3A_435 : vector<16xi32>
        %add3A_437 = arith.constant 32 : i32
        %add3A_438 = vector.broadcast %add3A_437 : i32 to vector<16xi32>
        %add3A_439 = arith.addi %rem3A_49, %add3A_438 : vector<16xi32>
        %add3A_440 = arith.constant 32 : i32
        %add3A_441 = vector.broadcast %add3A_440 : i32 to vector<16xi32>
        %add3A_442 = arith.addi %rem3A_55, %add3A_441 : vector<16xi32>
        %add3A_443 = arith.constant 32 : i32
        %add3A_444 = vector.broadcast %add3A_443 : i32 to vector<16xi32>
        %add3A_445 = arith.addi %rem3A_61, %add3A_444 : vector<16xi32>
        %add3A_446 = arith.constant 32 : i32
        %add3A_447 = vector.broadcast %add3A_446 : i32 to vector<16xi32>
        %add3A_448 = arith.addi %rem3A_67, %add3A_447 : vector<16xi32>
        %add3A_449 = arith.constant 32 : i32
        %add3A_450 = vector.broadcast %add3A_449 : i32 to vector<16xi32>
        %add3A_451 = arith.addi %rem3A_73, %add3A_450 : vector<16xi32>
        %add3A_452 = arith.constant 32 : i32
        %add3A_453 = vector.broadcast %add3A_452 : i32 to vector<16xi32>
        %add3A_454 = arith.addi %rem3A_79, %add3A_453 : vector<16xi32>
        %add3A_455 = arith.constant 32 : i32
        %add3A_456 = vector.broadcast %add3A_455 : i32 to vector<16xi32>
        %add3A_457 = arith.addi %rem3A_85, %add3A_456 : vector<16xi32>
        %add3A_458 = arith.constant 32 : i32
        %add3A_459 = vector.broadcast %add3A_458 : i32 to vector<16xi32>
        %add3A_460 = arith.addi %rem3A_91, %add3A_459 : vector<16xi32>
        %add3A_461 = arith.constant 32 : i32
        %add3A_462 = vector.broadcast %add3A_461 : i32 to vector<16xi32>
        %add3A_463 = arith.addi %rem3A_97, %add3A_462 : vector<16xi32>
        %gather3A_464 = tpu.vector_load_idx %arg7[%add3A_288, %add3A_418] : memref<256x128xf32, #tpu.memory_space<vmem>>[vector<16xi32>, vector<16xi32>], vector<16xf32>,
        %gather3A_465 = tpu.vector_load_idx %arg7[%add3A_288, %add3A_421] : memref<256x128xf32, #tpu.memory_space<vmem>>[vector<16xi32>, vector<16xi32>], vector<16xf32>,
        %gather3A_466 = tpu.vector_load_idx %arg7[%add3A_288, %add3A_424] : memref<256x128xf32, #tpu.memory_space<vmem>>[vector<16xi32>, vector<16xi32>], vector<16xf32>,
        %gather3A_467 = tpu.vector_load_idx %arg7[%add3A_288, %add3A_427] : memref<256x128xf32, #tpu.memory_space<vmem>>[vector<16xi32>, vector<16xi32>], vector<16xf32>,
        %gather3A_468 = tpu.vector_load_idx %arg7[%add3A_288, %add3A_430] : memref<256x128xf32, #tpu.memory_space<vmem>>[vector<16xi32>, vector<16xi32>], vector<16xf32>,
        %gather3A_469 = tpu.vector_load_idx %arg7[%add3A_288, %add3A_433] : memref<256x128xf32, #tpu.memory_space<vmem>>[vector<16xi32>, vector<16xi32>], vector<16xf32>,
        %gather3A_470 = tpu.vector_load_idx %arg7[%add3A_288, %add3A_436] : memref<256x128xf32, #tpu.memory_space<vmem>>[vector<16xi32>, vector<16xi32>], vector<16xf32>,
        %gather3A_471 = tpu.vector_load_idx %arg7[%add3A_288, %add3A_439] : memref<256x128xf32, #tpu.memory_space<vmem>>[vector<16xi32>, vector<16xi32>], vector<16xf32>,
        %gather3A_472 = tpu.vector_load_idx %arg7[%add3A_288, %add3A_442] : memref<256x128xf32, #tpu.memory_space<vmem>>[vector<16xi32>, vector<16xi32>], vector<16xf32>,
        %gather3A_473 = tpu.vector_load_idx %arg7[%add3A_288, %add3A_445] : memref<256x128xf32, #tpu.memory_space<vmem>>[vector<16xi32>, vector<16xi32>], vector<16xf32>,
        %gather3A_474 = tpu.vector_load_idx %arg7[%add3A_288, %add3A_448] : memref<256x128xf32, #tpu.memory_space<vmem>>[vector<16xi32>, vector<16xi32>], vector<16xf32>,
        %gather3A_475 = tpu.vector_load_idx %arg7[%add3A_288, %add3A_451] : memref<256x128xf32, #tpu.memory_space<vmem>>[vector<16xi32>, vector<16xi32>], vector<16xf32>,
        %gather3A_476 = tpu.vector_load_idx %arg7[%add3A_288, %add3A_454] : memref<256x128xf32, #tpu.memory_space<vmem>>[vector<16xi32>, vector<16xi32>], vector<16xf32>,
        %gather3A_477 = tpu.vector_load_idx %arg7[%add3A_288, %add3A_457] : memref<256x128xf32, #tpu.memory_space<vmem>>[vector<16xi32>, vector<16xi32>], vector<16xf32>,
        %gather3A_478 = tpu.vector_load_idx %arg7[%add3A_288, %add3A_460] : memref<256x128xf32, #tpu.memory_space<vmem>>[vector<16xi32>, vector<16xi32>], vector<16xf32>,
        %gather3A_479 = tpu.vector_load_idx %arg7[%add3A_288, %add3A_463] : memref<256x128xf32, #tpu.memory_space<vmem>>[vector<16xi32>, vector<16xi32>], vector<16xf32>,
        tpu.vector_store_idx %arg9[%add3A_418, %add3A_288], %gather3A_464 : memref<64x256xf32, #tpu.memory_space<vmem>>[vector<16xi32>, vector<16xi32>], vector<16xf32>,
        tpu.vector_store_idx %arg9[%add3A_421, %add3A_288], %gather3A_465 : memref<64x256xf32, #tpu.memory_space<vmem>>[vector<16xi32>, vector<16xi32>], vector<16xf32>,
        tpu.vector_store_idx %arg9[%add3A_424, %add3A_288], %gather3A_466 : memref<64x256xf32, #tpu.memory_space<vmem>>[vector<16xi32>, vector<16xi32>], vector<16xf32>,
        tpu.vector_store_idx %arg9[%add3A_427, %add3A_288], %gather3A_467 : memref<64x256xf32, #tpu.memory_space<vmem>>[vector<16xi32>, vector<16xi32>], vector<16xf32>,
        tpu.vector_store_idx %arg9[%add3A_430, %add3A_288], %gather3A_468 : memref<64x256xf32, #tpu.memory_space<vmem>>[vector<16xi32>, vector<16xi32>], vector<16xf32>,
        tpu.vector_store_idx %arg9[%add3A_433, %add3A_288], %gather3A_469 : memref<64x256xf32, #tpu.memory_space<vmem>>[vector<16xi32>, vector<16xi32>], vector<16xf32>,
        tpu.vector_store_idx %arg9[%add3A_436, %add3A_288], %gather3A_470 : memref<64x256xf32, #tpu.memory_space<vmem>>[vector<16xi32>, vector<16xi32>], vector<16xf32>,
        tpu.vector_store_idx %arg9[%add3A_439, %add3A_288], %gather3A_471 : memref<64x256xf32, #tpu.memory_space<vmem>>[vector<16xi32>, vector<16xi32>], vector<16xf32>,
        tpu.vector_store_idx %arg9[%add3A_442, %add3A_288], %gather3A_472 : memref<64x256xf32, #tpu.memory_space<vmem>>[vector<16xi32>, vector<16xi32>], vector<16xf32>,
        tpu.vector_store_idx %arg9[%add3A_445, %add3A_288], %gather3A_473 : memref<64x256xf32, #tpu.memory_space<vmem>>[vector<16xi32>, vector<16xi32>], vector<16xf32>,
        tpu.vector_store_idx %arg9[%add3A_448, %add3A_288], %gather3A_474 : memref<64x256xf32, #tpu.memory_space<vmem>>[vector<16xi32>, vector<16xi32>], vector<16xf32>,
        tpu.vector_store_idx %arg9[%add3A_451, %add3A_288], %gather3A_475 : memref<64x256xf32, #tpu.memory_space<vmem>>[vector<16xi32>, vector<16xi32>], vector<16xf32>,
        tpu.vector_store_idx %arg9[%add3A_454, %add3A_288], %gather3A_476 : memref<64x256xf32, #tpu.memory_space<vmem>>[vector<16xi32>, vector<16xi32>], vector<16xf32>,
        tpu.vector_store_idx %arg9[%add3A_457, %add3A_288], %gather3A_477 : memref<64x256xf32, #tpu.memory_space<vmem>>[vector<16xi32>, vector<16xi32>], vector<16xf32>,
        tpu.vector_store_idx %arg9[%add3A_460, %add3A_288], %gather3A_478 : memref<64x256xf32, #tpu.memory_space<vmem>>[vector<16xi32>, vector<16xi32>], vector<16xf32>,
        tpu.vector_store_idx %arg9[%add3A_463, %add3A_288], %gather3A_479 : memref<64x256xf32, #tpu.memory_space<vmem>>[vector<16xi32>, vector<16xi32>], vector<16xf32>,
        %add3A_480 = arith.constant 48 : i32
        %add3A_481 = vector.broadcast %add3A_480 : i32 to vector<16xi32>
        %add3A_482 = arith.addi %rem3A_7, %add3A_481 : vector<16xi32>
        %add3A_483 = arith.constant 48 : i32
        %add3A_484 = vector.broadcast %add3A_483 : i32 to vector<16xi32>
        %add3A_485 = arith.addi %rem3A_13, %add3A_484 : vector<16xi32>
        %add3A_486 = arith.constant 48 : i32
        %add3A_487 = vector.broadcast %add3A_486 : i32 to vector<16xi32>
        %add3A_488 = arith.addi %rem3A_19, %add3A_487 : vector<16xi32>
        %add3A_489 = arith.constant 48 : i32
        %add3A_490 = vector.broadcast %add3A_489 : i32 to vector<16xi32>
        %add3A_491 = arith.addi %rem3A_25, %add3A_490 : vector<16xi32>
        %add3A_492 = arith.constant 48 : i32
        %add3A_493 = vector.broadcast %add3A_492 : i32 to vector<16xi32>
        %add3A_494 = arith.addi %rem3A_31, %add3A_493 : vector<16xi32>
        %add3A_495 = arith.constant 48 : i32
        %add3A_496 = vector.broadcast %add3A_495 : i32 to vector<16xi32>
        %add3A_497 = arith.addi %rem3A_37, %add3A_496 : vector<16xi32>
        %add3A_498 = arith.constant 48 : i32
        %add3A_499 = vector.broadcast %add3A_498 : i32 to vector<16xi32>
        %add3A_500 = arith.addi %rem3A_43, %add3A_499 : vector<16xi32>
        %add3A_501 = arith.constant 48 : i32
        %add3A_502 = vector.broadcast %add3A_501 : i32 to vector<16xi32>
        %add3A_503 = arith.addi %rem3A_49, %add3A_502 : vector<16xi32>
        %add3A_504 = arith.constant 48 : i32
        %add3A_505 = vector.broadcast %add3A_504 : i32 to vector<16xi32>
        %add3A_506 = arith.addi %rem3A_55, %add3A_505 : vector<16xi32>
        %add3A_507 = arith.constant 48 : i32
        %add3A_508 = vector.broadcast %add3A_507 : i32 to vector<16xi32>
        %add3A_509 = arith.addi %rem3A_61, %add3A_508 : vector<16xi32>
        %add3A_510 = arith.constant 48 : i32
        %add3A_511 = vector.broadcast %add3A_510 : i32 to vector<16xi32>
        %add3A_512 = arith.addi %rem3A_67, %add3A_511 : vector<16xi32>
        %add3A_513 = arith.constant 48 : i32
        %add3A_514 = vector.broadcast %add3A_513 : i32 to vector<16xi32>
        %add3A_515 = arith.addi %rem3A_73, %add3A_514 : vector<16xi32>
        %add3A_516 = arith.constant 48 : i32
        %add3A_517 = vector.broadcast %add3A_516 : i32 to vector<16xi32>
        %add3A_518 = arith.addi %rem3A_79, %add3A_517 : vector<16xi32>
        %add3A_519 = arith.constant 48 : i32
        %add3A_520 = vector.broadcast %add3A_519 : i32 to vector<16xi32>
        %add3A_521 = arith.addi %rem3A_85, %add3A_520 : vector<16xi32>
        %add3A_522 = arith.constant 48 : i32
        %add3A_523 = vector.broadcast %add3A_522 : i32 to vector<16xi32>
        %add3A_524 = arith.addi %rem3A_91, %add3A_523 : vector<16xi32>
        %add3A_525 = arith.constant 48 : i32
        %add3A_526 = vector.broadcast %add3A_525 : i32 to vector<16xi32>
        %add3A_527 = arith.addi %rem3A_97, %add3A_526 : vector<16xi32>
        %gather3A_528 = tpu.vector_load_idx %arg7[%add3A_288, %add3A_482] : memref<256x128xf32, #tpu.memory_space<vmem>>[vector<16xi32>, vector<16xi32>], vector<16xf32>,
        %gather3A_529 = tpu.vector_load_idx %arg7[%add3A_288, %add3A_485] : memref<256x128xf32, #tpu.memory_space<vmem>>[vector<16xi32>, vector<16xi32>], vector<16xf32>,
        %gather3A_530 = tpu.vector_load_idx %arg7[%add3A_288, %add3A_488] : memref<256x128xf32, #tpu.memory_space<vmem>>[vector<16xi32>, vector<16xi32>], vector<16xf32>,
        %gather3A_531 = tpu.vector_load_idx %arg7[%add3A_288, %add3A_491] : memref<256x128xf32, #tpu.memory_space<vmem>>[vector<16xi32>, vector<16xi32>], vector<16xf32>,
        %gather3A_532 = tpu.vector_load_idx %arg7[%add3A_288, %add3A_494] : memref<256x128xf32, #tpu.memory_space<vmem>>[vector<16xi32>, vector<16xi32>], vector<16xf32>,
        %gather3A_533 = tpu.vector_load_idx %arg7[%add3A_288, %add3A_497] : memref<256x128xf32, #tpu.memory_space<vmem>>[vector<16xi32>, vector<16xi32>], vector<16xf32>,
        %gather3A_534 = tpu.vector_load_idx %arg7[%add3A_288, %add3A_500] : memref<256x128xf32, #tpu.memory_space<vmem>>[vector<16xi32>, vector<16xi32>], vector<16xf32>,
        %gather3A_535 = tpu.vector_load_idx %arg7[%add3A_288, %add3A_503] : memref<256x128xf32, #tpu.memory_space<vmem>>[vector<16xi32>, vector<16xi32>], vector<16xf32>,
        %gather3A_536 = tpu.vector_load_idx %arg7[%add3A_288, %add3A_506] : memref<256x128xf32, #tpu.memory_space<vmem>>[vector<16xi32>, vector<16xi32>], vector<16xf32>,
        %gather3A_537 = tpu.vector_load_idx %arg7[%add3A_288, %add3A_509] : memref<256x128xf32, #tpu.memory_space<vmem>>[vector<16xi32>, vector<16xi32>], vector<16xf32>,
        %gather3A_538 = tpu.vector_load_idx %arg7[%add3A_288, %add3A_512] : memref<256x128xf32, #tpu.memory_space<vmem>>[vector<16xi32>, vector<16xi32>], vector<16xf32>,
        %gather3A_539 = tpu.vector_load_idx %arg7[%add3A_288, %add3A_515] : memref<256x128xf32, #tpu.memory_space<vmem>>[vector<16xi32>, vector<16xi32>], vector<16xf32>,
        %gather3A_540 = tpu.vector_load_idx %arg7[%add3A_288, %add3A_518] : memref<256x128xf32, #tpu.memory_space<vmem>>[vector<16xi32>, vector<16xi32>], vector<16xf32>,
        %gather3A_541 = tpu.vector_load_idx %arg7[%add3A_288, %add3A_521] : memref<256x128xf32, #tpu.memory_space<vmem>>[vector<16xi32>, vector<16xi32>], vector<16xf32>,
        %gather3A_542 = tpu.vector_load_idx %arg7[%add3A_288, %add3A_524] : memref<256x128xf32, #tpu.memory_space<vmem>>[vector<16xi32>, vector<16xi32>], vector<16xf32>,
        %gather3A_543 = tpu.vector_load_idx %arg7[%add3A_288, %add3A_527] : memref<256x128xf32, #tpu.memory_space<vmem>>[vector<16xi32>, vector<16xi32>], vector<16xf32>,
        tpu.vector_store_idx %arg9[%add3A_482, %add3A_288], %gather3A_528 : memref<64x256xf32, #tpu.memory_space<vmem>>[vector<16xi32>, vector<16xi32>], vector<16xf32>,
        tpu.vector_store_idx %arg9[%add3A_485, %add3A_288], %gather3A_529 : memref<64x256xf32, #tpu.memory_space<vmem>>[vector<16xi32>, vector<16xi32>], vector<16xf32>,
        tpu.vector_store_idx %arg9[%add3A_488, %add3A_288], %gather3A_530 : memref<64x256xf32, #tpu.memory_space<vmem>>[vector<16xi32>, vector<16xi32>], vector<16xf32>,
        tpu.vector_store_idx %arg9[%add3A_491, %add3A_288], %gather3A_531 : memref<64x256xf32, #tpu.memory_space<vmem>>[vector<16xi32>, vector<16xi32>], vector<16xf32>,
        tpu.vector_store_idx %arg9[%add3A_494, %add3A_288], %gather3A_532 : memref<64x256xf32, #tpu.memory_space<vmem>>[vector<16xi32>, vector<16xi32>], vector<16xf32>,
        tpu.vector_store_idx %arg9[%add3A_497, %add3A_288], %gather3A_533 : memref<64x256xf32, #tpu.memory_space<vmem>>[vector<16xi32>, vector<16xi32>], vector<16xf32>,
        tpu.vector_store_idx %arg9[%add3A_500, %add3A_288], %gather3A_534 : memref<64x256xf32, #tpu.memory_space<vmem>>[vector<16xi32>, vector<16xi32>], vector<16xf32>,
        tpu.vector_store_idx %arg9[%add3A_503, %add3A_288], %gather3A_535 : memref<64x256xf32, #tpu.memory_space<vmem>>[vector<16xi32>, vector<16xi32>], vector<16xf32>,
        tpu.vector_store_idx %arg9[%add3A_506, %add3A_288], %gather3A_536 : memref<64x256xf32, #tpu.memory_space<vmem>>[vector<16xi32>, vector<16xi32>], vector<16xf32>,
        tpu.vector_store_idx %arg9[%add3A_509, %add3A_288], %gather3A_537 : memref<64x256xf32, #tpu.memory_space<vmem>>[vector<16xi32>, vector<16xi32>], vector<16xf32>,
        tpu.vector_store_idx %arg9[%add3A_512, %add3A_288], %gather3A_538 : memref<64x256xf32, #tpu.memory_space<vmem>>[vector<16xi32>, vector<16xi32>], vector<16xf32>,
        tpu.vector_store_idx %arg9[%add3A_515, %add3A_288], %gather3A_539 : memref<64x256xf32, #tpu.memory_space<vmem>>[vector<16xi32>, vector<16xi32>], vector<16xf32>,
        tpu.vector_store_idx %arg9[%add3A_518, %add3A_288], %gather3A_540 : memref<64x256xf32, #tpu.memory_space<vmem>>[vector<16xi32>, vector<16xi32>], vector<16xf32>,
        tpu.vector_store_idx %arg9[%add3A_521, %add3A_288], %gather3A_541 : memref<64x256xf32, #tpu.memory_space<vmem>>[vector<16xi32>, vector<16xi32>], vector<16xf32>,
        tpu.vector_store_idx %arg9[%add3A_524, %add3A_288], %gather3A_542 : memref<64x256xf32, #tpu.memory_space<vmem>>[vector<16xi32>, vector<16xi32>], vector<16xf32>,
        tpu.vector_store_idx %arg9[%add3A_527, %add3A_288], %gather3A_543 : memref<64x256xf32, #tpu.memory_space<vmem>>[vector<16xi32>, vector<16xi32>], vector<16xf32>,
      }
      %scan3A_268 = arith.constant 16 : i32
      %add3A_269 = arith.addi %mul3A_2, %mul3A_263 : i32
      %dma_start3A_270 = arith.constant 0 : i32
      %dma_start3A_271 = arith.constant 0 : i32
      %dma_start3A_272 = tpu.memref_slice %arg4[%rem3A_259, %dma_start3A_270, %dma_start3A_271] : memref<26x64x16384xf32, #tpu.memory_space<hbm>> -> memref<1x64x16384xf32, #tpu.memory_space<hbm>>
      %dma_start3A_273 = tpu.memref_squeeze %dma_start3A_272 : memref<1x64x16384xf32, #tpu.memory_space<hbm>> -> memref<64x16384xf32, #tpu.memory_space<hbm>>
      %dma_start3A_274 = arith.constant 0 : i32
      %dma_start3A_275 = tpu.memref_slice %dma_start3A_273[%dma_start3A_274, %add3A_269] : memref<64x16384xf32, #tpu.memory_space<hbm>> -> memref<64x256xf32, #tpu.memory_space<hbm>>
      %dma_start3A_276 = arith.constant 0 : i32
      %dma_start3A_277 = arith.constant 0 : i32
      %dma_start3A_278 = tpu.memref_slice %arg4[%rem3A_259, %dma_start3A_276, %dma_start3A_277] : memref<26x64x16384xf32, #tpu.memory_space<hbm>> -> memref<1x64x16384xf32, #tpu.memory_space<hbm>>
      %dma_start3A_279 = tpu.memref_squeeze %dma_start3A_278 : memref<1x64x16384xf32, #tpu.memory_space<hbm>> -> memref<64x16384xf32, #tpu.memory_space<hbm>>
      %dma_start3A_280 = arith.constant 0 : i32
      %dma_start3A_281 = tpu.memref_slice %dma_start3A_279[%dma_start3A_280, %add3A_269] : memref<64x16384xf32, #tpu.memory_space<hbm>> -> memref<64x256xf32, #tpu.memory_space<hbm>>
      tpu.enqueue_dma source(%arg9 : memref<64x256xf32, #tpu.memory_space<vmem>>) target(%dma_start3A_281 : memref<64x256xf32, #tpu.memory_space<hbm>>) target_semaphore(%arg11 : memref<!tpu.dma_semaphore, #tpu.memory_space<semaphore_mem>>)
    }
    %scan3A_131 = arith.constant 26 : i32
    %dma_wait3A = arith.constant 0 : i32
    %dma_wait3A_132 = arith.constant 0 : i32
    %dma_wait3A_133 = arith.constant 0 : i32
    %dma_wait3A_134 = tpu.memref_slice %arg4[%dma_wait3A, %dma_wait3A_132, %dma_wait3A_133] : memref<26x64x16384xf32, #tpu.memory_space<hbm>> -> memref<1x64x16384xf32, #tpu.memory_space<hbm>>
    %dma_wait3A_135 = tpu.memref_squeeze %dma_wait3A_134 : memref<1x64x16384xf32, #tpu.memory_space<hbm>> -> memref<64x16384xf32, #tpu.memory_space<hbm>>
    %dma_wait3A_136 = arith.constant 0 : i32
    %dma_wait3A_137 = tpu.memref_slice %dma_wait3A_135[%dma_wait3A_136, %mul3A_2] : memref<64x16384xf32, #tpu.memory_space<hbm>> -> memref<64x256xf32, #tpu.memory_space<hbm>>
    %dma_wait3A_138 = arith.constant 0 : i32
    %dma_wait3A_139 = arith.constant 0 : i32
    %dma_wait3A_140 = tpu.memref_slice %arg4[%dma_wait3A, %dma_wait3A_138, %dma_wait3A_139] : memref<26x64x16384xf32, #tpu.memory_space<hbm>> -> memref<1x64x16384xf32, #tpu.memory_space<hbm>>
    %dma_wait3A_141 = tpu.memref_squeeze %dma_wait3A_140 : memref<1x64x16384xf32, #tpu.memory_space<hbm>> -> memref<64x16384xf32, #tpu.memory_space<hbm>>
    %dma_wait3A_142 = arith.constant 0 : i32
    %dma_wait3A_143 = tpu.memref_slice %dma_wait3A_141[%dma_wait3A_142, %mul3A_2] : memref<64x16384xf32, #tpu.memory_space<hbm>> -> memref<64x256xf32, #tpu.memory_space<hbm>>
    tpu.wait_dma2 semaphore(%arg11 : memref<!tpu.dma_semaphore, #tpu.memory_space<semaphore_mem>>) src(%arg8 : memref<64x256xf32, #tpu.memory_space<vmem>>) dst(%dma_wait3A_143 : memref<64x256xf32, #tpu.memory_space<hbm>>)
    %dma_wait3A_144 = arith.constant 0 : i32
    %dma_wait3A_145 = arith.constant 0 : i32
    %dma_wait3A_146 = arith.constant 0 : i32
    %dma_wait3A_147 = tpu.memref_slice %arg4[%dma_wait3A_144, %dma_wait3A_145, %dma_wait3A_146] : memref<26x64x16384xf32, #tpu.memory_space<hbm>> -> memref<1x64x16384xf32, #tpu.memory_space<hbm>>
    %dma_wait3A_148 = tpu.memref_squeeze %dma_wait3A_147 : memref<1x64x16384xf32, #tpu.memory_space<hbm>> -> memref<64x16384xf32, #tpu.memory_space<hbm>>
    %dma_wait3A_149 = arith.constant 0 : i32
    %dma_wait3A_150 = tpu.memref_slice %dma_wait3A_148[%dma_wait3A_149, %mul3A_2] : memref<64x16384xf32, #tpu.memory_space<hbm>> -> memref<64x256xf32, #tpu.memory_space<hbm>>
    %dma_wait3A_151 = arith.constant 0 : i32
    %dma_wait3A_152 = arith.constant 0 : i32
    %dma_wait3A_153 = tpu.memref_slice %arg4[%dma_wait3A_144, %dma_wait3A_151, %dma_wait3A_152] : memref<26x64x16384xf32, #tpu.memory_space<hbm>> -> memref<1x64x16384xf32, #tpu.memory_space<hbm>>
    %dma_wait3A_154 = tpu.memref_squeeze %dma_wait3A_153 : memref<1x64x16384xf32, #tpu.memory_space<hbm>> -> memref<64x16384xf32, #tpu.memory_space<hbm>>
    %dma_wait3A_155 = arith.constant 0 : i32
    %dma_wait3A_156 = tpu.memref_slice %dma_wait3A_154[%dma_wait3A_155, %mul3A_2] : memref<64x16384xf32, #tpu.memory_space<hbm>> -> memref<64x256xf32, #tpu.memory_space<hbm>>
    tpu.wait_dma2 semaphore(%arg11 : memref<!tpu.dma_semaphore, #tpu.memory_space<semaphore_mem>>) src(%arg8 : memref<64x256xf32, #tpu.memory_space<vmem>>) dst(%dma_wait3A_156 : memref<64x256xf32, #tpu.memory_space<hbm>>)
    return
  }
}

</mosaic_0001>

<sc_bundles>
// kernel: _sc_embedding_gather.3.cloned.1.call-start
scs
__scs_entry_jumppad:
0x0: {  	(pc) =	sbr.rel $0x88, $3  }
0x1: {  	(tag) =	ssettag $0x0;
	lr =	simm.s32 $0x1  }
0x2: {  	[smem:$0x3F9F] =	sst lr;
	_ =	strace $0xD0000000  }
0x3: {  	_ = 	snop  }
0x4: {  	_ = 	snop  }
0x5: {  	_ = 	snop  }
0x6: {  	_ = 	snop  }
0x7: {  	_ = 	snop  }
__scs_overlays_trampoline_lowered:
0x8: {  	[smem:$0x3FAE] =	sst s0  }
0x9: {  	[smem:$0x3FAF] =	sst s1  }
0xa: {  	[smem:$0x3FB0] =	sst s2  }
0xb: {  	[smem:$0x3FB1] =	sst s3  }
0xc: {  	[smem:$0x3FB2] =	sst s4  }
0xd: {  	[smem:$0x3FB3] =	sst s5  }
0xe: {  	[smem:$0x3FB4] =	sst s6  }
0xf: {  	[smem:$0x3FB5] =	sst s7  }
0x10: {  	[smem:$0x3FB6] =	sst s8  }
0x11: {  	[smem:$0x3FB7] =	sst s9;
	s0 =	simm.s32 @!p0 $0x0  }
0x12: {  	s1 =	sld [smem:$0x3F9D];
	s0 =	simm.s32 @p0 $0x1  }
0x13: {  	[smem:$0x3FB8] =	sst s0;
	s0 =	simm.s32 @!p1 $0x0  }
0x14: {  	s2 =	sld [smem:$0x3F9C];
	s0 =	simm.s32 @p1 $0x1  }
0x15: {  	[smem:$0x3FB9] =	sst s0;
	s0 =	simm.s32 @!p2 $0x0  }
0x16: {  	s3 =	sld [smem:$0x3FDB];
	s0 =	simm.s32 @p2 $0x1  }
0x17: {  	s4 =	simm.s32 $0x1BF5;
	[smem:$0x3FBB] =	sst s0  }
0x18: {  	s0 =	sld [smem:$0x3F9E];
	_ =	swait.ge [sflag:s4], $0x0  }
0x19: {  	s7 =	sld [smem:$0x3F9F]  }
0x1a: {  	s8 =	sadd.s32 $0xFFFFE003, lr  }
0x1b: {  	s9 =	sadd.s32 $0xFFFFFEF7, lr;
	s5 =	simm.s32 $0xFFFFFFFF;
	p2 =	slt.u32 s8, $0xFFFFF086  }
0x1c: {  	p1 =	slt.u32 s9, $0xF7A;
	s5 =	simm.s32 @!p2 $0x0  }
0x1d: {  	s5 =	simm.s32 @p1 $0x1;
	p0 =	seq.s32 s7, s2  }
0x1e: {  	s7 =	smul.u32 @!p0 $0xF7A, s2;
	p2 =	seq.s32 @!p0 s5, $0x0  }
0x1f: {  	s9 =	smul.u32 $0xF7A, s1;
	s8 =	simm.s32 @!p0 $0x1BF5;
	p2 =	por !p2, p0  }
0x20: {  	[sflag:s8] =	ssyncset.s32 @!p0 $0xFFFFF086;
	s6 =	sadd.s32 @!p0 s3, s7;
	s7 =	simm.s32 @!p0 $0x108  }
0x21: {  	s3 =	sadd.s32 s3, s9;
	s6 =	sadd.s32 @!p0 $0x88, s6;
	s7 =	simm.s32 @p2 $0x1082  }
0x22: {  	[simem:s7], [sflag:s8] =	dma.local @!p0 [hbm:s6], $0xF7A  }
0x23: {  	s9 =	sor.u32 $0xD0000000, s2;
	s6 =	simm.s32 $0x108;
	_ =	swait.ge @!p0 [sflag:s8], $0x0  }
0x24: {  	s3 =	sadd.s32 $0x88, s3;
	s6 =	simm.s32 @!p1 $0x1082;
	[sflag:s4] =	ssyncset.s32 $0xFFFFF086  }
0x25: {  	[simem:s6], [sflag:s4] =	dma.local [hbm:s3], $0xF7A  }
0x26: {  	[smem:$0x3F9F] =	sst s1;
	(tag) =	ssettag s2;
	_ =	strace s9  }
0x27: {  	s1 =	sld [smem:$0x3FAF]  }
0x28: {  	s2 =	sld [smem:$0x3FB0]  }
0x29: {  	s4 =	sld [smem:$0x3FB2]  }
0x2a: {  	p0 =	seq.s32 s5, $0x0;
	s5 =	sld [smem:$0x3FB3]  }
0x2b: {  	s6 =	sld [smem:$0x3FB4]  }
0x2c: {  	s7 =	sld [smem:$0x3FB5]  }
0x2d: {  	s3 =	simm.s32 $0x108;
	s8 =	sld [smem:$0x3FB6]  }
0x2e: {  	s3 =	simm.s32 @!p0 $0x1082;
	s9 =	sld [smem:$0x3FB7]  }
0x2f: {  	lr =	sadd.s32 s0, s3;
	s0 =	sld [smem:$0x3FAE]  }
0x30: {  	s3 =	sld [smem:$0x3FB1]  }
0x31: {  	[smem:$0x3FBA] =	sst s10  }
0x32: {  	s10 =	sld [smem:$0x3FB8];
	_ =	sdelay $0x3  }
0x33: {  	p0 =	seq.s32 s10, $0x1;
	s10 =	sld [smem:$0x3FBA];
	_ =	sdelay $0x3  }
0x34: {  	[smem:$0x3FBA] =	sst s10  }
0x35: {  	s10 =	sld [smem:$0x3FB9];
	_ =	sdelay $0x3  }
0x36: {  	p1 =	seq.s32 s10, $0x1;
	s10 =	sld [smem:$0x3FBA];
	_ =	sdelay $0x3  }
0x37: {  	[smem:$0x3FBA] =	sst s10  }
0x38: {  	s10 =	sld [smem:$0x3FBB]  }
0x39: {  	_ = 	snop;
	(pc) =	sbr.ind lr, $3  }
0x3a: {  	_ = 	snop  }
0x3b: {  	_ = 	snop  }
0x3c: {  	p2 =	seq.s32 s10, $0x1;
	s10 =	sld [smem:$0x3FBA]  }
0x3d: {  	_ =	shalt  }
0x3e: {  	_ =	shalt  }
0x3f: {  	_ =	shalt  }
0x40: {  	_ =	shalt  }
0x41: {  	_ =	shalt  }
0x42: {  	_ =	shalt  }
0x43: {  	_ =	shalt  }
0x44: {  	_ =	shalt  }
0x45: {  	_ =	shalt  }
0x46: {  	_ =	shalt  }
0x47: {  	_ =	shalt  }
0x48: {  	_ =	shalt  }
0x49: {  	_ =	shalt  }
0x4a: {  	_ =	shalt  }
0x4b: {  	_ =	shalt  }
0x4c: {  	_ =	shalt  }
0x4d: {  	_ =	shalt  }
0x4e: {  	_ =	shalt  }
0x4f: {  	_ =	shalt  }
0x50: {  	_ =	shalt  }
0x51: {  	_ =	shalt  }
0x52: {  	_ =	shalt  }
0x53: {  	_ =	shalt  }
0x54: {  	_ =	shalt  }
0x55: {  	_ =	shalt  }
0x56: {  	_ =	shalt  }
0x57: {  	_ =	shalt  }
0x58: {  	_ =	shalt  }
0x59: {  	_ =	shalt  }
0x5a: {  	_ =	shalt  }
0x5b: {  	_ =	shalt  }
0x5c: {  	_ =	shalt  }
0x5d: {  	_ =	shalt  }
0x5e: {  	_ =	shalt  }
0x5f: {  	_ =	shalt  }
0x60: {  	_ =	shalt  }
0x61: {  	_ =	shalt  }
0x62: {  	_ =	shalt  }
0x63: {  	_ =	shalt  }
0x64: {  	_ =	shalt  }
0x65: {  	_ =	shalt  }
0x66: {  	_ =	shalt  }
0x67: {  	_ =	shalt  }
0x68: {  	_ =	shalt  }
0x69: {  	_ =	shalt  }
0x6a: {  	_ =	shalt  }
0x6b: {  	_ =	shalt  }
0x6c: {  	_ =	shalt  }
0x6d: {  	_ =	shalt  }
0x6e: {  	_ =	shalt  }
0x6f: {  	_ =	shalt  }
0x70: {  	_ =	shalt  }
0x71: {  	_ =	shalt  }
0x72: {  	_ =	shalt  }
0x73: {  	_ =	shalt  }
0x74: {  	_ =	shalt  }
0x75: {  	_ =	shalt  }
0x76: {  	_ =	shalt  }
0x77: {  	_ =	shalt  }
0x78: {  	_ =	shalt  }
0x79: {  	_ =	shalt  }
0x7a: {  	_ =	shalt  }
0x7b: {  	_ =	shalt  }
0x7c: {  	_ =	shalt  }
0x7d: {  	_ =	shalt  }
0x7e: {  	_ =	shalt  }
0x7f: {  	_ =	shalt  }
0x80: {  	_ =	shalt  }
0x81: {  	_ =	shalt  }
0x82: {  	_ =	shalt  }
0x83: {  	_ =	shalt  }
0x84: {  	_ =	shalt  }
0x85: {  	_ =	shalt  }
0x86: {  	_ =	shalt  }
0x87: {  	_ =	shalt  }
.Lfunc_end0:
.L_simem_size_0:
called_computation_lowered:
.L_overlay_start_0:
0x88: {  	s2 =	sld [smem:$0x3FD9]  }
0x89: {  	s3 =	sld [smem:$0x3FFE];
	_ =	sdelay $0x1  }
0x8a: {  	s1 =	srdreg.scid  }
0x8b: {  	s0 =	sand.u32 $0x1, s1  }
0x8c: {  	s18 =	sshll.u32 s0, $0xA;
	s2 =	sadd.s32 s3, s2  }
0x8d: {  	s2 =	sadd.s32 s2, s18  }
0x8e: {  	[smem:$0x3FC6] =	sst s2  }
0x8f: {  	_ = 	snop  }
0x90: {  	s2 =	sld [smem:$0x3FC9]  }
0x91: {  	s19 =	sld [smem:$0x3FC8]  }
0x92: {  	s4 =	sld [smem:$0x3FD0];
	(tm) =	ssettm $0x1  }
0x93: {  	s5 =	sld [smem:$0x3FFB];
	_ =	sdelay $0x3  }
0x94: {  	_ =	strace s5  }
0x95: {  	s5 =	sld [smem:$0x3FFC];
	_ =	sdelay $0x3  }
0x96: {  	_ =	strace s5  }
0x97: {  	s5 =	sld [smem:$0x3FFD];
	_ =	sdelay $0x3  }
0x98: {  	_ =	strace s5  }
0x99: {  	_ =	strace $0x8FFFFFFF  }
0x9a: {  	s20 =	sld [smem:$0x3FDB];
	_ =	sdelay $0x1  }
0x9b: {  	s6 =	simm.s32 $_scs_section_size  }
0x9c: {  	s7 =	simm.s32 $_size__tile_overlayer_lowered;
	s8 =	simm.s32 $_tile_overlayer_lowered  }
0x9d: {  	s23 =	simm.s32 $0x1BFF;
	s22 =	sshll.u32 s8, $0x1;
	s5 =	sadd.s32 s6, s20  }
0x9e: {  	s9 =	simm.s32 $0x0;
	s21 =	sshll.u32 s7, $0x1;
	s7 =	sadd.s32 s22, s5  }
0x9f: {  	[timem:s9], [sflag:s23] =	dma.local [hbm:s7], s21  }
0xa0: {  	_ =	swait.ge [sflag:s23], s21  }
0xa1: {  	s6 =	ssub.s32 $0x0, s21;
	[sflag:s23] =	ssyncset.done $0x0  }
0xa2: {  	[sflag:s23] =	ssyncadd.s32 s6;
	_ =	sdelay $0x1  }
0xa3: {  	s24 =	simm.s32 $0x1B8B  }
0xa4: {  	_ =	swait.ge [sflag:s24], $0x1  }
0xa5: {  	[sflag:s24] =	ssyncset.done $0x0  }
0xa6: {  	s25 =	simm.s32 $0x1B8E;
	[sflag:s24] =	ssyncadd.s32 $0xFFFFFFFF  }
0xa7: {  	s26 =	simm.s32 $execute0_lowered;
	[smem:$0x3FD2] =	sst s25  }
0xa8: {  	s6 =	sshll.u32 s26, $0x1;
	_ =	strace $0x80000046;
	[dreg:$0x1] =	wrdreg $0xFFFFFFFF  }
0xa9: {  	s28 =	simm.s32 $_size_execute0_lowered;
	s5 =	sadd.s32 s5, s6;
	[dreg:$0x0] =	wrdreg $0x0  }
0xaa: {  	s6 =	sshll.u32 s28, $0x1;
	[dreg:$0x2] =	wrdreg s5  }
0xab: {  	[dreg:$0x3] =	wrdreg s6  }
0xac: {  	[dreg:$0x4] =	wrdreg $0xC0  }
0xad: {  	_ =	task [dreg:s9], $0x5FFFF  }
0xae: {  	[dreg:$0x1] =	wrdreg $0xFFFFFFFF  }
0xaf: {  	[dreg:$0x0] =	wrdreg $0x60  }
0xb0: {  	[dreg:$0x2] =	wrdreg s2  }
0xb1: {  	[dreg:$0x3] =	wrdreg s19  }
0xb2: {  	[dreg:$0x4] =	wrdreg s4  }
0xb3: {  	[dreg:$0x5] =	wrdreg $0x9  }
0xb4: {  	_ =	task.clear_ibuf [dreg:s9], $0x6FFFF;
	_ =	strace $0x90000046  }
0xb5: {  	s29 =	simm.s32 $0x9;
	_ =	strace $0x80000048  }
0xb6: {  	_ =	swait.ge [sflag:s29], $0x1  }
0xb7: {  	[sflag:s29] =	ssyncadd.s32 $0xFFFFFFFF  }
0xb8: {  	_ =	strace $0x90000048  }
0xb9: {  	_ =	sfence  }
0xba: {  	s30 =	sld [smem:$0x0];
	_ =	sdelay $0x2  }
0xbb: {  	s31 =	sshll.u32 s1, $0xD;
	s1 =	sshrl.u32 s1, $0x2  }
0xbc: {  	s3 =	sand.u32 $0x4000, s31;
	s1 =	sadd.s32 s1, s30  }
0xbd: {  	s0 =	sor.u32 s3, s0;
	s1 =	sshll.u32 s1, $0x11  }
0xbe: {  	s0 =	sor.u32 s1, s0  }
0xbf: {  	s0 =	sadd.s32 $0x8F2B, s0  }
0xc0: {  	[sflag:s0] =	ssyncadd.remote.s32 $0x1  }
0xc1: {  	_ =	sfence.sel $0xFFFF  }
0xc2: {  	[dreg:$0x0] =	wrdreg $0xFFFFFFFF;
	(pc) =	sbr.abs _section_cstart, $3  }
0xc3: {  	[dreg:$0x1] =	wrdreg $0xFFFFFFFF  }
0xc4: {  	_ =	task.clear_ibuf [dreg:s9], $0x2FFFF;
	_ =	strace $0x9FFFFFFF  }
0xc5: {  	(tm) =	ssettm $0x7FFFFFFF  }
tec
execute0_lowered:
.L_overlay_start_1:
0x0: {  	(tag) =	ssettag $0x1  }
0x1: {  	v0 =	vimm.s32 $0xFEDCBA9  }
0x2: {  	v1 =	vimm.s32 $0x87654321;
	v2 =	vimm.s32 $0x10FEDCBA;
	v3 =	vimm.s32 $0x98765432  }
0x3: {  	v4 =	vimm.s32 $0x210FEDCB;
	v5 =	vimm.s32 $0xA9876543;
	v6 =	vimm.s32 $0x3210FEDC  }
0x4: {  	v7 =	vimm.s32 $0xBA987654;
	v60 =	vimm.s32 $0x43210FED;
	v61 =	vimm.s32 $0xCBA98765  }
0x5: {  	v11 =	vimm.s32 $0x543210FE;
	v12 =	vimm.s32 $0xDCBA9876;
	v13 =	vimm.s32 $0x6543210F  }
0x6: {  	v14 =	vimm.s32 $0xEDCBA987;
	v15 =	vimm.s32 $0xFEDCBA98;
	v17 =	vimm.s32 $0x76543210  }
0x7: {  	vm12 =	vcmask $0x300;
	v21 =	vimm.s32 $0xB80;
	vm13 =	vcmask $0x704  }
0x8: {  	vm14 =	vcmask $0xB08;
	vm9 =	vcmask $0xF0C;
	vm10 =	vcmask $0x1310  }
0x9: {  	vm11 =	vcmask $0x1714;
	vm6 =	vcmask $0x1B18;
	vm7 =	vcmask $0x1F1C  }
0xa: {  	vm8 =	vcmask $0x2320;
	vm3 =	vcmask $0x2724;
	vm4 =	vcmask $0x2B28  }
0xb: {  	vm5 =	vcmask $0x2F2C;
	vm0 =	vcmask $0x3330;
	vm1 =	vcmask $0x3734  }
0xc: {  	vm2 =	vcmask $0x3B38;
	v41 =	vimm.s32 $0x0;
	v42 =	vimm.s32 $0x80  }
0xd: {  	v45 =	vimm.s32 $0x100;
	v47 =	vimm.s32 $0x180;
	v48 =	vimm.s32 $0x200  }
0xe: {  	v55 =	vimm.s32 $0x280;
	v24 =	vimm.s32 $0x2380;
	v25 =	vimm.s32 $0x2800  }
0xf: {  	v26 =	vimm.s32 $0x2880;
	v27 =	vimm.s32 $0x2900;
	v28 =	vimm.s32 $0x2980  }
0x10: {  	v29 =	vimm.s32 $0x2A00;
	v30 =	vimm.s32 $0x2A80;
	v31 =	vimm.s32 $0x2B00  }
0x11: {  	v0 =	vunpack.c.l.s4.s8 v0;
	v1 =	vunpack.c.l.s4.s8 v1;
	v2 =	vunpack.c.l.s4.s8 v2  }
0x12: {  	v3 =	vunpack.c.l.s4.s8 v3;
	v4 =	vunpack.c.l.s4.s8 v4;
	v5 =	vunpack.c.l.s4.s8 v5  }
0x13: {  	v6 =	vunpack.c.l.s4.s8 v6;
	v7 =	vunpack.c.l.s4.s8 v7;
	v11 =	vunpack.c.l.s4.s8 v11  }
0x14: {  	v12 =	vunpack.c.l.s4.s8 v12;
	v13 =	vunpack.c.l.s4.s8 v13;
	v14 =	vunpack.c.l.s4.s8 v14  }
0x15: {  	v15 =	vunpack.c.l.s4.s8 v15;
	v17 =	vunpack.c.l.s4.s8 v17;
	v22 =	vsel vm12, $0x0, v21  }
0x16: {  	v43 =	vsel vm12, $0x80, v41;
	v44 =	vsel vm12, $0x100, v42;
	v49 =	vsel vm12, $0x200, v47  }
0x17: {  	v50 =	vsel vm12, $0x280, v48;
	v41 =	vimm.s32 $0x1300;
	v42 =	vimm.s32 $0x1380  }
0x18: {  	v47 =	vimm.s32 $0x1A00;
	v48 =	vimm.s32 $0x1A80;
	v24 =	vsel vm12, $0x2800, v24  }
0x19: {  	v25 =	vsel vm12, $0x2880, v25;
	v26 =	vsel vm12, $0x2900, v26;
	v27 =	vsel vm12, $0x2980, v27  }
0x1a: {  	v28 =	vsel vm12, $0x2A00, v28;
	v29 =	vsel vm12, $0x2A80, v29;
	v30 =	vsel vm12, $0x2B00, v30  }
0x1b: {  	v31 =	vsel vm12, $0x2B80, v31;
	v23 =	vsel vm13, $0x80, v22;
	v22 =	vimm.s32 $0x1C1B1A19  }
0x1c: {  	v24 =	vsel vm13, $0x2880, v24;
	v25 =	vsel vm13, $0x2900, v25;
	v26 =	vsel vm13, $0x2980, v26  }
0x1d: {  	v27 =	vsel vm13, $0x2A00, v27;
	v28 =	vsel vm13, $0x2A80, v28;
	v29 =	vsel vm13, $0x2B00, v29  }
0x1e: {  	v30 =	vsel vm13, $0x2B80, v30;
	v31 =	vsel vm13, $0x2000, v31;
	v0 =	vunpack.c.0.s8.s32 v0  }
0x1f: {  	v1 =	vunpack.c.0.s8.s32 v1;
	v2 =	vunpack.c.0.s8.s32 v2;
	v3 =	vunpack.c.0.s8.s32 v3  }
0x20: {  	v4 =	vunpack.c.0.s8.s32 v4;
	v5 =	vunpack.c.0.s8.s32 v5;
	v6 =	vunpack.c.0.s8.s32 v6  }
0x21: {  	v7 =	vunpack.c.0.s8.s32 v7;
	v11 =	vunpack.c.0.s8.s32 v11;
	v12 =	vunpack.c.0.s8.s32 v12  }
0x22: {  	v13 =	vunpack.c.0.s8.s32 v13;
	v14 =	vunpack.c.0.s8.s32 v14;
	v63 =	vunpack.c.0.s8.s32 v15  }
0x23: {  	v20 =	vunpack.c.0.s8.s32 v17;
	v15 =	vimm.s32 $0xA00;
	v24 =	vsel vm14, $0x2900, v24  }
0x24: {  	v25 =	vsel vm14, $0x2980, v25;
	v26 =	vsel vm14, $0x2A00, v26;
	v27 =	vsel vm14, $0x2A80, v27  }
0x25: {  	v28 =	vsel vm14, $0x2B00, v28;
	v29 =	vsel vm14, $0x2B80, v29;
	v30 =	vsel vm14, $0x2000, v30  }
0x26: {  	v31 =	vsel vm14, $0x2080, v31;
	v17 =	vsel vm12, $0xA80, v15;
	v24 =	vsel vm9, $0x2980, v24  }
0x27: {  	v25 =	vsel vm9, $0x2A00, v25;
	v26 =	vsel vm9, $0x2A80, v26;
	v27 =	vsel vm9, $0x2B00, v27  }
0x28: {  	v28 =	vsel vm9, $0x2B80, v28;
	v8 =	vcombine.low v1, v0;
	v9 =	vcombine.low v3, v2  }
0x29: {  	v29 =	vsel vm9, $0x2000, v29;
	v10 =	vcombine.low v5, v4;
	v59 =	vcombine.low v7, v6  }
0x2a: {  	v30 =	vsel vm9, $0x2080, v30;
	v18 =	vcombine.low v12, v11;
	v19 =	vcombine.low v14, v13  }
0x2b: {  	v31 =	vsel vm9, $0x2100, v31;
	v0 =	vcombine.low v0, v1;
	v2 =	vcombine.low v2, v3  }
0x2c: {  	v1 =	vsel vm14, $0x100, v23;
	v34 =	vcombine.low v4, v5;
	v35 =	vcombine.low v6, v7  }
0x2d: {  	v37 =	vcombine.low v11, v12;
	v38 =	vcombine.low v13, v14;
	v5 =	vimm.s32 $0x800  }
0x2e: {  	v12 =	vimm.s32 $0x980;
	v23 =	vimm.s32 $0x101F1E1D;
	v24 =	vsel vm10, $0x2A00, v24  }
0x2f: {  	v25 =	vsel vm10, $0x2A80, v25;
	v26 =	vsel vm10, $0x2B00, v26;
	v27 =	vsel vm10, $0x2B80, v27  }
0x30: {  	v28 =	vsel vm10, $0x2000, v28;
	v29 =	vsel vm10, $0x2080, v29;
	v30 =	vsel vm10, $0x2100, v30  }
0x31: {  	v31 =	vsel vm10, $0x2180, v31;
	v32 =	vsel vm9, $0x180, v1;
	v1 =	vsel vm13, $0x180, v44  }
0x32: {  	v44 =	vimm.s32 $0x1880;
	v24 =	vsel vm11, $0x2A80, v24;
	v25 =	vsel vm11, $0x2B00, v25  }
0x33: {  	v26 =	vsel vm11, $0x2B80, v26;
	v27 =	vsel vm11, $0x2000, v27;
	v28 =	vsel vm11, $0x2080, v28  }
0x34: {  	v29 =	vsel vm11, $0x2100, v29;
	v30 =	vsel vm11, $0x2180, v30;
	v31 =	vsel vm11, $0x2200, v31  }
0x35: {  	v8 =	vand.u32 $0xF, v8;
	v57 =	vand.u32 $0xF, v9;
	v58 =	vand.u32 $0xF, v10  }
0x36: {  	v9 =	vunpack.c.l.s4.s8 v60;
	v10 =	vunpack.c.l.s4.s8 v61;
	v18 =	vand.u32 $0xF, v18  }
0x37: {  	v19 =	vand.u32 $0xF, v19;
	v0 =	vand.u32 $0xF, v0;
	v33 =	vand.u32 $0xF, v2  }
0x38: {  	v53 =	vand.u32 $0xF, v34;
	v52 =	vand.u32 $0xF, v35;
	v39 =	vand.u32 $0xF, v37  }
0x39: {  	v40 =	vand.u32 $0xF, v38;
	v1 =	vsel vm14, $0x200, v1;
	v2 =	vsel vm12, $0x180, v45  }
0x3a: {  	v61 =	vimm.s32 $0x300;
	v34 =	vimm.s32 $0x1B80;
	v35 =	vimm.s32 $0x1000  }
0x3b: {  	v37 =	vimm.s32 $0x1100;
	v38 =	vimm.s32 $0x1180;
	v45 =	vimm.s32 $0x1900  }
0x3c: {  	v24 =	vsel vm6, $0x2B00, v24;
	v25 =	vsel vm6, $0x2B80, v25;
	v26 =	vsel vm6, $0x2000, v26;
	[tilespmem:$0x1F970] =	vst v8  }
0x3d: {  	v27 =	vsel vm6, $0x2080, v27;
	v28 =	vsel vm6, $0x2100, v28;
	v29 =	vsel vm6, $0x2180, v29;
	[tilespmem:$0x1FA00] =	vst v19  }
0x3e: {  	v30 =	vsel vm6, $0x2200, v30;
	v31 =	vsel vm6, $0x2280, v31;
	v8 =	vand.u32 $0xF, v59;
	[tilespmem:$0x1FB10] =	vst v0  }
0x3f: {  	[tilespmem:$0x1FB00] =	vst v33;
	v0 =	vsel vm10, $0x200, v32;
	v1 =	vsel vm9, $0x280, v1;
	v2 =	vsel vm13, $0x200, v2  }
0x40: {  	[tilespmem:$0x1F990] =	vst v39;
	v19 =	vimm.s32 $0xB00;
	v32 =	vunpack.c.0.s8.s32 v22;
	v33 =	vunpack.c.0.s8.s32 v23  }
0x41: {  	[tilespmem:$0x1F980] =	vst v40;
	v39 =	vimm.s32 $0x1200;
	v3 =	vsel vm12, $0x1180, v37;
	v40 =	vimm.s32 $0x1280  }
0x42: {  	v22 =	vimm.s32 $0x2280;
	v23 =	vimm.s32 $0x2300;
	v37 =	vimm.s32 $0x3200  }
0x43: {  	v24 =	vsel vm7, $0x2B80, v24;
	v25 =	vsel vm7, $0x2000, v25;
	v26 =	vsel vm7, $0x2080, v26  }
0x44: {  	v27 =	vsel vm7, $0x2100, v27;
	v28 =	vsel vm7, $0x2180, v28;
	v29 =	vsel vm7, $0x2200, v29  }
0x45: {  	v30 =	vsel vm7, $0x2280, v30;
	v31 =	vsel vm7, $0x2300, v31;
	v9 =	vunpack.c.0.s8.s32 v9  }
0x46: {  	v10 =	vunpack.c.0.s8.s32 v10;
	[tilespmem:$0x1F9D0] =	vst v8;
	v8 =	vand.u32 $0xF, v63;
	v0 =	vsel vm11, $0x280, v0  }
0x47: {  	v1 =	vsel vm10, $0x300, v1;
	v2 =	vsel vm14, $0x280, v2;
	v63 =	vsel vm12, $0x380, v61  }
0x48: {  	v3 =	vsel vm13, $0x1200, v3;
	v22 =	vsel vm12, $0x2300, v22;
	v23 =	vsel vm12, $0x2380, v23  }
0x49: {  	v37 =	vsel vm12, $0x3280, v37;
	v24 =	vsel vm8, $0x2000, v24;
	v25 =	vsel vm8, $0x2080, v25  }
0x4a: {  	v26 =	vsel vm8, $0x2100, v26;
	v27 =	vsel vm8, $0x2180, v27;
	v28 =	vsel vm8, $0x2200, v28  }
0x4b: {  	v29 =	vsel vm8, $0x2280, v29;
	v30 =	vsel vm8, $0x2300, v30;
	v31 =	vsel vm8, $0x2380, v31  }
0x4c: {  	v8 =	vcombine.low v8, v20;
	v0 =	vsel vm6, $0x300, v0;
	v1 =	vsel vm11, $0x380, v1  }
0x4d: {  	v2 =	vsel vm9, $0x300, v2;
	[tilespmem:$0x1FAC0] =	vst v32;
	v3 =	vsel vm14, $0x1280, v3;
	v22 =	vsel vm13, $0x2380, v22  }
0x4e: {  	[tilespmem:$0x1FAB0] =	vst v33;
	v23 =	vsel vm13, $0x2800, v23;
	v32 =	vimm.s32 $0x3B80;
	v33 =	vimm.s32 $0x3000  }
0x4f: {  	v37 =	vsel vm13, $0x3300, v37;
	v24 =	vsel vm3, $0x2080, v24;
	v25 =	vsel vm3, $0x2100, v25  }
0x50: {  	v26 =	vsel vm3, $0x2180, v26;
	v27 =	vsel vm3, $0x2200, v27;
	v28 =	vsel vm3, $0x2280, v28  }
0x51: {  	v29 =	vsel vm3, $0x2300, v29;
	v30 =	vsel vm3, $0x2380, v30;
	v31 =	vsel vm3, $0x2800, v31  }
0x52: {  	v16 =	vcombine.low v10, v9;
	v0 =	vsel vm7, $0x380, v0;
	v36 =	vcombine.low v9, v10  }
0x53: {  	v1 =	vsel vm6, $0x800, v1;
	v2 =	vsel vm10, $0x380, v2;
	v9 =	vimm.s32 $0x900  }
0x54: {  	v22 =	vsel vm14, $0x2800, v22;
	v23 =	vsel vm14, $0x2880, v23;
	v32 =	vsel vm12, $0x3000, v32  }
0x55: {  	v33 =	vsel vm12, $0x3080, v33;
	v37 =	vsel vm14, $0x3380, v37;
	v3 =	vsel vm9, $0x1300, v3  }
0x56: {  	v24 =	vsel vm4, $0x2100, v24;
	v25 =	vsel vm4, $0x2180, v25;
	v26 =	vsel vm4, $0x2200, v26  }
0x57: {  	v27 =	vsel vm4, $0x2280, v27;
	v28 =	vsel vm4, $0x2300, v28;
	v29 =	vsel vm4, $0x2380, v29  }
0x58: {  	v30 =	vsel vm4, $0x2800, v30;
	v31 =	vsel vm4, $0x2880, v31;
	v0 =	vsel vm8, $0x800, v0  }
0x59: {  	[tilespmem:$0x1FAF0] =	vst v8;
	v1 =	vsel vm7, $0x880, v1;
	v2 =	vsel vm11, $0x800, v2;
	v8 =	vimm.s32 $0x880  }
0x5a: {  	v11 =	vsel vm12, $0x980, v9;
	v32 =	vsel vm13, $0x3080, v32;
	v33 =	vsel vm13, $0x3100, v33  }
0x5b: {  	v3 =	vsel vm10, $0x1380, v3;
	v22 =	vsel vm9, $0x2880, v22;
	v23 =	vsel vm9, $0x2900, v23  }
0x5c: {  	v37 =	vsel vm9, $0x3800, v37;
	v24 =	vsel vm5, $0x2180, v24;
	v25 =	vsel vm5, $0x2200, v25  }
0x5d: {  	v26 =	vsel vm5, $0x2280, v26;
	v27 =	vsel vm5, $0x2300, v27;
	v28 =	vsel vm5, $0x2380, v28  }
0x5e: {  	v29 =	vsel vm5, $0x2800, v29;
	v30 =	vsel vm5, $0x2880, v30;
	v31 =	vsel vm5, $0x2900, v31  }
0x5f: {  	v62 =	vand.u32 $0xF, v16;
	v0 =	vsel vm3, $0x880, v0;
	v51 =	vand.u32 $0xF, v36  }
0x60: {  	v1 =	vsel vm8, $0x900, v1;
	v2 =	vsel vm6, $0x880, v2;
	v10 =	vsel vm12, $0x900, v8  }
0x61: {  	v16 =	vimm.s32 $0xA80;
	v36 =	vimm.s32 $0x1080;
	v8 =	vsel vm12, $0x1800, v42  }
0x62: {  	v32 =	vsel vm14, $0x3100, v32;
	v33 =	vsel vm14, $0x3180, v33;
	v42 =	vimm.s32 $0x3880  }
0x63: {  	v3 =	vsel vm11, $0x1800, v3;
	v22 =	vsel vm10, $0x2900, v22;
	v23 =	vsel vm10, $0x2980, v23  }
0x64: {  	[tilespmem:$0x1F9F0] =	vst v18;
	v37 =	vsel vm10, $0x3880, v37;
	v0 =	vsel vm4, $0x900, v0;
	v1 =	vsel vm3, $0x980, v1  }
0x65: {  	[tilespmem:$0x1F9E0] =	vst v62;
	v2 =	vsel vm7, $0x900, v2;
	v62 =	vimm.s32 $0x380;
	v18 =	vsel vm12, $0xB00, v16  }
0x66: {  	v8 =	vsel vm13, $0x1880, v8;
	v42 =	vsel vm12, $0x3900, v42;
	v22 =	vsel vm11, $0x2980, v22  }
0x67: {  	v23 =	vsel vm11, $0x2A00, v23;
	v32 =	vsel vm9, $0x3180, v32;
	v33 =	vsel vm9, $0x3200, v33  }
0x68: {  	v37 =	vsel vm11, $0x3900, v37;
	v3 =	vsel vm6, $0x1880, v3;
	v0 =	vsel vm5, $0x980, v0  }
0x69: {  	v1 =	vsel vm4, $0xA00, v1;
	v2 =	vsel vm8, $0x980, v2;
	v4 =	vsel vm12, $0x800, v62  }
0x6a: {  	v8 =	vsel vm14, $0x1900, v8;
	v62 =	vimm.s32 $0x2100;
	v42 =	vsel vm13, $0x3980, v42  }
0x6b: {  	v32 =	vsel vm10, $0x3200, v32;
	v33 =	vsel vm10, $0x3280, v33;
	v3 =	vsel vm7, $0x1900, v3  }
0x6c: {  	v22 =	vsel vm6, $0x2A00, v22;
	v23 =	vsel vm6, $0x2A80, v23;
	v37 =	vsel vm6, $0x3980, v37  }
0x6d: {  	v0 =	vsel vm0, $0xA00, v0;
	v1 =	vsel vm5, $0xA80, v1;
	v2 =	vsel vm3, $0xA00, v2  }
0x6e: {  	v42 =	vsel vm14, $0x3A00, v42;
	v8 =	vsel vm9, $0x1980, v8;
	v32 =	vsel vm11, $0x3280, v32  }
0x6f: {  	v33 =	vsel vm11, $0x3300, v33;
	v3 =	vsel vm8, $0x1980, v3;
	v22 =	vsel vm7, $0x2A80, v22  }
0x70: {  	v23 =	vsel vm7, $0x2B00, v23;
	v37 =	vsel vm7, $0x3A00, v37;
	v0 =	vsel vm1, $0xA80, v0  }
0x71: {  	v1 =	vsel vm0, $0xB00, v1;
	v2 =	vsel vm4, $0xA80, v2;
	v8 =	vsel vm10, $0x1A00, v8  }
0x72: {  	v42 =	vsel vm9, $0x3A80, v42;
	v22 =	vsel vm8, $0x2B00, v22;
	v23 =	vsel vm8, $0x2B80, v23  }
0x73: {  	v32 =	vsel vm6, $0x3300, v32;
	v33 =	vsel vm6, $0x3380, v33;
	v37 =	vsel vm8, $0x3A80, v37  }
0x74: {  	v3 =	vsel vm3, $0x1A00, v3;
	v0 =	vsel vm2, $0xB00, v0;
	v1 =	vsel vm1, $0xB80, v1  }
0x75: {  	v2 =	vsel vm5, $0xB00, v2;
	v8 =	vsel vm11, $0x1A80, v8;
	v42 =	vsel vm10, $0x3B00, v42  }
0x76: {  	v32 =	vsel vm7, $0x3380, v32;
	v33 =	vsel vm7, $0x3800, v33;
	v3 =	vsel vm4, $0x1A80, v3  }
0x77: {  	[tilespmem:$0x1F9C0] =	vst v57;
	v22 =	vsel vm3, $0x2B80, v22;
	v23 =	vsel vm3, $0x2000, v23;
	v37 =	vsel vm3, $0x3B00, v37  }
0x78: {  	[tilespmem:$0x1F9B0] =	vst v0;
	v0 =	vsel vm13, $0x100, v43;
	v57 =	vsel vm2, $0x0, v1;
	v46 =	vsel vm0, $0xB80, v2  }
0x79: {  	v1 =	vsel vm13, $0x300, v50;
	v2 =	vsel vm12, $0x300, v55;
	v43 =	vimm.s32 $0x1800  }
0x7a: {  	v50 =	vimm.s32 $0x2B80;
	v55 =	vimm.s32 $0x2000;
	v42 =	vsel vm11, $0x3B80, v42  }
0x7b: {  	v8 =	vsel vm6, $0x1B00, v8;
	v32 =	vsel vm8, $0x3800, v32;
	v33 =	vsel vm8, $0x3880, v33  }
0x7c: {  	v3 =	vsel vm5, $0x1B00, v3;
	v22 =	vsel vm4, $0x2000, v22;
	v23 =	vsel vm4, $0x2080, v23  }
0x7d: {  	v37 =	vsel vm4, $0x3B80, v37;
	v0 =	vsel vm14, $0x180, v0;
	v1 =	vsel vm14, $0x380, v1  }
0x7e: {  	v2 =	vsel vm13, $0x380, v2;
	v9 =	vsel vm12, $0x1880, v43;
	v16 =	vsel vm12, $0x2000, v50  }
0x7f: {  	v43 =	vimm.s32 $0x3900;
	v50 =	vimm.s32 $0x1D1C1B1A;
	v8 =	vsel vm7, $0x1B80, v8  }
0x80: {  	v42 =	vsel vm6, $0x3000, v42;
	v22 =	vsel vm5, $0x2080, v22;
	v23 =	vsel vm5, $0x2100, v23  }
0x81: {  	v32 =	vsel vm3, $0x3880, v32;
	v33 =	vsel vm3, $0x3900, v33;
	v0 =	vsel vm9, $0x200, v0  }
0x82: {  	v1 =	vsel vm9, $0x800, v1;
	v2 =	vsel vm14, $0x800, v2;
	v9 =	vsel vm13, $0x1900, v9  }
0x83: {  	v16 =	vsel vm13, $0x2080, v16;
	v43 =	vsel vm12, $0x3980, v43;
	v8 =	vsel vm8, $0x1000, v8  }
0x84: {  	v42 =	vsel vm7, $0x3080, v42;
	v32 =	vsel vm4, $0x3900, v32;
	v33 =	vsel vm4, $0x3980, v33  }
0x85: {  	v0 =	vsel vm10, $0x280, v0;
	v1 =	vsel vm10, $0x880, v1;
	v2 =	vsel vm9, $0x880, v2  }
0x86: {  	v9 =	vsel vm14, $0x1980, v9;
	v16 =	vsel vm14, $0x2100, v16;
	v43 =	vsel vm13, $0x3A00, v43  }
0x87: {  	v42 =	vsel vm8, $0x3100, v42;
	v8 =	vsel vm3, $0x1080, v8;
	v33 =	vsel vm5, $0x3A00, v33  }
0x88: {  	v0 =	vsel vm11, $0x300, v0;
	v1 =	vsel vm11, $0x900, v1;
	v2 =	vsel vm10, $0x900, v2  }
0x89: {  	v43 =	vsel vm14, $0x3A80, v43;
	v9 =	vsel vm9, $0x1A00, v9;
	v16 =	vsel vm9, $0x2180, v16  }
0x8a: {  	v8 =	vsel vm4, $0x1100, v8;
	v42 =	vsel vm3, $0x3180, v42;
	v0 =	vsel vm6, $0x380, v0  }
0x8b: {  	v1 =	vsel vm6, $0x980, v1;
	v2 =	vsel vm11, $0x980, v2;
	v9 =	vsel vm10, $0x1A80, v9  }
0x8c: {  	v16 =	vsel vm10, $0x2200, v16;
	v43 =	vsel vm9, $0x3B00, v43;
	v8 =	vsel vm5, $0x1180, v8  }
0x8d: {  	v42 =	vsel vm4, $0x3200, v42;
	v0 =	vsel vm7, $0x800, v0;
	v1 =	vsel vm7, $0xA00, v1  }
0x8e: {  	v2 =	vsel vm6, $0xA00, v2;
	v9 =	vsel vm11, $0x1B00, v9;
	v16 =	vsel vm11, $0x2280, v16  }
0x8f: {  	v43 =	vsel vm10, $0x3B80, v43;
	v0 =	vsel vm8, $0x880, v0;
	v1 =	vsel vm8, $0xA80, v1  }
0x90: {  	v2 =	vsel vm7, $0xA80, v2;
	v43 =	vsel vm11, $0x3000, v43;
	v9 =	vsel vm6, $0x1B80, v9  }
0x91: {  	v16 =	vsel vm6, $0x2300, v16;
	v0 =	vsel vm3, $0x900, v0;
	v1 =	vsel vm3, $0xB00, v1  }
0x92: {  	v2 =	vsel vm8, $0xB00, v2;
	v9 =	vsel vm7, $0x1000, v9;
	v16 =	vsel vm7, $0x2380, v16  }
0x93: {  	v43 =	vsel vm6, $0x3080, v43;
	v0 =	vsel vm4, $0x980, v0;
	v1 =	vsel vm4, $0xB80, v1  }
0x94: {  	v2 =	vsel vm3, $0xB80, v2;
	v9 =	vsel vm8, $0x1080, v9;
	v16 =	vsel vm8, $0x2800, v16  }
0x95: {  	v43 =	vsel vm7, $0x3100, v43;
	v0 =	vsel vm5, $0xA00, v0;
	v1 =	vsel vm5, $0x0, v1  }
0x96: {  	v2 =	vsel vm4, $0x0, v2;
	v43 =	vsel vm8, $0x3180, v43;
	v9 =	vsel vm3, $0x1100, v9  }
0x97: {  	v16 =	vsel vm3, $0x2880, v16;
	v0 =	vsel vm0, $0xA80, v0;
	v1 =	vsel vm0, $0x80, v1  }
0x98: {  	v2 =	vsel vm5, $0x80, v2;
	v9 =	vsel vm4, $0x1180, v9;
	v16 =	vsel vm4, $0x2900, v16  }
0x99: {  	v43 =	vsel vm3, $0x3200, v43;
	v0 =	vsel vm1, $0xB00, v0;
	v1 =	vsel vm1, $0x100, v1  }
0x9a: {  	v56 =	vsel vm0, $0x100, v2;
	v2 =	vsel vm12, $0x880, v5;
	v5 =	vsel vm12, $0x1280, v39  }
0x9b: {  	v39 =	vimm.s32 $0x3300;
	v9 =	vsel vm5, $0x1200, v9;
	v16 =	vsel vm5, $0x2980, v16  }
0x9c: {  	v43 =	vsel vm4, $0x3280, v43;
	v54 =	vsel vm2, $0xB80, v0;
	v0 =	vsel vm1, $0x0, v46  }
0x9d: {  	v60 =	vsel vm2, $0x180, v1;
	v1 =	vsel vm13, $0x880, v4;
	v2 =	vsel vm13, $0x900, v2  }
0x9e: {  	v4 =	vsel vm12, $0x1200, v38;
	v5 =	vsel vm13, $0x1300, v5;
	v46 =	vimm.s32 $0x1980  }
0x9f: {  	v38 =	vimm.s32 $0x3280;
	v39 =	vsel vm12, $0x3380, v39;
	v43 =	vsel vm5, $0x3300, v43  }
0xa0: {  	[tilespmem:$0x1F9A0] =	vst v58;
	v58 =	vsel vm2, $0x80, v0;
	v0 =	vsel vm13, $0x280, v49;
	v1 =	vsel vm14, $0x900, v1  }
0xa1: {  	v2 =	vsel vm14, $0x980, v2;
	v4 =	vsel vm13, $0x1280, v4;
	v5 =	vsel vm14, $0x1380, v5  }
0xa2: {  	v49 =	vimm.s32 $0x1B00;
	v38 =	vsel vm12, $0x3300, v38;
	v39 =	vsel vm13, $0x3800, v39  }
0xa3: {  	v0 =	vsel vm14, $0x300, v0;
	v1 =	vsel vm9, $0x980, v1;
	v2 =	vsel vm9, $0xA00, v2  }
0xa4: {  	v4 =	vsel vm14, $0x1300, v4;
	v15 =	vsel vm12, $0x1B80, v49;
	v38 =	vsel vm13, $0x3380, v38  }
0xa5: {  	v39 =	vsel vm14, $0x3880, v39;
	v49 =	vimm.s32 $0x18171615;
	v5 =	vsel vm9, $0x1800, v5  }
0xa6: {  	v0 =	vsel vm9, $0x380, v0;
	v1 =	vsel vm10, $0xA00, v1;
	v2 =	vsel vm10, $0xA80, v2  }
0xa7: {  	v15 =	vsel vm13, $0x1000, v15;
	v38 =	vsel vm14, $0x3800, v38;
	v4 =	vsel vm9, $0x1380, v4  }
0xa8: {  	v5 =	vsel vm10, $0x1880, v5;
	v39 =	vsel vm9, $0x3900, v39;
	v0 =	vsel vm10, $0x800, v0  }
0xa9: {  	v1 =	vsel vm11, $0xA80, v1;
	v2 =	vsel vm11, $0xB00, v2;
	v15 =	vsel vm14, $0x1080, v15  }
0xaa: {  	v4 =	vsel vm10, $0x1800, v4;
	v5 =	vsel vm11, $0x1900, v5;
	v38 =	vsel vm9, $0x3880, v38  }
0xab: {  	v39 =	vsel vm10, $0x3980, v39;
	v0 =	vsel vm11, $0x880, v0;
	v1 =	vsel vm6, $0xB00, v1  }
0xac: {  	v2 =	vsel vm6, $0xB80, v2;
	v4 =	vsel vm11, $0x1880, v4;
	v15 =	vsel vm9, $0x1100, v15  }
0xad: {  	v38 =	vsel vm10, $0x3900, v38;
	v39 =	vsel vm11, $0x3A00, v39;
	v5 =	vsel vm6, $0x1980, v5  }
0xae: {  	v0 =	vsel vm6, $0x900, v0;
	v1 =	vsel vm7, $0xB80, v1;
	v2 =	vsel vm7, $0x0, v2  }
0xaf: {  	v15 =	vsel vm10, $0x1180, v15;
	v38 =	vsel vm11, $0x3980, v38;
	v4 =	vsel vm6, $0x1900, v4  }
0xb0: {  	v5 =	vsel vm7, $0x1A00, v5;
	v39 =	vsel vm6, $0x3A80, v39;
	v0 =	vsel vm7, $0x980, v0  }
0xb1: {  	v1 =	vsel vm8, $0x0, v1;
	v2 =	vsel vm8, $0x80, v2;
	v15 =	vsel vm11, $0x1200, v15  }
0xb2: {  	v4 =	vsel vm7, $0x1980, v4;
	v5 =	vsel vm8, $0x1A80, v5;
	v38 =	vsel vm6, $0x3A00, v38  }
0xb3: {  	v39 =	vsel vm7, $0x3B00, v39;
	v0 =	vsel vm8, $0xA00, v0;
	v1 =	vsel vm3, $0x80, v1  }
0xb4: {  	v2 =	vsel vm3, $0x100, v2;
	v4 =	vsel vm8, $0x1A00, v4;
	v15 =	vsel vm6, $0x1280, v15  }
0xb5: {  	v38 =	vsel vm7, $0x3A80, v38;
	v39 =	vsel vm8, $0x3B80, v39;
	v5 =	vsel vm3, $0x1B00, v5  }
0xb6: {  	v0 =	vsel vm3, $0xA80, v0;
	v1 =	vsel vm4, $0x100, v1;
	v2 =	vsel vm4, $0x180, v2  }
0xb7: {  	v15 =	vsel vm7, $0x1300, v15;
	v38 =	vsel vm8, $0x3B00, v38;
	v4 =	vsel vm3, $0x1A80, v4  }
0xb8: {  	v5 =	vsel vm4, $0x1B80, v5;
	v39 =	vsel vm3, $0x3000, v39;
	v0 =	vsel vm4, $0xB00, v0  }
0xb9: {  	v1 =	vsel vm5, $0x180, v1;
	v2 =	vsel vm5, $0x200, v2;
	v15 =	vsel vm8, $0x1380, v15  }
0xba: {  	v4 =	vsel vm4, $0x1B00, v4;
	v5 =	vsel vm5, $0x1000, v5;
	v38 =	vsel vm3, $0x3B80, v38  }
0xbb: {  	v39 =	vsel vm4, $0x3080, v39;
	v0 =	vsel vm5, $0xB80, v0;
	v1 =	vsel vm0, $0x200, v1  }
0xbc: {  	v7 =	vsel vm0, $0x280, v2;
	v2 =	vsel vm12, $0xA00, v12;
	v12 =	vsel vm12, $0x1A00, v46  }
0xbd: {  	v4 =	vsel vm5, $0x1B80, v4;
	v15 =	vsel vm3, $0x1800, v15;
	v38 =	vsel vm4, $0x3000, v38  }
0xbe: {  	v39 =	vsel vm5, $0x3100, v39;
	v0 =	vsel vm0, $0x0, v0;
	v1 =	vsel vm1, $0x280, v1  }
0xbf: {  	v2 =	vsel vm13, $0xA80, v2;
	v12 =	vsel vm13, $0x1A80, v12;
	v15 =	vsel vm4, $0x1880, v15  }
0xc0: {  	v38 =	vsel vm5, $0x3080, v38;
	v0 =	vsel vm1, $0x80, v0;
	v6 =	vsel vm2, $0x300, v1  }
0xc1: {  	v1 =	vsel vm13, $0xA00, v11;
	v2 =	vsel vm14, $0xB00, v2;
	v11 =	vsel vm12, $0x1980, v45  }
0xc2: {  	v12 =	vsel vm14, $0x1B00, v12;
	v45 =	vimm.s32 $0x3A00;
	v15 =	vsel vm5, $0x1900, v15  }
0xc3: {  	v59 =	vsel vm2, $0x100, v0;
	v0 =	vsel vm1, $0x180, v56;
	v1 =	vsel vm14, $0xA80, v1  }
0xc4: {  	[tilespmem:$0x1FA30] =	vst v6;
	v2 =	vsel vm9, $0xB80, v2;
	v6 =	vsel vm12, $0x1300, v40;
	v11 =	vsel vm13, $0x1A00, v11  }
0xc5: {  	v56 =	vimm.s32 $0x2080;
	v40 =	vimm.s32 $0x3380;
	v45 =	vsel vm12, $0x3A80, v45  }
0xc6: {  	v12 =	vsel vm9, $0x1B80, v12;
	v0 =	vsel vm2, $0x200, v0;
	v1 =	vsel vm9, $0xB00, v1  }
0xc7: {  	v2 =	vsel vm10, $0x0, v2;
	v6 =	vsel vm13, $0x1380, v6;
	v11 =	vsel vm14, $0x1A80, v11  }
0xc8: {  	v40 =	vsel vm12, $0x3800, v40;
	v45 =	vsel vm13, $0x3B00, v45;
	v12 =	vsel vm10, $0x1000, v12  }
0xc9: {  	[tilespmem:$0x1FA10] =	vst v0;
	v0 =	vsel vm13, $0x800, v63;
	v1 =	vsel vm10, $0xB80, v1;
	v2 =	vsel vm11, $0x80, v2  }
0xca: {  	v6 =	vsel vm14, $0x1800, v6;
	v40 =	vsel vm13, $0x3880, v40;
	v45 =	vsel vm14, $0x3B80, v45  }
0xcb: {  	v63 =	vunpack.c.0.s8.s32 v49;
	v11 =	vsel vm9, $0x1B00, v11;
	v12 =	vsel vm11, $0x1080, v12  }
0xcc: {  	v0 =	vsel vm14, $0x880, v0;
	v1 =	vsel vm11, $0x0, v1;
	v2 =	vsel vm6, $0x100, v2  }
0xcd: {  	v40 =	vsel vm14, $0x3900, v40;
	v6 =	vsel vm9, $0x1880, v6;
	v11 =	vsel vm10, $0x1B80, v11  }
0xce: {  	v45 =	vsel vm9, $0x3000, v45;
	v12 =	vsel vm6, $0x1100, v12;
	v0 =	vsel vm9, $0x900, v0  }
0xcf: {  	v1 =	vsel vm6, $0x80, v1;
	v2 =	vsel vm7, $0x180, v2;
	v6 =	vsel vm10, $0x1900, v6  }
0xd0: {  	v11 =	vsel vm11, $0x1000, v11;
	v40 =	vsel vm9, $0x3980, v40;
	v45 =	vsel vm10, $0x3080, v45  }
0xd1: {  	[tilespmem:$0x1FD50] =	vst v63;
	v63 =	vimm.s32 $0x19181716;
	v12 =	vsel vm7, $0x1180, v12;
	v0 =	vsel vm10, $0x980, v0  }
0xd2: {  	v1 =	vsel vm7, $0x100, v1;
	v2 =	vsel vm8, $0x200, v2;
	v6 =	vsel vm11, $0x1980, v6  }
0xd3: {  	v40 =	vsel vm10, $0x3A00, v40;
	v45 =	vsel vm11, $0x3100, v45;
	v11 =	vsel vm6, $0x1080, v11  }
0xd4: {  	v12 =	vsel vm8, $0x1200, v12;
	v0 =	vsel vm11, $0xA00, v0;
	v1 =	vsel vm8, $0x180, v1  }
0xd5: {  	v2 =	vsel vm3, $0x280, v2;
	v40 =	vsel vm11, $0x3A80, v40;
	v6 =	vsel vm6, $0x1A00, v6  }
0xd6: {  	v11 =	vsel vm7, $0x1100, v11;
	v45 =	vsel vm6, $0x3180, v45;
	v12 =	vsel vm3, $0x1280, v12  }
0xd7: {  	v0 =	vsel vm6, $0xA80, v0;
	v1 =	vsel vm3, $0x200, v1;
	v2 =	vsel vm4, $0x300, v2  }
0xd8: {  	v6 =	vsel vm7, $0x1A80, v6;
	v11 =	vsel vm8, $0x1180, v11;
	v40 =	vsel vm6, $0x3B00, v40  }
0xd9: {  	v45 =	vsel vm7, $0x3200, v45;
	v12 =	vsel vm4, $0x1300, v12;
	v0 =	vsel vm7, $0xB00, v0  }
0xda: {  	v1 =	vsel vm4, $0x280, v1;
	v2 =	vsel vm5, $0x380, v2;
	v6 =	vsel vm8, $0x1B00, v6  }
0xdb: {  	v40 =	vsel vm7, $0x3B80, v40;
	v45 =	vsel vm8, $0x3280, v45;
	v11 =	vsel vm3, $0x1200, v11  }
0xdc: {  	v12 =	vsel vm5, $0x1380, v12;
	v0 =	vsel vm8, $0xB80, v0;
	v1 =	vsel vm5, $0x300, v1  }
0xdd: {  	v14 =	vsel vm0, $0x800, v2;
	v2 =	vsel vm12, $0xB80, v19;
	v19 =	vsel vm12, $0x2180, v62  }
0xde: {  	v62 =	vimm.s32 $0x15141312;
	v40 =	vsel vm8, $0x3000, v40;
	v6 =	vsel vm3, $0x1B80, v6  }
0xdf: {  	v11 =	vsel vm4, $0x1280, v11;
	v45 =	vsel vm3, $0x3300, v45;
	v0 =	vsel vm3, $0x0, v0  }
0xe0: {  	v1 =	vsel vm0, $0x380, v1;
	v2 =	vsel vm13, $0x0, v2;
	v19 =	vsel vm13, $0x2200, v19  }
0xe1: {  	v6 =	vsel vm4, $0x1000, v6;
	v11 =	vsel vm5, $0x1300, v11;
	v40 =	vsel vm3, $0x3080, v40  }
0xe2: {  	v45 =	vsel vm4, $0x3380, v45;
	v0 =	vsel vm4, $0x80, v0;
	v1 =	vsel vm1, $0x800, v1  }
0xe3: {  	v2 =	vsel vm14, $0x80, v2;
	v19 =	vsel vm14, $0x2280, v19;
	v6 =	vsel vm5, $0x1080, v6  }
0xe4: {  	v40 =	vsel vm4, $0x3100, v40;
	v45 =	vsel vm5, $0x3800, v45;
	v0 =	vsel vm5, $0x100, v0  }
0xe5: {  	v13 =	vsel vm2, $0x880, v1;
	v1 =	vsel vm13, $0xB80, v18;
	v2 =	vsel vm9, $0x100, v2  }
0xe6: {  	v18 =	vsel vm12, $0x2100, v56;
	v19 =	vsel vm9, $0x2300, v19;
	v56 =	vimm.s32 $0x11101F1E  }
0xe7: {  	v40 =	vsel vm5, $0x3180, v40;
	v0 =	vsel vm0, $0x180, v0;
	v1 =	vsel vm14, $0x0, v1  }
0xe8: {  	[tilespmem:$0x1F820] =	vst v13;
	v2 =	vsel vm10, $0x180, v2;
	v13 =	vsel vm12, $0x1A80, v47;
	v18 =	vsel vm13, $0x2180, v18  }
0xe9: {  	v47 =	vimm.s32 $0x3B00;
	v19 =	vsel vm10, $0x2380, v19;
	v0 =	vsel vm1, $0x200, v0  }
0xea: {  	v1 =	vsel vm9, $0x80, v1;
	v2 =	vsel vm11, $0x200, v2;
	v13 =	vsel vm13, $0x1B00, v13  }
0xeb: {  	v18 =	vsel vm14, $0x2200, v18;
	v47 =	vsel vm12, $0x3B80, v47;
	v19 =	vsel vm11, $0x2800, v19  }
0xec: {  	v0 =	vsel vm2, $0x280, v0;
	v1 =	vsel vm10, $0x100, v1;
	v2 =	vsel vm6, $0x280, v2  }
0xed: {  	v13 =	vsel vm14, $0x1B80, v13;
	v47 =	vsel vm13, $0x3000, v47;
	v18 =	vsel vm9, $0x2280, v18  }
0xee: {  	v19 =	vsel vm6, $0x2880, v19;
	[tilespmem:$0x1FA20] =	vst v0;
	v0 =	vsel vm1, $0x300, v7;
	v1 =	vsel vm11, $0x180, v1  }
0xef: {  	v2 =	vsel vm7, $0x300, v2;
	v7 =	vsel vm12, $0x1380, v41;
	v41 =	vimm.s32 $0x3800  }
0xf0: {  	v47 =	vsel vm14, $0x3080, v47;
	v13 =	vsel vm9, $0x1000, v13;
	v18 =	vsel vm10, $0x2300, v18  }
0xf1: {  	v19 =	vsel vm7, $0x2900, v19;
	v0 =	vsel vm2, $0x380, v0;
	v1 =	vsel vm6, $0x200, v1  }
0xf2: {  	v2 =	vsel vm8, $0x380, v2;
	v7 =	vsel vm13, $0x1800, v7;
	v41 =	vsel vm12, $0x3880, v41  }
0xf3: {  	v13 =	vsel vm10, $0x1080, v13;
	v18 =	vsel vm11, $0x2380, v18;
	v47 =	vsel vm9, $0x3100, v47  }
0xf4: {  	v19 =	vsel vm8, $0x2980, v19;
	[tilespmem:$0x1FA50] =	vst v0;
	v0 =	vsel vm13, $0x980, v10;
	v1 =	vsel vm7, $0x280, v1  }
0xf5: {  	v2 =	vsel vm3, $0x800, v2;
	v7 =	vsel vm14, $0x1880, v7;
	v10 =	vsel vm12, $0x1900, v44  }
0xf6: {  	v41 =	vsel vm13, $0x3900, v41;
	v44 =	vimm.s32 $0x3980;
	v13 =	vsel vm11, $0x1100, v13  }
0xf7: {  	v47 =	vsel vm10, $0x3180, v47;
	v18 =	vsel vm6, $0x2800, v18;
	v19 =	vsel vm3, $0x2A00, v19  }
0xf8: {  	v0 =	vsel vm14, $0xA00, v0;
	v1 =	vsel vm8, $0x300, v1;
	v2 =	vsel vm4, $0x880, v2  }
0xf9: {  	v10 =	vsel vm13, $0x1980, v10;
	v41 =	vsel vm14, $0x3980, v41;
	v44 =	vsel vm12, $0x3A00, v44  }
0xfa: {  	v7 =	vsel vm9, $0x1900, v7;
	v47 =	vsel vm11, $0x3200, v47;
	v13 =	vsel vm6, $0x1180, v13  }
0xfb: {  	v18 =	vsel vm7, $0x2880, v18;
	v19 =	vsel vm4, $0x2A80, v19;
	v0 =	vsel vm9, $0xA80, v0  }
0xfc: {  	v1 =	vsel vm3, $0x380, v1;
	v2 =	vsel vm5, $0x900, v2;
	v10 =	vsel vm14, $0x1A00, v10  }
0xfd: {  	v44 =	vsel vm13, $0x3A80, v44;
	v7 =	vsel vm10, $0x1980, v7;
	v41 =	vsel vm9, $0x3A00, v41  }
0xfe: {  	v13 =	vsel vm7, $0x1200, v13;
	v18 =	vsel vm8, $0x2900, v18;
	v47 =	vsel vm6, $0x3280, v47  }
0xff: {  	v19 =	vsel vm5, $0x2B00, v19;
	v0 =	vsel vm10, $0xB00, v0;
	v1 =	vsel vm4, $0x800, v1  }
0x100: {  	v21 =	vsel vm0, $0x980, v2;
	v2 =	vsel vm12, $0x1100, v36;
	v36 =	vimm.s32 $0x3180  }
0x101: {  	v44 =	vsel vm14, $0x3B00, v44;
	v7 =	vsel vm11, $0x1A00, v7;
	v10 =	vsel vm9, $0x1A80, v10  }
0x102: {  	v41 =	vsel vm10, $0x3A80, v41;
	v13 =	vsel vm8, $0x1280, v13;
	v47 =	vsel vm7, $0x3300, v47  }
0x103: {  	v18 =	vsel vm3, $0x2980, v18;
	v0 =	vsel vm11, $0xB80, v0;
	v1 =	vsel vm5, $0x880, v1  }
0x104: {  	v2 =	vsel vm13, $0x1180, v2;
	v36 =	vsel vm12, $0x3200, v36;
	v10 =	vsel vm10, $0x1B00, v10  }
0x105: {  	v41 =	vsel vm11, $0x3B00, v41;
	v44 =	vsel vm9, $0x3B80, v44;
	v7 =	vsel vm6, $0x1A80, v7  }
0x106: {  	v47 =	vsel vm8, $0x3380, v47;
	v13 =	vsel vm3, $0x1300, v13;
	v18 =	vsel vm4, $0x2A00, v18  }
0x107: {  	v0 =	vsel vm6, $0x0, v0;
	v1 =	vsel vm0, $0x900, v1;
	v2 =	vsel vm14, $0x1200, v2  }
0x108: {  	v36 =	vsel vm13, $0x3280, v36;
	v10 =	vsel vm11, $0x1B80, v10;
	v44 =	vsel vm10, $0x3000, v44  }
0x109: {  	v7 =	vsel vm7, $0x1B00, v7;
	v41 =	vsel vm6, $0x3B80, v41;
	v13 =	vsel vm4, $0x1380, v13  }
0x10a: {  	v18 =	vsel vm5, $0x2A80, v18;
	v47 =	vsel vm3, $0x3800, v47;
	v0 =	vsel vm7, $0x80, v0  }
0x10b: {  	v1 =	vsel vm1, $0x980, v1;
	v36 =	vsel vm14, $0x3300, v36;
	v2 =	vsel vm9, $0x1280, v2  }
0x10c: {  	v44 =	vsel vm11, $0x3080, v44;
	v7 =	vsel vm8, $0x1B80, v7;
	v10 =	vsel vm6, $0x1000, v10  }
0x10d: {  	v41 =	vsel vm7, $0x3000, v41;
	v13 =	vsel vm5, $0x1800, v13;
	v47 =	vsel vm4, $0x3880, v47  }
0x10e: {  	v0 =	vsel vm8, $0x100, v0;
	v20 =	vsel vm2, $0xA00, v1;
	v1 =	vsel vm12, $0x1080, v35  }
0x10f: {  	v35 =	vimm.s32 $0x3100;
	v2 =	vsel vm10, $0x1300, v2;
	v36 =	vsel vm9, $0x3380, v36  }
0x110: {  	v10 =	vsel vm7, $0x1080, v10;
	v41 =	vsel vm8, $0x3080, v41;
	v44 =	vsel vm6, $0x3100, v44  }
0x111: {  	v7 =	vsel vm3, $0x1000, v7;
	v47 =	vsel vm5, $0x3900, v47;
	v0 =	vsel vm3, $0x180, v0  }
0x112: {  	[tilespmem:$0x1F850] =	vst v20;
	v1 =	vsel vm13, $0x1100, v1;
	v20 =	vimm.s32 $0x2180;
	v35 =	vsel vm12, $0x3180, v35  }
0x113: {  	v2 =	vsel vm11, $0x1380, v2;
	v36 =	vsel vm10, $0x3800, v36;
	v10 =	vsel vm8, $0x1100, v10  }
0x114: {  	v44 =	vsel vm7, $0x3180, v44;
	v7 =	vsel vm4, $0x1080, v7;
	v41 =	vsel vm3, $0x3100, v41  }
0x115: {  	v0 =	vsel vm4, $0x200, v0;
	v1 =	vsel vm14, $0x1180, v1;
	v20 =	vsel vm12, $0x2200, v20  }
0x116: {  	v35 =	vsel vm13, $0x3200, v35;
	v36 =	vsel vm11, $0x3880, v36;
	v2 =	vsel vm6, $0x1800, v2  }
0x117: {  	v44 =	vsel vm8, $0x3200, v44;
	v7 =	vsel vm5, $0x1100, v7;
	v10 =	vsel vm3, $0x1180, v10  }
0x118: {  	v41 =	vsel vm4, $0x3180, v41;
	v0 =	vsel vm5, $0x280, v0;
	v20 =	vsel vm13, $0x2280, v20  }
0x119: {  	v35 =	vsel vm14, $0x3280, v35;
	v1 =	vsel vm9, $0x1200, v1;
	v2 =	vsel vm7, $0x1880, v2  }
0x11a: {  	v36 =	vsel vm6, $0x3900, v36;
	v10 =	vsel vm4, $0x1200, v10;
	v41 =	vsel vm5, $0x3200, v41  }
0x11b: {  	v44 =	vsel vm3, $0x3280, v44;
	v0 =	vsel vm0, $0x300, v0;
	v20 =	vsel vm14, $0x2300, v20  }
0x11c: {  	v1 =	vsel vm10, $0x1280, v1;
	v35 =	vsel vm9, $0x3300, v35;
	v2 =	vsel vm8, $0x1900, v2  }
0x11d: {  	v36 =	vsel vm7, $0x3980, v36;
	v10 =	vsel vm5, $0x1280, v10;
	v44 =	vsel vm4, $0x3300, v44  }
0x11e: {  	v0 =	vsel vm1, $0x380, v0;
	v1 =	vsel vm11, $0x1300, v1;
	v20 =	vsel vm9, $0x2380, v20  }
0x11f: {  	v35 =	vsel vm10, $0x3380, v35;
	v36 =	vsel vm8, $0x3A00, v36;
	v2 =	vsel vm3, $0x1980, v2  }
0x120: {  	v44 =	vsel vm5, $0x3380, v44;
	v61 =	vsel vm2, $0x800, v0;
	v0 =	vsel vm1, $0x880, v14  }
0x121: {  	v14 =	vsel vm12, $0x1B00, v48;
	v48 =	vimm.s32 $0x14131211;
	v20 =	vsel vm10, $0x2800, v20  }
0x122: {  	v35 =	vsel vm11, $0x3800, v35;
	v1 =	vsel vm6, $0x1380, v1;
	v2 =	vsel vm4, $0x1A00, v2  }
0x123: {  	v36 =	vsel vm3, $0x3A80, v36;
	v0 =	vsel vm2, $0x900, v0;
	v14 =	vsel vm13, $0x1B80, v14  }
0x124: {  	v48 =	vunpack.c.0.s8.s32 v48;
	v20 =	vsel vm11, $0x2880, v20;
	v1 =	vsel vm7, $0x1800, v1  }
0x125: {  	v35 =	vsel vm6, $0x3880, v35;
	v2 =	vsel vm5, $0x1A80, v2;
	v36 =	vsel vm4, $0x3B00, v36  }
0x126: {  	[tilespmem:$0x1F830] =	vst v0;
	v0 =	vsel vm13, $0xB00, v17;
	v14 =	vsel vm14, $0x1000, v14;
	v17 =	vsel vm12, $0x2080, v55  }
0x127: {  	v55 =	vunpack.c.0.s8.s32 v50;
	v1 =	vsel vm8, $0x1880, v1;
	v20 =	vsel vm6, $0x2900, v20  }
0x128: {  	v35 =	vsel vm7, $0x3900, v35;
	v36 =	vsel vm5, $0x3B80, v36;
	v2 =	vsel vm0, $0x1B00, v2  }
0x129: {  	v0 =	vsel vm14, $0xB80, v0;
	v17 =	vsel vm13, $0x2100, v17;
	v14 =	vsel vm9, $0x1080, v14  }
0x12a: {  	[tilespmem:$0x1FAD0] =	vst v48;
	v48 =	vunpack.c.0.s8.s32 v56;
	v56 =	vunpack.c.0.s8.s32 v63;
	v20 =	vsel vm7, $0x2980, v20  }
0x12b: {  	v35 =	vsel vm8, $0x3980, v35;
	v63 =	vimm.s32 $0x1211101F;
	v1 =	vsel vm3, $0x1900, v1  }
0x12c: {  	v2 =	vsel vm1, $0x1B80, v2;
	v0 =	vsel vm9, $0x0, v0;
	v17 =	vsel vm14, $0x2180, v17  }
0x12d: {  	[tilespmem:$0x1FD70] =	vst v55;
	v14 =	vsel vm10, $0x1100, v14;
	v55 =	vunpack.c.0.s8.s32 v62;
	v20 =	vsel vm8, $0x2A00, v20  }
0x12e: {  	v62 =	vimm.s32 $0x1E1D1C1B;
	v1 =	vsel vm4, $0x1980, v1;
	v35 =	vsel vm3, $0x3A00, v35  }
0x12f: {  	v0 =	vsel vm10, $0x80, v0;
	v14 =	vsel vm11, $0x1180, v14;
	v17 =	vsel vm9, $0x2200, v17;
	[tilespmem:$0x1FD60] =	vst v48  }
0x130: {  	[tilespmem:$0x1FD90] =	vst v56;
	v48 =	vunpack.c.0.s8.s32 v62;
	v56 =	vunpack.c.0.s8.s32 v63;
	v1 =	vsel vm5, $0x1A00, v1  }
0x131: {  	v20 =	vsel vm3, $0x2A80, v20;
	v35 =	vsel vm4, $0x3A80, v35;
	v63 =	vsel vm5, $0x3000, v37  }
0x132: {  	v37 =	vimm.s32 $0x1A191817;
	v0 =	vsel vm11, $0x100, v0;
	v17 =	vsel vm10, $0x2280, v17  }
0x133: {  	[tilespmem:$0x1FD80] =	vst v55;
	v14 =	vsel vm6, $0x1200, v14;
	v55 =	vimm.s32 $0x16151413;
	v20 =	vsel vm4, $0x2B00, v20  }
0x134: {  	v35 =	vsel vm5, $0x3B00, v35;
	[tilespmem:$0x1FA60] =	vst v63;
	v63 =	vsel vm5, $0x3280, v42;
	v42 =	vimm.s32 $0x1F1E1D1C  }
0x135: {  	v1 =	vsel vm0, $0x1A80, v1;
	v0 =	vsel vm6, $0x180, v0;
	v17 =	vsel vm11, $0x2300, v17  }
0x136: {  	v14 =	vsel vm7, $0x1280, v14;
	[tilespmem:$0x1FE00] =	vst v48;
	v62 =	vunpack.c.0.s8.s32 v55;
	v20 =	vsel vm5, $0x2B80, v20  }
0x137: {  	[tilespmem:$0x1FE10] =	vst v56;
	v55 =	vsel vm5, $0x3980, v32;
	v56 =	vimm.s32 $0x13121110;
	v48 =	vunpack.c.0.s8.s32 v37  }
0x138: {  	v49 =	vunpack.c.0.s8.s32 v42;
	v1 =	vsel vm1, $0x1B00, v1;
	v37 =	vsel vm2, $0x1000, v2  }
0x139: {  	v42 =	vsel vm0, $0x1000, v4;
	v4 =	vsel vm0, $0x1200, v8;
	v8 =	vsel vm0, $0x1300, v10  }
0x13a: {  	v0 =	vsel vm7, $0x200, v0;
	v14 =	vsel vm8, $0x1300, v14;
	v17 =	vsel vm6, $0x2380, v17  }
0x13b: {  	v50 =	vunpack.c.0.s8.s32 v56;
	v32 =	vsel vm2, $0x1B80, v1;
	v1 =	vsel vm1, $0x1080, v42  }
0x13c: {  	v56 =	vsel vm0, $0x1100, v6;
	v42 =	vsel vm0, $0x1800, v12;
	v0 =	vsel vm8, $0x280, v0  }
0x13d: {  	v17 =	vsel vm7, $0x2800, v17;
	v14 =	vsel vm3, $0x1380, v14;
	v0 =	vsel vm3, $0x300, v0  }
0x13e: {  	[tilespmem:$0x1F870] =	vst v62;
	v62 =	vsel vm0, $0x1B80, v3;
	v14 =	vsel vm4, $0x1800, v14;
	v0 =	vsel vm4, $0x380, v0  }
0x13f: {  	[tilespmem:$0x1F880] =	vst v48;
	v17 =	vsel vm8, $0x2880, v17;
	v14 =	vsel vm5, $0x1880, v14;
	v0 =	vsel vm5, $0x800, v0  }
0x140: {  	[tilespmem:$0x1F890] =	vst v49;
	v17 =	vsel vm3, $0x2900, v17;
	v49 =	vmovc v52;
	v52 =	vsel vm2, $0x1100, v1;
	v0 =	vsel vm0, $0x880, v0  }
0x141: {  	[tilespmem:$0x1F8A0] =	vst v50;
	v17 =	vsel vm4, $0x2980, v17;
	v50 =	vmovc v51;
	v51 =	vsel vm0, $0x1080, v5;
	v0 =	vsel vm1, $0x900, v0  }
0x142: {  	[tilespmem:$0x1F8C0] =	vst v52;
	v52 =	vsel vm0, $0x1900, v14;
	v2 =	vsel vm1, $0x1100, v51;
	v0 =	vsel vm2, $0x980, v0  }
0x143: {  	v48 =	vmovc v53;
	v17 =	vsel vm5, $0x2A00, v17;
	v53 =	vsel vm2, $0x1180, v2;
	[tilespmem:$0x1F840] =	vst v0;
	v0 =	vsel vm1, $0xA00, v21  }
0x144: {  	v51 =	vsel vm0, $0x1880, v13;
	v2 =	vsel vm1, $0x1280, v4;
	[tilespmem:$0x1F8D0] =	vst v53;
	v0 =	vsel vm2, $0xA80, v0  }
0x145: {  	v6 =	vsel vm2, $0x1300, v2;
	v53 =	vsel vm0, $0x1980, v15;
	[tilespmem:$0x1F860] =	vst v0;
	v0 =	vsel vm12, $0x1000, v34  }
0x146: {  	v15 =	vsel vm0, $0x2100, v22;
	v21 =	vimm.s32 $0x2200;
	v0 =	vsel vm13, $0x1080, v0  }
0x147: {  	v21 =	vsel vm12, $0x2280, v21;
	v34 =	vimm.s32 $0x3080;
	v0 =	vsel vm14, $0x1100, v0  }
0x148: {  	v21 =	vsel vm13, $0x2300, v21;
	v34 =	vsel vm12, $0x3100, v34;
	v0 =	vsel vm9, $0x1180, v0  }
0x149: {  	v21 =	vsel vm14, $0x2380, v21;
	v34 =	vsel vm13, $0x3180, v34;
	v0 =	vsel vm10, $0x1200, v0  }
0x14a: {  	v21 =	vsel vm9, $0x2800, v21;
	v34 =	vsel vm14, $0x3200, v34;
	v0 =	vsel vm11, $0x1280, v0  }
0x14b: {  	v21 =	vsel vm10, $0x2880, v21;
	v34 =	vsel vm9, $0x3280, v34;
	v0 =	vsel vm6, $0x1300, v0  }
0x14c: {  	v21 =	vsel vm11, $0x2900, v21;
	v34 =	vsel vm10, $0x3300, v34;
	v0 =	vsel vm7, $0x1380, v0  }
0x14d: {  	v21 =	vsel vm6, $0x2980, v21;
	v34 =	vsel vm11, $0x3380, v34;
	v0 =	vsel vm8, $0x1800, v0  }
0x14e: {  	v21 =	vsel vm7, $0x2A00, v21;
	v34 =	vsel vm6, $0x3800, v34;
	v0 =	vsel vm3, $0x1880, v0  }
0x14f: {  	v21 =	vsel vm8, $0x2A80, v21;
	v34 =	vsel vm7, $0x3880, v34;
	v0 =	vsel vm4, $0x1900, v0  }
0x150: {  	v21 =	vsel vm3, $0x2B00, v21;
	v34 =	vsel vm8, $0x3900, v34;
	v0 =	vsel vm5, $0x1980, v0  }
0x151: {  	v21 =	vsel vm4, $0x2B80, v21;
	v34 =	vsel vm3, $0x3980, v34;
	v0 =	vsel vm0, $0x1A00, v0  }
0x152: {  	v21 =	vsel vm5, $0x2000, v21;
	v34 =	vsel vm4, $0x3A00, v34;
	v0 =	vsel vm1, $0x1A80, v0  }
0x153: {  	v14 =	vsel vm0, $0x2080, v21;
	v21 =	vsel vm0, $0x2380, v27;
	v0 =	vsel vm2, $0x1B00, v0  }
0x154: {  	v34 =	vsel vm5, $0x3A80, v34;
	[tilespmem:$0x1F8B0] =	vst v0;
	v0 =	vsel vm1, $0x1000, v62;
	v62 =	vsel vm0, $0x1180, v7  }
0x155: {  	v7 =	vsel vm0, $0x1280, v9;
	v9 =	vsel vm0, $0x1380, v11;
	v3 =	vsel vm2, $0x1080, v0  }
0x156: {  	v0 =	vsel vm1, $0x1180, v56;
	v1 =	vsel vm1, $0x1200, v62;
	v2 =	vsel vm1, $0x1800, v9  }
0x157: {  	v56 =	vsel vm0, $0x2A00, v16;
	v62 =	vsel vm0, $0x2A80, v17;
	v16 =	vsel vm0, $0x2180, v23  }
0x158: {  	v23 =	vsel vm0, $0x2800, v28;
	v0 =	vsel vm2, $0x1200, v0;
	v5 =	vsel vm2, $0x1280, v1  }
0x159: {  	v1 =	vsel vm1, $0x1380, v8;
	v11 =	vsel vm2, $0x1880, v2;
	v2 =	vsel vm1, $0x1980, v52  }
0x15a: {  	[tilespmem:$0x1F8E0] =	vst v0;
	v0 =	vsel vm1, $0x1300, v7;
	v10 =	vsel vm2, $0x1800, v1;
	v1 =	vsel vm1, $0x1900, v51  }
0x15b: {  	[tilespmem:$0x1F900] =	vst v6;
	v6 =	vsel vm2, $0x1A00, v2;
	v2 =	vsel vm1, $0x2B00, v62;
	v7 =	vsel vm0, $0x2B00, v18  }
0x15c: {  	[tilespmem:$0x1F930] =	vst v11;
	v11 =	vsel vm0, $0x2000, v20;
	v18 =	vsel vm0, $0x2200, v24;
	v20 =	vsel vm0, $0x2300, v26  }
0x15d: {  	[tilespmem:$0x1F8F0] =	vst v5;
	v62 =	vsel vm0, $0x2900, v30;
	v0 =	vsel vm2, $0x1380, v0;
	v5 =	vsel vm2, $0x1980, v1  }
0x15e: {  	[tilespmem:$0x1F920] =	vst v10;
	v1 =	vsel vm1, $0x2A80, v56;
	v9 =	vsel vm2, $0x2B80, v2;
	v10 =	vsel vm0, $0x2B80, v19  }
0x15f: {  	v2 =	vsel vm1, $0x2080, v11;
	v19 =	vsel vm0, $0x2280, v25;
	[tilespmem:$0x1F910] =	vst v0;
	v0 =	vsel vm1, $0x1880, v42  }
0x160: {  	v8 =	vsel vm2, $0x2B00, v1;
	v1 =	vsel vm1, $0x2000, v10;
	v13 =	vsel vm2, $0x2100, v2  }
0x161: {  	v2 =	vsel vm1, $0x2200, v16;
	v42 =	vsel vm0, $0x2880, v29;
	v4 =	vsel vm2, $0x1900, v0  }
0x162: {  	v0 =	vsel vm1, $0x1A00, v53;
	v11 =	vsel vm2, $0x2080, v1;
	v1 =	vsel vm1, $0x2180, v15  }
0x163: {  	[tilespmem:$0x1F940] =	vst v13;
	v56 =	vsel vm2, $0x2280, v2;
	v2 =	vsel vm1, $0x2380, v20;
	v13 =	vsel vm0, $0x2980, v31  }
0x164: {  	v31 =	vmovc v6;
	v6 =	vsel vm0, $0x3000, v36;
	v12 =	vsel vm2, $0x1A80, v0;
	v0 =	vsel vm1, $0x2B80, v7  }
0x165: {  	v17 =	vsel vm2, $0x2200, v1;
	v1 =	vsel vm1, $0x2300, v19;
	v15 =	vsel vm2, $0x2800, v2  }
0x166: {  	v2 =	vsel vm1, $0x2900, v42;
	v10 =	vsel vm2, $0x2000, v0;
	v0 =	vsel vm1, $0x2100, v14  }
0x167: {  	v7 =	vsel vm2, $0x2380, v1;
	v1 =	vsel vm1, $0x2880, v23;
	v42 =	vsel vm2, $0x2980, v2  }
0x168: {  	[tilespmem:$0x1F960] =	vst v17;
	v14 =	vsel vm0, $0x3A00, v55;
	v17 =	vsel vm0, $0x3A80, v33;
	v23 =	vsel vm0, $0x3B80, v35  }
0x169: {  	v0 =	vsel vm2, $0x2180, v0;
	v16 =	vsel vm2, $0x2900, v1;
	v1 =	vsel vm1, $0x2A00, v13  }
0x16a: {  	v2 =	vsel vm1, $0x3A80, v14;
	[tilespmem:$0x1F950] =	vst v0;
	v0 =	vsel vm1, $0x2280, v18;
	v19 =	vsel vm2, $0x2A80, v1  }
0x16b: {  	v13 =	vld [tilespmem:$0x1FA60];
	v14 =	vsel vm2, $0x3B00, v2;
	v18 =	vsel vm0, $0x3B00, v34;
	v2 =	vsel vm1, $0x3000, v23  }
0x16c: {  	v23 =	vsel vm0, $0x3180, v39;
	v22 =	vsel vm2, $0x2300, v0;
	v0 =	vsel vm1, $0x2800, v21  }
0x16d: {  	v1 =	vsel vm1, $0x3B80, v18;
	v20 =	vsel vm2, $0x2880, v0;
	v0 =	vsel vm1, $0x2980, v62  }
0x16e: {  	v39 =	vmovc v9;
	v9 =	vsel vm0, $0x3280, v41;
	v55 =	vsel vm2, $0x3000, v1;
	v21 =	vsel vm2, $0x2A00, v0  }
0x16f: {  	v0 =	vsel vm1, $0x3B00, v17;
	[tilespmem:$0x1FA40] =	vst v55;
	v55 =	vsel vm2, $0x3080, v2;
	v17 =	vsel vm0, $0x3100, v38  }
0x170: {  	v62 =	vsel vm2, $0x3B80, v0;
	v1 =	vsel vm0, $0x3080, v13;
	v0 =	vsel vm1, $0x3080, v6  }
0x171: {  	v2 =	vsel vm1, $0x3180, v17;
	v6 =	vsel vm0, $0x3200, v40;
	v1 =	vsel vm1, $0x3100, v1  }
0x172: {  	v13 =	vsel vm2, $0x3100, v0;
	v18 =	vsel vm2, $0x3200, v2;
	v0 =	vsel vm1, $0x3200, v23  }
0x173: {  	v2 =	vsel vm1, $0x3300, v9;
	v23 =	vsel vm0, $0x3380, v43;
	v17 =	vsel vm2, $0x3180, v1  }
0x174: {  	v41 =	vmovc v11;
	v1 =	vsel vm1, $0x3280, v6;
	v0 =	vsel vm2, $0x3280, v0;
	v11 =	vsel vm2, $0x3380, v2  }
0x175: {  	v40 =	vmovc v10;
	[tilespmem:$0x1FA70] =	vst v18;
	v18 =	vsel vm0, $0x3300, v63;
	v63 =	vmovc v4;
	v4 =	vsel vm0, $0x3800, v44;
	v10 =	vsel vm2, $0x3300, v1  }
0x176: {  	[tilespmem:$0x1FA80] =	vst v0;
	v0 =	vsel vm1, $0x3380, v18;
	v1 =	vsel vm1, $0x3800, v23;
	v2 =	vsel vm1, $0x3880, v4  }
0x177: {  	v18 =	vsel vm0, $0x3980, v47;
	v23 =	vimm.s32 $0x1B1A1918;
	v4 =	vimm.s32 $0x2C2B2A29  }
0x178: {  	v43 =	vmovc v12;
	[tilespmem:$0x1FA90] =	vst v10;
	v0 =	vsel vm2, $0x3800, v0;
	v12 =	vsel vm2, $0x3900, v2;
	v10 =	vsel vm0, $0x3880, v45  }
0x179: {  	v2 =	vsel vm1, $0x3A00, v18;
	v23 =	vunpack.c.0.s8.s32 v23;
	[tilespmem:$0x1FAE0] =	vst v0;
	v0 =	vsel vm1, $0x3900, v10  }
0x17a: {  	[tilespmem:$0x1FAA0] =	vst v11;
	v4 =	vunpack.c.0.s8.s32 v4;
	v18 =	vsel vm2, $0x3980, v0;
	v0 =	vimm.s32 $0x17161514  }
0x17b: {  	[tilespmem:$0x1FB30] =	vst v23;
	v23 =	vimm.s32 $0x24232221;
	v0 =	vunpack.c.0.s8.s32 v0  }
0x17c: {  	[tilespmem:$0x1FB40] =	vst v4;
	v4 =	vimm.s32 $0x28272625;
	v23 =	vunpack.c.0.s8.s32 v23  }
0x17d: {  	v4 =	vunpack.c.0.s8.s32 v4;
	[tilespmem:$0x1FB20] =	vst v0;
	v0 =	vimm.s32 $0x202F2E2D  }
0x17e: {  	[tilespmem:$0x1FB60] =	vst v23;
	v23 =	vimm.s32 $0x21202F2E;
	v0 =	vunpack.c.0.s8.s32 v0  }
0x17f: {  	[tilespmem:$0x1FB70] =	vst v4;
	v4 =	vimm.s32 $0x25242322;
	v23 =	vunpack.c.0.s8.s32 v23  }
0x180: {  	v4 =	vunpack.c.0.s8.s32 v4;
	[tilespmem:$0x1FB50] =	vst v0;
	v0 =	vimm.s32 $0x2D2C2B2A  }
0x181: {  	[tilespmem:$0x1FB90] =	vst v23;
	v23 =	vimm.s32 $0x2E2D2C2B;
	v0 =	vunpack.c.0.s8.s32 v0  }
0x182: {  	[tilespmem:$0x1FBA0] =	vst v4;
	v4 =	vimm.s32 $0x2221202F;
	v23 =	vunpack.c.0.s8.s32 v23  }
0x183: {  	v27 =	vld [tilespmem:$0x1F9D0];
	v4 =	vunpack.c.0.s8.s32 v4;
	[tilespmem:$0x1FB80] =	vst v0;
	v0 =	vimm.s32 $0x29282726  }
0x184: {  	v28 =	vld [tilespmem:$0x1F9E0];
	[tilespmem:$0x1FBC0] =	vst v23;
	v23 =	vimm.s32 $0x2A292827;
	v0 =	vunpack.c.0.s8.s32 v0  }
0x185: {  	v52 =	vld [tilespmem:$0x1F980];
	[tilespmem:$0x1FBD0] =	vst v4;
	v4 =	vimm.s32 $0x2F2E2D2C;
	v23 =	vunpack.c.0.s8.s32 v23  }
0x186: {  	v24 =	vld [tilespmem:$0x1F970];
	v4 =	vunpack.c.0.s8.s32 v4;
	[tilespmem:$0x1FBB0] =	vst v0;
	v0 =	vimm.s32 $0x26252423  }
0x187: {  	v46 =	vimm.s32 $0x3A80;
	v51 =	vld [tilespmem:$0x1F990];
	[tilespmem:$0x1FBF0] =	vst v23;
	v23 =	vimm.s32 $0x27262524;
	v0 =	vunpack.c.0.s8.s32 v0  }
0x188: {  	v46 =	vsel vm12, $0x3B00, v46;
	v26 =	vld [tilespmem:$0x1F9C0];
	[tilespmem:$0x1FC00] =	vst v4;
	v4 =	vimm.s32 $0x2B2A2928;
	v23 =	vunpack.c.0.s8.s32 v23  }
0x189: {  	v46 =	vsel vm13, $0x3B80, v46;
	v30 =	vld [tilespmem:$0x1FA00];
	v4 =	vunpack.c.0.s8.s32 v4;
	[tilespmem:$0x1FBE0] =	vst v0;
	v0 =	vimm.s32 $0x23222120  }
0x18a: {  	v46 =	vsel vm14, $0x3000, v46;
	v25 =	vld [tilespmem:$0x1F9A0];
	[tilespmem:$0x1FC20] =	vst v23;
	v23 =	vimm.s32 $0x303F3E3D;
	v0 =	vunpack.c.0.s8.s32 v0  }
0x18b: {  	v46 =	vsel vm9, $0x3080, v46;
	v29 =	vld [tilespmem:$0x1F9F0];
	[tilespmem:$0x1FC30] =	vst v4;
	v4 =	vimm.s32 $0x34333231;
	v23 =	vunpack.c.0.s8.s32 v23  }
0x18c: {  	v46 =	vsel vm10, $0x3100, v46;
	v53 =	vld [tilespmem:$0x1F9B0];
	v4 =	vunpack.c.0.s8.s32 v4;
	[tilespmem:$0x1FC10] =	vst v0;
	v0 =	vimm.s32 $0x3C3B3A39  }
0x18d: {  	v46 =	vsel vm11, $0x3180, v46;
	v36 =	vld [tilespmem:$0x1FA50];
	[tilespmem:$0x1FC50] =	vst v23;
	v23 =	vimm.s32 $0x3D3C3B3A;
	v0 =	vunpack.c.0.s8.s32 v0  }
0x18e: {  	v46 =	vsel vm6, $0x3200, v46;
	v33 =	vld [tilespmem:$0x1FA10];
	[tilespmem:$0x1FC60] =	vst v4;
	v4 =	vimm.s32 $0x31303F3E;
	v23 =	vunpack.c.0.s8.s32 v23  }
0x18f: {  	v46 =	vsel vm7, $0x3280, v46;
	v35 =	vld [tilespmem:$0x1FA30];
	v4 =	vunpack.c.0.s8.s32 v4;
	[tilespmem:$0x1FC40] =	vst v0;
	v0 =	vimm.s32 $0x38373635  }
0x190: {  	v46 =	vsel vm8, $0x3300, v46;
	v34 =	vld [tilespmem:$0x1FA20];
	[tilespmem:$0x1FC80] =	vst v23;
	v23 =	vimm.s32 $0x39383736;
	v0 =	vunpack.c.0.s8.s32 v0  }
0x191: {  	v46 =	vsel vm3, $0x3380, v46;
	v38 =	vmovc v3;
	v3 =	vld [tilespmem:$0x1FAC0];
	[tilespmem:$0x1FC90] =	vst v4;
	v4 =	vimm.s32 $0x3E3D3C3B;
	v23 =	vunpack.c.0.s8.s32 v23  }
0x192: {  	s0 =	rddreg [dreg:$0x0];
	v46 =	vsel vm4, $0x3800, v46;
	v9 =	vld [tilespmem:$0x1FAD0];
	v4 =	vunpack.c.0.s8.s32 v4;
	[tilespmem:$0x1FC70] =	vst v0;
	v0 =	vimm.s32 $0x35343332  }
0x193: {  	s6 =	rddreg [dreg:$0x1];
	s4 =	srdreg.scid;
	v46 =	vsel vm5, $0x3880, v46;
	v6 =	vld [tilespmem:$0x1FAB0];
	[tilespmem:$0x1FCB0] =	vst v23;
	v23 =	vimm.s32 $0x36353433;
	v0 =	vunpack.c.0.s8.s32 v0  }
0x194: {  	s1 =	simm.s32 $0x0;
	s3 =	rddreg [dreg:$0x2];
	s4 =	sand.u32 $0x1, s4;
	v11 =	vsel vm0, $0x3900, v46;
	v46 =	vld [tilespmem:$0x1FB00];
	[tilespmem:$0x1FCC0] =	vst v4;
	v4 =	vimm.s32 $0x3A393837;
	v23 =	vunpack.c.0.s8.s32 v23  }
0x195: {  	[smem:$0x7FF] =	sst s1;
	s5 =	ssub.s32 $0x2, s4;
	v47 =	vld [tilespmem:$0x1FB10];
	v4 =	vunpack.c.0.s8.s32 v4;
	[tilespmem:$0x1FCA0] =	vst v0  }
0x196: {  	s8 =	sshll.u32 s4, $0x9;
	s4 =	rddreg [dreg:$0x3];
	v45 =	vld [tilespmem:$0x1FAF0];
	_ =	strace $0x80000047;
	[tilespmem:$0x1FCE0] =	vst v23  }
0x197: {  	[tilespmem:$0x1FCF0] =	vst v4  }
0x198: {  	[tilespmem:$0x1FE30] =	vst v32  }
0x199: {  	[tilespmem:$0x1FE40] =	vst v37  }
0x19a: {  	[tilespmem:$0x1FE50] =	vst v38  }
0x19b: {  	[tilespmem:$0x1FE60] =	vst v31  }
0x19c: {  	v44 =	vmov v5;
	v5 =	vsel vm2, $0x3880, v1;
	[tilespmem:$0x1FE70] =	vst v40  }
0x19d: {  	[tilespmem:$0x1FE80] =	vst v5  }
0x19e: {  	[tilespmem:$0x1FE90] =	vst v12  }
0x19f: {  	[tilespmem:$0x1FEA0] =	vst v55  }
0x1a0: {  	[tilespmem:$0x1FEB0] =	vst v13  }
0x1a1: {  	[tilespmem:$0x1FEC0] =	vst v17  }
0x1a2: {  	[tilespmem:$0x1FED0] =	vst v56  }
0x1a3: {  	[tilespmem:$0x1FEE0] =	vst v22  }
0x1a4: {  	v0 =	vimm.s32 $0x3231303F;
	[tilespmem:$0x1FEF0] =	vst v7  }
0x1a5: {  	v0 =	vunpack.c.0.s8.s32 v0;
	[tilespmem:$0x1FF00] =	vst v15  }
0x1a6: {  	v4 =	vimm.s32 $0x37363534;
	[tilespmem:$0x1FF10] =	vst v20  }
0x1a7: {  	v4 =	vunpack.c.0.s8.s32 v4;
	[tilespmem:$0x1FCD0] =	vst v0;
	v0 =	vimm.s32 $0x3F3E3D3C  }
0x1a8: {  	[tilespmem:$0x1FF20] =	vst v16;
	v0 =	vunpack.c.0.s8.s32 v0  }
0x1a9: {  	vm0 =	vcmask $0x1F10;
	v23 =	vimm.s32 $0x33323130;
	[tilespmem:$0x1FD20] =	vst v4;
	v4 =	vimm.s32 $0x3B3A3938  }
0x1aa: {  	v23 =	vunpack.c.0.s8.s32 v23;
	[tilespmem:$0x1FD00] =	vst v0;
	v0 =	vunpack.c.0.s8.s32 v4;
	v4 =	vsel vm0, v6, v3;
	v6 =	vld [tilespmem:$0x1FD50]  }
0x1ab: {  	[tilespmem:$0x1FF30] =	vst v42  }
0x1ac: {  	[tilespmem:$0x1FD10] =	vst v23;
	v23 =	vlaneseq.u32  }
0x1ad: {  	[tilespmem:$0x1FF40] =	vst v21;
	v23 =	vor.u32 $0x10, v23  }
0x1ae: {  	[tilespmem:$0x1FD40] =	vst v23;
	v23 =	vld [tilespmem:$0x1FD70]  }
0x1af: {  	[tilespmem:$0x1FDA0] =	vst v4;
	v4 =	vsel vm0, v6, v9;
	v9 =	vld [tilespmem:$0x1FD60]  }
0x1b0: {  	[tilespmem:$0x1FF50] =	vst v19  }
0x1b1: {  	[tilespmem:$0x1FF60] =	vst v14  }
0x1b2: {  	[tilespmem:$0x1FF70] =	vst v62  }
0x1b3: {  	[tilespmem:$0x1FF80] =	vst v18;
	v6 =	vld [tilespmem:$0x1FD80]  }
0x1b4: {  	v1 =	vsel vm1, $0x3980, v11;
	v11 =	vsel vm2, $0x3A80, v2;
	[tilespmem:$0x1FD30] =	vst v0;
	v0 =	vsel vm0, v9, v23;
	v9 =	vld [tilespmem:$0x1FD90]  }
0x1b5: {  	v10 =	vsel vm2, $0x3A00, v1;
	[tilespmem:$0x1FF90] =	vst v11  }
0x1b6: {  	[tilespmem:$0x1FFA0] =	vst v10;
	v23 =	vld [tilespmem:$0x1FDA0]  }
0x1b7: {  	[tilespmem:$0x1FFB0] =	vst v8  }
0x1b8: {  	[tilespmem:$0x1FDD0] =	vst v0  }
0x1b9: {  	[tilespmem:$0x1FFC0] =	vst v39;
	v2 =	vsel vm0, v9, v6;
	v6 =	vld [tilespmem:$0x1FDD0]  }
0x1ba: {  	s2 =	stileid.u32;
	[tilespmem:$0x1FFD0] =	vst v41;
	v9 =	vld [tilespmem:$0x1FE00]  }
0x1bb: {  	s10 =	simm.s32 $0x3;
	s11 =	simm.s32 $0x80;
	s12 =	simm.s32 $0x4000;
	[tilespmem:$0x1FFE0] =	vst v43;
	v0 =	vcombine.low v4, v23;
	v23 =	vld [tilespmem:$0x1FE10]  }
0x1bc: {  	s13 =	simm.s32 $0x400;
	s14 =	simm.s32 $0x8000;
	s15 =	simm.s32 $0x800;
	[tilespmem:$0x1FFF0] =	vst v63  }
0x1bd: {  	s16 =	simm.s32 $0xC000;
	s17 =	simm.s32 $0x10000;
	s18 =	simm.s32 $0x1;
	[tilespmem:$0x1FDB0] =	vst v4  }
0x1be: {  	s19 =	simm.s32 $0x14000;
	s20 =	simm.s32 $0x18000;
	s21 =	simm.s32 $0x2;
	[tilespmem:$0x1FDC0] =	vst v0;
	v0 =	vcombine.low v2, v6  }
0x1bf: {  	s22 =	simm.s32 $0x0;
	s7 =	sshll.u32 s2, $0xA;
	s9 =	sshrl.u32 s5, $0x1;
	[tilespmem:$0x1FDE0] =	vst v2  }
0x1c0: {  	s9 =	ssub.s32 s5, s9;
	s5 =	sor.u32 s8, s7;
	s8 =	simm.s32 $0x1000;
	[tilespmem:$0x1FDF0] =	vst v0;
	v0 =	vsel vm0, v23, v9  }
0x1c1: {  	s6 =	sadd.s32 s6, s5;
	s7 =	smax.u32 s9, $0x1;
	s9 =	simm.s32 $0x20000;
	[tilespmem:$0x1FE20] =	vst v0  }
.LBB2_1:
0x1c2: {  	[tilespmem:s1], [sflag:$0x3] =	stream.strided.gather [hbm4b:s6+s8], $0x4000, s9, s8, $0x38;
	[tilespmem:$0x1C000] =	vst v63  }
0x1c3: {  	_ =	swait.ge [sflag:s10], $0x4000  }
0x1c4: {  	[sflag:s10] =	ssyncset.done $0x0  }
0x1c5: {  	[sflag:s10] =	ssyncadd.s32 $0xFFFFC000  }
0x1c6: {  	[tilespmem:s12], [sflag:$0x1] =	stream.indirect.gather [hbm4b:s0+s11], $0x80, s1, s11, $0xb8;
	[tilespmem:$0x1C000] =	vst v63  }
0x1c7: {  	s23 =	simm.s32 $0x0  }
0x1c8: {  	[tilespmem:s14], [sflag:$0x1] =	stream.indirect.gather [hbm4b:s0+s11], $0x80, s13, s11, $0xb8;
	[tilespmem:$0x1C000] =	vst v63  }
.LBB2_2:
0x1c9: {  	s25 =	sshll.u32 s23, $0x1  }
0x1ca: {  	s26 =	sshllo.u32 s23, $0x1;
	p1 =	slt.u32 s23, $0xD;
	s24 =	sadd.s32 $0xFFFFFFE7, s25  }
0x1cb: {  	s24 =	smov.u32 @p1 s26  }
0x1cc: {  	p2 =	sgt.u32 s23, $0xC;
	s26 =	sshll.u32 s24, $0x9;
	s28 =	sshll.u32 s24, $0x7  }
0x1cd: {  	s29 =	simm.s32 $0x800;
	s26 =	sand.u32 $0x3000, s26;
	s28 =	sand.u32 $0x380, s28  }
0x1ce: {  	s29 =	simm.s32 @!p2 $0x0;
	s26 =	sor.u32 s28, s26  }
0x1cf: {  	s26 =	sor.u32 s29, s26  }
0x1d0: {  	[tilespmem:s16], [sflag:$0x1] =	stream.indirect.gather [hbm4b:s0+s11], $0x80, s26, s11, $0xb8;
	[tilespmem:$0x1C000] =	vst v63  }
0x1d1: {  	s26 =	sor.u32 $0x400, s26  }
0x1d2: {  	[tilespmem:s17], [sflag:$0x1] =	stream.indirect.gather [hbm4b:s0+s11], $0x80, s26, s11, $0xb8;
	[tilespmem:$0x1C000] =	vst v63  }
0x1d3: {  	_ =	swait.ge [sflag:s18], $0x4000  }
0x1d4: {  	[sflag:s18] =	ssyncset.done $0x0  }
0x1d5: {  	[sflag:s18] =	ssyncadd.s32 $0xFFFFC000  }
0x1d6: {  	_ =	swait.ge [sflag:s18], $0x4000  }
0x1d7: {  	p0 =	seq.s32 s23, $0x0;
	[sflag:s18] =	ssyncset.done $0x0  }
0x1d8: {  	s26 =	simm.s32 @!p0 $0x2;
	[sflag:s18] =	ssyncadd.s32 $0xFFFFC000  }
0x1d9: {  	_ =	swait.ge @!p0 [sflag:s26], $0x4000  }
0x1da: {  	v39 =	vld [tilespmem:$0x1FD20]  }
0x1db: {  	[sflag:s26] =	ssyncset.done @!p0 $0x0;
	v40 =	vld [tilespmem:$0x1FD30]  }
0x1dc: {  	v41 =	vld [tilespmem:$0x1FE20];
	[sflag:s26] =	ssyncadd.s32 @!p0 $0xFFFFC000;
	s26 =	simm.s32 $0x0  }
.LBB2_3:
0x1dd: {  	v42 =	vlaneseq.u32  }
0x1de: {  	v1 =	vor.u32 s26, v42  }
0x1df: {  	v0 =	vshll.u32 v1, $0x7  }
0x1e0: {  	v2 =	vor.u32 v42, v0  }
0x1e1: {  	v3 =	vor.u32 v24, v0  }
0x1e2: {  	v4 =	vor.u32 v26, v0  }
0x1e3: {  	v5 =	vor.u32 v25, v0  }
0x1e4: {  	v6 =	vor.u32 v27, v0  }
0x1e5: {  	v7 =	vor.u32 v28, v0;
	v2 =	vld.idx.msk [tilespmem:v2+s12+$0x0], $0xffff  }
0x1e6: {  	v8 =	vor.u32 v29, v0;
	v3 =	vld.idx.msk [tilespmem:v3+s12+$0x0], $0xffff  }
0x1e7: {  	v9 =	vor.u32 v30, v0;
	v4 =	vld.idx.msk [tilespmem:v4+s12+$0x0], $0xffff  }
0x1e8: {  	v10 =	vor.u32 v45, v0;
	v5 =	vld.idx.msk [tilespmem:v5+s12+$0x0], $0xffff  }
0x1e9: {  	v11 =	vor.u32 v47, v0;
	v6 =	vld.idx.msk [tilespmem:v6+s12+$0x0], $0xffff  }
0x1ea: {  	v12 =	vor.u32 v46, v0;
	v7 =	vld.idx.msk [tilespmem:v7+s12+$0x0], $0xffff  }
0x1eb: {  	v14 =	vmov s26;
	v13 =	vor.u32 v48, v0;
	v8 =	vld.idx.msk [tilespmem:v8+s12+$0x0], $0xffff  }
0x1ec: {  	v14 =	vshll.u32 v14, $0x3;
	v15 =	vor.u32 v49, v0;
	v9 =	vld.idx.msk [tilespmem:v9+s12+$0x0], $0xffff  }
0x1ed: {  	v1 =	vand.u32 $0x7F, v1;
	v14 =	vand.u32 $0x400, v14;
	v16 =	vor.u32 v50, v0;
	v10 =	vld.idx.msk [tilespmem:v10+s12+$0x0], $0xffff  }
0x1ee: {  	v17 =	vor.u32 v51, v0;
	v1 =	vor.u32 v14, v1;
	v11 =	vld.idx.msk [tilespmem:v11+s12+$0x0], $0xffff  }
0x1ef: {  	v18 =	vor.u32 v52, v0;
	v14 =	vor.u32 v53, v1;
	v12 =	vld.idx.msk [tilespmem:v12+s12+$0x0], $0xffff  }
0x1f0: {  	v19 =	vor.u32 v54, v1;
	v13 =	vld.idx.msk [tilespmem:v13+s12+$0x0], $0xffff  }
0x1f1: {  	v20 =	vor.u32 v57, v1;
	v15 =	vld.idx.msk [tilespmem:v15+s12+$0x0], $0xffff  }
0x1f2: {  	v21 =	vor.u32 v58, v1;
	v16 =	vld.idx.msk [tilespmem:v16+s12+$0x0], $0xffff  }
0x1f3: {  	v22 =	vor.u32 v59, v1;
	v17 =	vld.idx.msk [tilespmem:v17+s12+$0x0], $0xffff  }
0x1f4: {  	v18 =	vld.idx.msk [tilespmem:v18+s12+$0x0], $0xffff;
	[tilespmem:v14+s19+$0x0] =	vst.idx.msk $0xffff, v2;
	v14 =	vor.u32 v60, v1  }
0x1f5: {  	[tilespmem:v19+s19+$0x0] =	vst.idx.msk $0xffff, v3  }
0x1f6: {  	v43 =	vor.u32 v33, v1;
	[tilespmem:v20+s19+$0x0] =	vst.idx.msk $0xffff, v4  }
0x1f7: {  	v55 =	vor.u32 v34, v1;
	[tilespmem:v21+s19+$0x0] =	vst.idx.msk $0xffff, v5  }
0x1f8: {  	v19 =	vld [tilespmem:$0x1F830];
	[tilespmem:v22+s19+$0x0] =	vst.idx.msk $0xffff, v6  }
0x1f9: {  	v56 =	vor.u32 v35, v1;
	[tilespmem:v14+s19+$0x0] =	vst.idx.msk $0xffff, v7;
	v14 =	vld [tilespmem:$0x1F820]  }
0x1fa: {  	v62 =	vor.u32 v36, v1;
	v21 =	vld [tilespmem:$0x1F890]  }
0x1fb: {  	[tilespmem:v43+s19+$0x0] =	vst.idx.msk $0xffff, v8;
	v43 =	vld [tilespmem:$0x1F840]  }
0x1fc: {  	[tilespmem:v55+s19+$0x0] =	vst.idx.msk $0xffff, v9;
	v55 =	vld [tilespmem:$0x1F850]  }
0x1fd: {  	v63 =	vor.u32 v61, v1;
	v22 =	vld [tilespmem:$0x1F8A0]  }
0x1fe: {  	[tilespmem:v56+s19+$0x0] =	vst.idx.msk $0xffff, v10;
	v56 =	vld [tilespmem:$0x1F860];
	v3 =	vor.u32 v14, v1  }
0x1ff: {  	v4 =	vor.u32 v19, v1;
	[tilespmem:v62+s19+$0x0] =	vst.idx.msk $0xffff, v11;
	v62 =	vld [tilespmem:$0x1FD40]  }
0x200: {  	v5 =	vor.u32 v43, v1;
	v43 =	vld [tilespmem:$0x1FB30]  }
0x201: {  	v6 =	vor.u32 v55, v1;
	v55 =	vld [tilespmem:$0x1FB20]  }
0x202: {  	[tilespmem:v63+s19+$0x0] =	vst.idx.msk $0xffff, v12  }
0x203: {  	v12 =	vld [tilespmem:$0x1FAB0];
	v2 =	vor.u32 v56, v1;
	[tilespmem:v3+s19+$0x0] =	vst.idx.msk $0xffff, v13  }
0x204: {  	v14 =	vld [tilespmem:$0x1FAC0];
	[tilespmem:v4+s19+$0x0] =	vst.idx.msk $0xffff, v15  }
0x205: {  	v3 =	vor.u32 v62, v0;
	v13 =	vld [tilespmem:$0x1FAD0];
	[tilespmem:v5+s19+$0x0] =	vst.idx.msk $0xffff, v16  }
0x206: {  	v62 =	vld [tilespmem:$0x1FDF0];
	v5 =	vsel vm0, v22, v21;
	[tilespmem:v6+s19+$0x0] =	vst.idx.msk $0xffff, v17;
	v6 =	vsel vm0, v43, v55  }
0x207: {  	v15 =	vld [tilespmem:$0x1FD50];
	v63 =	vcombine.low v6, v5  }
0x208: {  	[tilespmem:v2+s19+$0x0] =	vst.idx.msk $0xffff, v18;
	v18 =	vld [tilespmem:$0x1FD80]  }
0x209: {  	[tilespmem:$0x1F590] =	vst v63;
	v11 =	vor.u32 v63, v0;
	v63 =	vld [tilespmem:$0x1FD60]  }
0x20a: {  	v19 =	vld [tilespmem:$0x1FDC0]  }
0x20b: {  	v16 =	vld [tilespmem:$0x1F870]  }
0x20c: {  	v17 =	vld [tilespmem:$0x1F880]  }
0x20d: {  	v7 =	vsel vm0, v13, v12;
	v9 =	vor.u32 v62, v0;
	v62 =	vld [tilespmem:$0x1FE10];
	v8 =	vsel vm0, v14, v15  }
0x20e: {  	v56 =	vcombine.low v8, v7;
	v13 =	vsel vm0, v18, v63;
	v63 =	vld [tilespmem:$0x1FE00]  }
0x20f: {  	v2 =	vor.u32 v19, v0;
	v19 =	vld [tilespmem:$0x1FD90]  }
0x210: {  	[tilespmem:$0x1F5A0] =	vst v56;
	v12 =	vor.u32 v56, v0;
	v56 =	vld [tilespmem:$0x1FD70]  }
0x211: {  	v23 =	vld [tilespmem:$0x1FC30];
	v4 =	vsel vm0, v17, v16  }
0x212: {  	v55 =	vsel vm0, v55, v22;
	v22 =	vld [tilespmem:$0x1FDE0];
	v10 =	vcombine.low v4, v41  }
0x213: {  	v3 =	vld.idx.msk [tilespmem:v3+s12+$0x0], $0xffff;
	v15 =	vsel vm0, v16, v62;
	v16 =	vsel vm0, v63, v17  }
0x214: {  	v2 =	vld.idx.msk [tilespmem:v2+s12+$0x0], $0xffff;
	[tilespmem:$0x1F580] =	vst v10;
	v10 =	vor.u32 v10, v0;
	v20 =	vcombine.low v16, v15  }
0x215: {  	v14 =	vsel vm0, v56, v19;
	v56 =	vsel vm0, v21, v43;
	v21 =	vld [tilespmem:$0x1FDB0]  }
0x216: {  	v43 =	vcombine.low v7, v8;
	[tilespmem:$0x1F5C0] =	vst v20;
	v62 =	vor.u32 v20, v0;
	v20 =	vld [tilespmem:$0x1FDA0]  }
0x217: {  	v9 =	vld.idx.msk [tilespmem:v9+s12+$0x0], $0xffff;
	v18 =	vcombine.low v56, v55  }
0x218: {  	v11 =	vld.idx.msk [tilespmem:v11+s12+$0x0], $0xffff;
	v19 =	vcombine.low v14, v13;
	v55 =	vcombine.low v13, v14;
	v14 =	vor.u32 v43, v0  }
0x219: {  	v10 =	vld.idx.msk [tilespmem:v10+s12+$0x0], $0xffff;
	[tilespmem:$0x1F5D0] =	vst v18;
	v18 =	vor.u32 v18, v0  }
0x21a: {  	[tilespmem:$0x1F620] =	vst v43;
	v43 =	vld [tilespmem:$0x1F8B0]  }
0x21b: {  	v20 =	vcombine.low v20, v21;
	v21 =	vld [tilespmem:$0x1FDD0]  }
0x21c: {  	v7 =	vld.idx.msk [tilespmem:v62+s12+$0x0], $0xffff;
	v62 =	vor.u32 v55, v0  }
0x21d: {  	[tilespmem:$0x1F5B0] =	vst v19;
	v14 =	vld.idx.msk [tilespmem:v14+s12+$0x0], $0xffff  }
0x21e: {  	v19 =	vor.u32 v19, v0;
	[tilespmem:$0x1F630] =	vst v55;
	v13 =	vld.idx.msk [tilespmem:v18+s12+$0x0], $0xffff  }
0x21f: {  	v55 =	vor.u32 v32, v1;
	v32 =	vld [tilespmem:$0x1F920];
	[tilespmem:$0x1F5E0] =	vst v20;
	v20 =	vor.u32 v20, v0  }
0x220: {  	v21 =	vcombine.low v21, v22;
	v22 =	vcombine.low v41, v4;
	v4 =	vld.idx.msk [tilespmem:v12+s12+$0x0], $0xffff  }
0x221: {  	v56 =	vcombine.low v15, v16;
	v16 =	vld.idx.msk [tilespmem:v62+s12+$0x0], $0xffff  }
0x222: {  	v62 =	vld [tilespmem:$0x1F8E0]  }
0x223: {  	[tilespmem:$0x1F5F0] =	vst v21;
	v63 =	vor.u32 v21, v0;
	v21 =	vcombine.low v5, v6;
	v5 =	vld.idx.msk [tilespmem:v19+s12+$0x0], $0xffff  }
0x224: {  	v15 =	vld.idx.msk [tilespmem:v20+s12+$0x0], $0xffff  }
0x225: {  	[tilespmem:$0x1F600] =	vst v22;
	v6 =	vor.u32 v22, v0;
	v22 =	vld [tilespmem:$0x1F8C0]  }
0x226: {  	v19 =	vld [tilespmem:$0x1F910]  }
0x227: {  	v20 =	vor.u32 v37, v1;
	v37 =	vld [tilespmem:$0x1F930];
	v8 =	vor.u32 v21, v0  }
0x228: {  	v12 =	vld.idx.msk [tilespmem:v63+s12+$0x0], $0xffff;
	v63 =	vor.u32 v56, v0  }
0x229: {  	[tilespmem:$0x1F610] =	vst v21;
	v21 =	vor.u32 v38, v1;
	v38 =	vld [tilespmem:$0x1FFF0]  }
0x22a: {  	v18 =	vor.u32 v43, v1;
	v6 =	vld.idx.msk [tilespmem:v6+s12+$0x0], $0xffff  }
0x22b: {  	[tilespmem:$0x1F640] =	vst v56;
	v56 =	vld [tilespmem:$0x1F8D0]  }
0x22c: {  	v8 =	vld.idx.msk [tilespmem:v8+s12+$0x0], $0xffff  }
0x22d: {  	v17 =	vld.idx.msk [tilespmem:v63+s12+$0x0], $0xffff  }
0x22e: {  	v63 =	vld [tilespmem:$0x1F8F0]  }
0x22f: {  	v22 =	vor.u32 v22, v1;
	[tilespmem:v18+s19+$0x0] =	vst.idx.msk $0xffff, v3;
	v18 =	vld [tilespmem:$0x1F900]  }
0x230: {  	v3 =	vor.u32 v56, v1;
	v56 =	vld [tilespmem:$0x1FFE0]  }
0x231: {  	[tilespmem:v55+s19+$0x0] =	vst.idx.msk $0xffff, v2;
	v55 =	vor.u32 v31, v1;
	v31 =	vld [tilespmem:$0x1FBA0]  }
0x232: {  	v2 =	vor.u32 v62, v1;
	[tilespmem:v20+s19+$0x0] =	vst.idx.msk $0xffff, v9;
	v20 =	vld [tilespmem:$0x1FB70]  }
0x233: {  	[tilespmem:v21+s19+$0x0] =	vst.idx.msk $0xffff, v10;
	v21 =	vld [tilespmem:$0x1FB80];
	v9 =	vor.u32 v63, v1  }
0x234: {  	v62 =	vor.u32 $0x20, v42;
	[tilespmem:v22+s19+$0x0] =	vst.idx.msk $0xffff, v11;
	v11 =	vor.u32 v19, v1;
	v19 =	vld [tilespmem:$0x1FB60];
	v10 =	vor.u32 v18, v1  }
0x235: {  	[tilespmem:$0x1F650] =	vst v62;
	v22 =	vld [tilespmem:$0x1FB90]  }
0x236: {  	[tilespmem:v3+s19+$0x0] =	vst.idx.msk $0xffff, v4;
	v3 =	vor.u32 v32, v1;
	v32 =	vld [tilespmem:$0x1FBB0]  }
0x237: {  	v4 =	vor.u32 v38, v1;
	v38 =	vld [tilespmem:$0x1FBD0];
	[tilespmem:v2+s19+$0x0] =	vst.idx.msk $0xffff, v5;
	v2 =	vor.u32 v37, v1  }
0x238: {  	v63 =	vld [tilespmem:$0x1FC10];
	[tilespmem:v9+s19+$0x0] =	vst.idx.msk $0xffff, v7  }
0x239: {  	v43 =	vor.u32 v44, v1;
	v37 =	vld [tilespmem:$0x1FBC0];
	[tilespmem:v10+s19+$0x0] =	vst.idx.msk $0xffff, v13  }
0x23a: {  	v13 =	vld [tilespmem:$0x1FB40];
	[tilespmem:v11+s19+$0x0] =	vst.idx.msk $0xffff, v15  }
0x23b: {  	[tilespmem:v3+s19+$0x0] =	vst.idx.msk $0xffff, v12;
	v12 =	vld [tilespmem:$0x1FB50]  }
0x23c: {  	v3 =	vor.u32 v62, v0;
	v62 =	vld [tilespmem:$0x1FC20];
	[tilespmem:v2+s19+$0x0] =	vst.idx.msk $0xffff, v6  }
0x23d: {  	v2 =	vor.u32 v56, v1;
	v56 =	vld [tilespmem:$0x1FC00];
	[tilespmem:v4+s19+$0x0] =	vst.idx.msk $0xffff, v8  }
0x23e: {  	[tilespmem:v43+s19+$0x0] =	vst.idx.msk $0xffff, v14;
	v43 =	vld [tilespmem:$0x1FBE0]  }
0x23f: {  	v7 =	vsel vm0, v32, v31;
	v6 =	vsel vm0, v22, v21;
	[tilespmem:v55+s19+$0x0] =	vst.idx.msk $0xffff, v16;
	v55 =	vld [tilespmem:$0x1FBF0]  }
0x240: {  	v5 =	vsel vm0, v20, v19;
	v15 =	vcombine.low v7, v6  }
0x241: {  	v8 =	vsel vm0, v38, v37;
	v4 =	vsel vm0, v12, v13;
	v11 =	vsel vm0, v23, v62  }
0x242: {  	v12 =	vsel vm0, v19, v12;
	v13 =	vsel vm0, v13, v20;
	v14 =	vcombine.low v5, v4  }
0x243: {  	v19 =	vsel vm0, v21, v32;
	v10 =	vsel vm0, v63, v56;
	[tilespmem:v2+s19+$0x0] =	vst.idx.msk $0xffff, v17  }
0x244: {  	[tilespmem:$0x1F670] =	vst v15;
	v17 =	vcombine.low v13, v12;
	v2 =	vor.u32 v14, v0;
	v9 =	vsel vm0, v55, v43  }
0x245: {  	v18 =	vcombine.low v11, v10;
	[tilespmem:$0x1F660] =	vst v14;
	v14 =	vor.u32 v15, v0;
	v16 =	vcombine.low v9, v8  }
0x246: {  	v3 =	vld.idx.msk [tilespmem:v3+s12+$0x0], $0xffff;
	[tilespmem:$0x1F6A0] =	vst v17;
	v17 =	vor.u32 v17, v0;
	v20 =	vsel vm0, v43, v38  }
0x247: {  	[tilespmem:$0x1F690] =	vst v18;
	v21 =	vsel vm0, v37, v55;
	v43 =	vcombine.low v4, v5;
	v15 =	vor.u32 v16, v0  }
0x248: {  	[tilespmem:$0x1F680] =	vst v16;
	v16 =	vor.u32 v18, v0;
	v18 =	vsel vm0, v31, v22;
	v31 =	vsel vm0, v56, v23;
	v23 =	vld [tilespmem:$0x1FCA0]  }
0x249: {  	v37 =	vcombine.low v21, v20;
	v56 =	vcombine.low v6, v7;
	v2 =	vld.idx.msk [tilespmem:v2+s12+$0x0], $0xffff  }
0x24a: {  	[tilespmem:$0x1F6E0] =	vst v43;
	v22 =	vsel vm0, v62, v63;
	v62 =	vcombine.low v8, v9;
	v14 =	vld.idx.msk [tilespmem:v14+s12+$0x0], $0xffff  }
0x24b: {  	v7 =	vor.u32 v43, v0;
	v63 =	vcombine.low v31, v22;
	v8 =	vld.idx.msk [tilespmem:v17+s12+$0x0], $0xffff;
	[tilespmem:$0x1F6F0] =	vst v56  }
0x24c: {  	v43 =	vcombine.low v18, v19;
	v9 =	vor.u32 v56, v0;
	[tilespmem:$0x1F700] =	vst v62;
	v56 =	vcombine.low v20, v21;
	v20 =	vld [tilespmem:$0x1FE70]  }
0x24d: {  	v22 =	vor.u32 v37, v0;
	v21 =	vld [tilespmem:$0x1FFD0];
	[tilespmem:$0x1F6D0] =	vst v63;
	v55 =	vor.u32 v63, v0  }
0x24e: {  	v63 =	vcombine.low v10, v11;
	v11 =	vor.u32 v62, v0;
	[tilespmem:$0x1F730] =	vst v43;
	v62 =	vor.u32 v43, v0;
	v43 =	vld [tilespmem:$0x1F950]  }
0x24f: {  	v4 =	vld.idx.msk [tilespmem:v15+s12+$0x0], $0xffff  }
0x250: {  	v6 =	vld.idx.msk [tilespmem:v16+s12+$0x0], $0xffff  }
0x251: {  	[tilespmem:$0x1F740] =	vst v56;
	v7 =	vld.idx.msk [tilespmem:v7+s12+$0x0], $0xffff  }
0x252: {  	[tilespmem:$0x1F710] =	vst v63;
	v38 =	vor.u32 v63, v0;
	v63 =	vor.u32 v56, v0;
	v56 =	vld [tilespmem:$0x1FED0]  }
0x253: {  	[tilespmem:$0x1F6C0] =	vst v37;
	v32 =	vcombine.low v19, v18;
	v37 =	vcombine.low v12, v13;
	v12 =	vld.idx.msk [tilespmem:v22+s12+$0x0], $0xffff  }
0x254: {  	v22 =	vld [tilespmem:$0x1F940]  }
0x255: {  	[tilespmem:$0x1F6B0] =	vst v32;
	v32 =	vor.u32 v32, v0;
	v9 =	vld.idx.msk [tilespmem:v9+s12+$0x0], $0xffff  }
0x256: {  	v5 =	vld.idx.msk [tilespmem:v55+s12+$0x0], $0xffff  }
0x257: {  	[tilespmem:$0x1F720] =	vst v37;
	v55 =	vor.u32 v37, v0;
	v37 =	vld [tilespmem:$0x1FFB0]  }
0x258: {  	v13 =	vld.idx.msk [tilespmem:v38+s12+$0x0], $0xffff  }
0x259: {  	v38 =	vld [tilespmem:$0x1FFC0]  }
0x25a: {  	v10 =	vld.idx.msk [tilespmem:v32+s12+$0x0], $0xffff  }
0x25b: {  	v11 =	vld.idx.msk [tilespmem:v11+s12+$0x0], $0xffff  }
0x25c: {  	v16 =	vld.idx.msk [tilespmem:v62+s12+$0x0], $0xffff  }
0x25d: {  	v18 =	vor.u32 v37, v1;
	v15 =	vld.idx.msk [tilespmem:v55+s12+$0x0], $0xffff  }
0x25e: {  	v55 =	vld [tilespmem:$0x1F960];
	v19 =	vor.u32 v38, v1  }
0x25f: {  	v20 =	vor.u32 v20, v1;
	v62 =	vld [tilespmem:$0x1FEE0]  }
0x260: {  	v21 =	vor.u32 v21, v1;
	v17 =	vld.idx.msk [tilespmem:v63+s12+$0x0], $0xffff  }
0x261: {  	v63 =	vld [tilespmem:$0x1FEF0];
	v22 =	vor.u32 v22, v1  }
0x262: {  	v37 =	vor.u32 $0x30, v42;
	v42 =	vld [tilespmem:$0x1FCC0];
	[tilespmem:v18+s19+$0x0] =	vst.idx.msk $0xffff, v3;
	v3 =	vor.u32 v43, v1  }
0x263: {  	v18 =	vld [tilespmem:$0x1FF40];
	[tilespmem:v19+s19+$0x0] =	vst.idx.msk $0xffff, v2;
	v2 =	vor.u32 v55, v1  }
0x264: {  	v43 =	vld [tilespmem:$0x1FCD0];
	[tilespmem:v20+s19+$0x0] =	vst.idx.msk $0xffff, v14;
	v14 =	vor.u32 v56, v1  }
0x265: {  	v19 =	vld [tilespmem:$0x1FF50];
	[tilespmem:v21+s19+$0x0] =	vst.idx.msk $0xffff, v4  }
0x266: {  	v55 =	vld [tilespmem:$0x1FCE0];
	[tilespmem:v22+s19+$0x0] =	vst.idx.msk $0xffff, v6  }
0x267: {  	[tilespmem:v3+s19+$0x0] =	vst.idx.msk $0xffff, v8;
	v8 =	vld [tilespmem:$0x1FF00]  }
0x268: {  	[tilespmem:v2+s19+$0x0] =	vst.idx.msk $0xffff, v10;
	v10 =	vld [tilespmem:$0x1FF10]  }
0x269: {  	[tilespmem:v14+s19+$0x0] =	vst.idx.msk $0xffff, v12;
	v12 =	vld [tilespmem:$0x1FF20]  }
0x26a: {  	v20 =	vld [tilespmem:$0x1FC70];
	v4 =	vor.u32 v62, v1  }
0x26b: {  	v56 =	vld [tilespmem:$0x1FCF0];
	v6 =	vor.u32 v63, v1  }
0x26c: {  	v21 =	vld [tilespmem:$0x1FC80];
	v3 =	vor.u32 v8, v1  }
0x26d: {  	v14 =	vld [tilespmem:$0x1FF30];
	v2 =	vor.u32 v10, v1  }
0x26e: {  	v62 =	vld [tilespmem:$0x1FD00];
	v8 =	vor.u32 v12, v1  }
0x26f: {  	v22 =	vld [tilespmem:$0x1FC90];
	[tilespmem:v4+s19+$0x0] =	vst.idx.msk $0xffff, v5  }
0x270: {  	v63 =	vld [tilespmem:$0x1FD10];
	[tilespmem:v6+s19+$0x0] =	vst.idx.msk $0xffff, v7  }
0x271: {  	v12 =	vld [tilespmem:$0x1FC50];
	[tilespmem:v3+s19+$0x0] =	vst.idx.msk $0xffff, v9  }
0x272: {  	v4 =	vor.u32 v14, v1;
	[tilespmem:v2+s19+$0x0] =	vst.idx.msk $0xffff, v11;
	v2 =	vor.u32 v19, v1;
	v19 =	vld [tilespmem:$0x1FC60]  }
0x273: {  	v5 =	vor.u32 v18, v1;
	[tilespmem:v8+s19+$0x0] =	vst.idx.msk $0xffff, v13;
	v13 =	vld [tilespmem:$0x1FC40]  }
0x274: {  	[tilespmem:$0x1F750] =	vst v37;
	v3 =	vor.u32 v37, v0;
	v37 =	vld [tilespmem:$0x1FCB0]  }
0x275: {  	v6 =	vsel vm0, v22, v21  }
0x276: {  	v10 =	vsel vm0, v63, v62;
	v9 =	vsel vm0, v56, v55;
	v11 =	vsel vm0, v40, v39  }
0x277: {  	v8 =	vsel vm0, v43, v42;
	v18 =	vcombine.low v11, v10;
	[tilespmem:v4+s19+$0x0] =	vst.idx.msk $0xffff, v15  }
0x278: {  	[tilespmem:v5+s19+$0x0] =	vst.idx.msk $0xffff, v16;
	v5 =	vsel vm0, v20, v19;
	v4 =	vsel vm0, v12, v13  }
0x279: {  	v16 =	vcombine.low v9, v8;
	[tilespmem:$0x1F790] =	vst v18;
	v7 =	vsel vm0, v37, v23;
	v14 =	vcombine.low v5, v4  }
0x27a: {  	v15 =	vcombine.low v7, v6;
	[tilespmem:v2+s19+$0x0] =	vst.idx.msk $0xffff, v17;
	v12 =	vsel vm0, v19, v12  }
0x27b: {  	[tilespmem:$0x1F780] =	vst v16;
	v13 =	vsel vm0, v13, v20;
	v19 =	vsel vm0, v21, v37;
	v2 =	vor.u32 v14, v0  }
0x27c: {  	v20 =	vsel vm0, v55, v43;
	v21 =	vsel vm0, v42, v56;
	[tilespmem:$0x1F760] =	vst v14;
	v14 =	vor.u32 v15, v0  }
0x27d: {  	v56 =	vsel vm0, v62, v40;
	v38 =	vcombine.low v13, v12;
	[tilespmem:$0x1F770] =	vst v15;
	v15 =	vor.u32 v16, v0  }
0x27e: {  	v3 =	vld.idx.msk [tilespmem:v3+s12+$0x0], $0xffff;
	v42 =	vcombine.low v21, v20;
	v16 =	vor.u32 v18, v0;
	v18 =	vsel vm0, v23, v22  }
0x27f: {  	[tilespmem:$0x1F7A0] =	vst v38;
	v17 =	vor.u32 v38, v0;
	v22 =	vsel vm0, v39, v63;
	v38 =	vcombine.low v19, v18  }
0x280: {  	v63 =	vcombine.low v4, v5;
	v62 =	vcombine.low v56, v22;
	v2 =	vld.idx.msk [tilespmem:v2+s12+$0x0], $0xffff  }
0x281: {  	v22 =	vor.u32 v42, v0;
	v56 =	vcombine.low v6, v7;
	[tilespmem:$0x1F7B0] =	vst v38;
	v14 =	vld.idx.msk [tilespmem:v14+s12+$0x0], $0xffff  }
0x282: {  	v55 =	vmov v63;
	v7 =	vor.u32 v63, v0;
	v63 =	vcombine.low v10, v11;
	[tilespmem:$0x1F7D0] =	vst v62;
	v4 =	vld.idx.msk [tilespmem:v15+s12+$0x0], $0xffff  }
0x283: {  	v5 =	vor.u32 v62, v0;
	v62 =	vcombine.low v8, v9;
	[tilespmem:$0x1F7E0] =	vst v56;
	v6 =	vld.idx.msk [tilespmem:v16+s12+$0x0], $0xffff  }
0x284: {  	v38 =	vor.u32 v38, v0;
	v9 =	vor.u32 v56, v0;
	[tilespmem:$0x1F800] =	vst v63;
	v8 =	vld.idx.msk [tilespmem:v17+s12+$0x0], $0xffff  }
0x285: {  	[tilespmem:$0x1F7F0] =	vst v62;
	v56 =	vor.u32 v62, v0;
	v62 =	vor.u32 v63, v0;
	v63 =	vcombine.low v20, v21;
	v20 =	vld [tilespmem:$0x1FEA0]  }
0x286: {  	v21 =	vld [tilespmem:$0x1FEB0]  }
0x287: {  	[tilespmem:$0x1F7C0] =	vst v42;
	v42 =	vcombine.low v12, v13;
	v12 =	vld.idx.msk [tilespmem:v22+s12+$0x0], $0xffff  }
0x288: {  	v7 =	vld.idx.msk [tilespmem:v7+s12+$0x0], $0xffff  }
0x289: {  	v10 =	vld.idx.msk [tilespmem:v38+s12+$0x0], $0xffff  }
0x28a: {  	v5 =	vld.idx.msk [tilespmem:v5+s12+$0x0], $0xffff  }
0x28b: {  	v22 =	vcombine.low v18, v19;
	v9 =	vld.idx.msk [tilespmem:v9+s12+$0x0], $0xffff  }
0x28c: {  	v15 =	vor.u32 v42, v0;
	v11 =	vld.idx.msk [tilespmem:v56+s12+$0x0], $0xffff  }
0x28d: {  	v43 =	vor.u32 v22, v0;
	v56 =	vld [tilespmem:$0x1FF60]  }
0x28e: {  	v0 =	vor.u32 v63, v0;
	v13 =	vld.idx.msk [tilespmem:v62+s12+$0x0], $0xffff  }
0x28f: {  	v62 =	vld [tilespmem:$0x1FF70]  }
0x290: {  	[tilespmem:$0x1F810] =	vst v63;
	v63 =	vld [tilespmem:$0x1FA40]  }
0x291: {  	v15 =	vld.idx.msk [tilespmem:v15+s12+$0x0], $0xffff  }
0x292: {  	v16 =	vld.idx.msk [tilespmem:v43+s12+$0x0], $0xffff  }
0x293: {  	v0 =	vld.idx.msk [tilespmem:v0+s12+$0x0], $0xffff;
	v17 =	vor.u32 v56, v1  }
0x294: {  	v43 =	vld [tilespmem:$0x1FEC0];
	v18 =	vor.u32 v62, v1  }
0x295: {  	v19 =	vor.u32 v63, v1;
	v56 =	vld [tilespmem:$0x1FA70]  }
0x296: {  	v62 =	vld [tilespmem:$0x1FA80]  }
0x297: {  	v20 =	vor.u32 v20, v1;
	v63 =	vld [tilespmem:$0x1FA90]  }
0x298: {  	v21 =	vor.u32 v21, v1;
	[tilespmem:v17+s19+$0x0] =	vst.idx.msk $0xffff, v3;
	v17 =	vld [tilespmem:$0x1FAA0]  }
0x299: {  	v3 =	vor.u32 v43, v1;
	[tilespmem:v18+s19+$0x0] =	vst.idx.msk $0xffff, v2;
	v18 =	vld [tilespmem:$0x1FAE0]  }
0x29a: {  	v2 =	vor.u32 v56, v1;
	[tilespmem:v19+s19+$0x0] =	vst.idx.msk $0xffff, v14;
	v19 =	vld [tilespmem:$0x1FE80]  }
0x29b: {  	v43 =	vld [tilespmem:$0x1FE90];
	v14 =	vor.u32 v62, v1  }
0x29c: {  	v56 =	vld [tilespmem:$0x1FF80];
	[tilespmem:v20+s19+$0x0] =	vst.idx.msk $0xffff, v4;
	v4 =	vor.u32 v63, v1  }
0x29d: {  	v62 =	vld [tilespmem:$0x1FFA0];
	[tilespmem:v21+s19+$0x0] =	vst.idx.msk $0xffff, v6;
	v6 =	vor.u32 v17, v1  }
0x29e: {  	v63 =	vld [tilespmem:$0x1FF90];
	[tilespmem:v3+s19+$0x0] =	vst.idx.msk $0xffff, v8;
	v3 =	vor.u32 v18, v1  }
0x29f: {  	[tilespmem:v2+s19+$0x0] =	vst.idx.msk $0xffff, v10;
	v2 =	vor.u32 v19, v1  }
0x2a0: {  	v8 =	vor.u32 v43, v1;
	[tilespmem:v14+s19+$0x0] =	vst.idx.msk $0xffff, v12  }
0x2a1: {  	[tilespmem:v4+s19+$0x0] =	vst.idx.msk $0xffff, v5;
	v4 =	vor.u32 v56, v1  }
0x2a2: {  	v5 =	vor.u32 v62, v1;
	[tilespmem:v6+s19+$0x0] =	vst.idx.msk $0xffff, v7  }
0x2a3: {  	p3 =	sne.s32 s26, $0xF0;
	v1 =	vor.u32 v63, v1;
	[tilespmem:v3+s19+$0x0] =	vst.idx.msk $0xffff, v9  }
.Ltmp0:
0x2a4: {  	[tilespmem:v2+s19+$0x0] =	vst.idx.msk $0xffff, v11;
	(pc) =	sbr.rel @p3 .LBB2_3-.Ltmp0, $4  }
0x2a5: {  	v31 =	vld [tilespmem:$0x1FE60];
	[tilespmem:v8+s19+$0x0] =	vst.idx.msk $0xffff, v13  }
0x2a6: {  	v32 =	vld [tilespmem:$0x1FE30];
	[tilespmem:v4+s19+$0x0] =	vst.idx.msk $0xffff, v15  }
0x2a7: {  	v37 =	vld [tilespmem:$0x1FE40];
	[tilespmem:v5+s19+$0x0] =	vst.idx.msk $0xffff, v16  }
0x2a8: {  	s26 =	sadd.s32 $0x10, s26;
	v38 =	vld [tilespmem:$0x1FE50];
	[tilespmem:v1+s19+$0x0] =	vst.idx.msk $0xffff, v0  }
0x2a9: {  	p3 =	seq.s32 s23, $0x19  }
0x2aa: {  	s26 =	sshll.u32 s23, $0x12;
	s28 =	sadd.s32 @!p3 $0x2, s25  }
0x2ab: {  	s29 =	simm.s32 $0x100;
	s25 =	sadd.s32 $0xFFCC0000, s26;
	s30 =	smulhi.u32 @!p3 $0x4EC4EC4F, s28  }
0x2ac: {  	s29 =	simm.s32 @!p2 $0x0;
	s25 =	smov.u32 @p1 s26  }
0x2ad: {  	s26 =	sadd.s32 s3, s25;
	s25 =	sor.u32 s5, s29;
	s29 =	sshrl.u32 @!p3 s30, $0x3  }
0x2ae: {  	s26 =	sadd.s32 s25, s26;
	s29 =	smul.u32 @!p3 $0x1A, s29  }
0x2af: {  	[hbm4b:s26+s15] =	stream.strided.scatter [tilespmem:s19], [sflag:$0x2], $0x4000, s9, s15, $0x38;
	[tilespmem:$0x1C000] =	vst v63  }
0x2b0: {  	s26 =	ssub.s32 @!p3 s28, s29  }
0x2b1: {  	s28 =	sshll.u32 @!p3 s26, $0x9;
	s26 =	sshll.u32 @!p3 s26, $0x7  }
0x2b2: {  	s29 =	sshll.u32 @!p3 s30, $0x8;
	s28 =	sand.u32 @!p3 $0x3000, s28;
	s26 =	sand.u32 @!p3 $0x300, s26  }
0x2b3: {  	s26 =	sor.u32 @!p3 s26, s28;
	s28 =	sand.u32 @!p3 $0x3FFFF800, s29  }
0x2b4: {  	s29 =	simm.s32 @!p3 $0x4000;
	s26 =	sadd.s32 @!p3 s28, s26;
	s28 =	simm.s32 @!p3 $0x80  }
0x2b5: {  	[tilespmem:s29], [sflag:$0x1] =	stream.indirect.gather @!p3 [hbm4b:s0+s28], $0x80, s26, s28, $0xb8;
	[tilespmem:$0x1C000] =	vst v63  }
0x2b6: {  	s26 =	sor.u32 @!p3 $0x400, s26;
	s29 =	simm.s32 @!p3 $0x8000  }
0x2b7: {  	[tilespmem:s29], [sflag:$0x1] =	stream.indirect.gather @!p3 [hbm4b:s0+s28], $0x80, s26, s28, $0xb8;
	[tilespmem:$0x1C000] =	vst v63  }
0x2b8: {  	_ =	swait.ge [sflag:s18], $0x4000  }
0x2b9: {  	s31 =	simm.s32 $0x0;
	v5 =	vlaneseq.u32;
	[sflag:s18] =	ssyncset.done $0x0  }
0x2ba: {  	v1 =	vor.u32 s31, v5;
	[sflag:s18] =	ssyncadd.s32 $0xFFFFC000  }
0x2bb: {  	v0 =	vshll.u32 v1, $0x7;
	_ =	swait.ge [sflag:s18], $0x4000  }
0x2bc: {  	v2 =	vor.u32 v45, v0;
	[sflag:s18] =	ssyncset.done $0x0  }
0x2bd: {  	v3 =	vor.u32 v27, v0;
	s28 =	simm.s32 @!p0 $0x2;
	[sflag:s18] =	ssyncadd.s32 $0xFFFFC000  }
0x2be: {  	v4 =	vor.u32 v48, v0;
	_ =	swait.ge @!p0 [sflag:s28], $0x4000  }
0x2bf: {  	v5 =	vor.u32 v5, v0;
	[sflag:s28] =	ssyncset.done @!p0 $0x0  }
0x2c0: {  	v6 =	vor.u32 v47, v0;
	[sflag:s28] =	ssyncadd.s32 @!p0 $0xFFFFC000  }
0x2c1: {  	v7 =	vor.u32 v51, v0;
	v2 =	vld.idx.msk [tilespmem:v2+s16+$0x0], $0xffff  }
0x2c2: {  	v8 =	vor.u32 v46, v0;
	v3 =	vld.idx.msk [tilespmem:v3+s16+$0x0], $0xffff  }
0x2c3: {  	v9 =	vor.u32 v52, v0;
	v4 =	vld.idx.msk [tilespmem:v4+s16+$0x0], $0xffff  }
0x2c4: {  	v10 =	vor.u32 v26, v0;
	v5 =	vld.idx.msk [tilespmem:v5+s16+$0x0], $0xffff  }
0x2c5: {  	v11 =	vor.u32 v25, v0;
	v6 =	vld.idx.msk [tilespmem:v6+s16+$0x0], $0xffff  }
0x2c6: {  	v12 =	vor.u32 v28, v0;
	v7 =	vld.idx.msk [tilespmem:v7+s16+$0x0], $0xffff  }
0x2c7: {  	v15 =	vmov s31;
	v13 =	vor.u32 v24, v0;
	v8 =	vld.idx.msk [tilespmem:v8+s16+$0x0], $0xffff  }
0x2c8: {  	v15 =	vshll.u32 v15, $0x3;
	v14 =	vor.u32 v29, v0;
	v9 =	vld.idx.msk [tilespmem:v9+s16+$0x0], $0xffff  }
0x2c9: {  	v1 =	vand.u32 $0x7F, v1;
	v16 =	vor.u32 v49, v0;
	v15 =	vand.u32 $0x400, v15;
	v10 =	vld.idx.msk [tilespmem:v10+s16+$0x0], $0xffff  }
0x2ca: {  	v17 =	vor.u32 v50, v0;
	v1 =	vor.u32 v15, v1;
	v11 =	vld.idx.msk [tilespmem:v11+s16+$0x0], $0xffff  }
0x2cb: {  	v18 =	vor.u32 v30, v0;
	v15 =	vor.u32 v53, v1;
	v12 =	vld.idx.msk [tilespmem:v12+s16+$0x0], $0xffff  }
0x2cc: {  	v19 =	vor.u32 v54, v1;
	v13 =	vld.idx.msk [tilespmem:v13+s16+$0x0], $0xffff  }
0x2cd: {  	v20 =	vor.u32 v57, v1;
	v14 =	vld.idx.msk [tilespmem:v14+s16+$0x0], $0xffff  }
0x2ce: {  	v21 =	vor.u32 v58, v1;
	v16 =	vld.idx.msk [tilespmem:v16+s16+$0x0], $0xffff  }
0x2cf: {  	[tilespmem:$0x1F560] =	vst v22;
	v22 =	vor.u32 v59, v1;
	v17 =	vld.idx.msk [tilespmem:v17+s16+$0x0], $0xffff  }
0x2d0: {  	v18 =	vld.idx.msk [tilespmem:v18+s16+$0x0], $0xffff;
	[tilespmem:v15+s20+$0x0] =	vst.idx.msk $0xffff, v5;
	v5 =	vor.u32 v60, v1  }
0x2d1: {  	[tilespmem:v19+s20+$0x0] =	vst.idx.msk $0xffff, v13  }
0x2d2: {  	v15 =	vor.u32 v33, v1;
	[tilespmem:v20+s20+$0x0] =	vst.idx.msk $0xffff, v10  }
0x2d3: {  	[tilespmem:v21+s20+$0x0] =	vst.idx.msk $0xffff, v11  }
0x2d4: {  	v13 =	vor.u32 v34, v1;
	[tilespmem:v22+s20+$0x0] =	vst.idx.msk $0xffff, v3;
	v22 =	vld [tilespmem:$0x1F8C0]  }
0x2d5: {  	[tilespmem:v5+s20+$0x0] =	vst.idx.msk $0xffff, v12;
	v5 =	vld [tilespmem:$0x1F820]  }
0x2d6: {  	v10 =	vor.u32 v35, v1;
	v12 =	vld [tilespmem:$0x1F830]  }
0x2d7: {  	[tilespmem:v15+s20+$0x0] =	vst.idx.msk $0xffff, v14;
	v14 =	vld [tilespmem:$0x1F5F0]  }
0x2d8: {  	v11 =	vor.u32 v36, v1;
	v15 =	vld [tilespmem:$0x1F5E0]  }
0x2d9: {  	[tilespmem:v13+s20+$0x0] =	vst.idx.msk $0xffff, v18;
	v13 =	vld [tilespmem:$0x1F840]  }
0x2da: {  	v3 =	vor.u32 v61, v1;
	v18 =	vld [tilespmem:$0x1F8B0]  }
0x2db: {  	[tilespmem:v10+s20+$0x0] =	vst.idx.msk $0xffff, v2;
	v2 =	vld [tilespmem:$0x1F850]  }
0x2dc: {  	v10 =	vld [tilespmem:$0x1F5B0];
	v5 =	vor.u32 v5, v1  }
0x2dd: {  	[tilespmem:v11+s20+$0x0] =	vst.idx.msk $0xffff, v6;
	v6 =	vld [tilespmem:$0x1F860]  }
0x2de: {  	v11 =	vld [tilespmem:$0x1F620];
	v12 =	vor.u32 v12, v1  }
0x2df: {  	[tilespmem:v3+s20+$0x0] =	vst.idx.msk $0xffff, v8;
	v3 =	vld [tilespmem:$0x1F630]  }
0x2e0: {  	v8 =	vld [tilespmem:$0x1F5A0];
	v13 =	vor.u32 v13, v1  }
0x2e1: {  	[tilespmem:v5+s20+$0x0] =	vst.idx.msk $0xffff, v4;
	v4 =	vld [tilespmem:$0x1FDC0]  }
0x2e2: {  	v2 =	vor.u32 v2, v1;
	v5 =	vld [tilespmem:$0x1FDF0]  }
0x2e3: {  	[tilespmem:v12+s20+$0x0] =	vst.idx.msk $0xffff, v16;
	v12 =	vld [tilespmem:$0x1FD40]  }
0x2e4: {  	v6 =	vor.u32 v6, v1;
	v16 =	vld [tilespmem:$0x1F5C0]  }
0x2e5: {  	[tilespmem:v13+s20+$0x0] =	vst.idx.msk $0xffff, v17;
	v13 =	vld [tilespmem:$0x1F600]  }
0x2e6: {  	v3 =	vor.u32 v3, v0;
	v17 =	vld [tilespmem:$0x1F5D0]  }
0x2e7: {  	v8 =	vor.u32 v8, v0;
	[tilespmem:v2+s20+$0x0] =	vst.idx.msk $0xffff, v7;
	v2 =	vld [tilespmem:$0x1F580]  }
0x2e8: {  	v10 =	vor.u32 v10, v0;
	v7 =	vld [tilespmem:$0x1F590]  }
0x2e9: {  	v11 =	vor.u32 v11, v0;
	[tilespmem:v6+s20+$0x0] =	vst.idx.msk $0xffff, v9;
	v6 =	vld [tilespmem:$0x1F640]  }
0x2ea: {  	v14 =	vor.u32 v14, v0;
	v9 =	vld [tilespmem:$0x1F610]  }
0x2eb: {  	v15 =	vor.u32 v15, v0;
	v3 =	vld.idx.msk [tilespmem:v3+s16+$0x0], $0xffff  }
0x2ec: {  	v4 =	vor.u32 v4, v0;
	v8 =	vld.idx.msk [tilespmem:v8+s16+$0x0], $0xffff  }
0x2ed: {  	v5 =	vor.u32 v5, v0;
	v10 =	vld.idx.msk [tilespmem:v10+s16+$0x0], $0xffff  }
0x2ee: {  	v11 =	vld.idx.msk [tilespmem:v11+s16+$0x0], $0xffff;
	v12 =	vor.u32 v12, v0  }
0x2ef: {  	v14 =	vld.idx.msk [tilespmem:v14+s16+$0x0], $0xffff;
	v16 =	vor.u32 v16, v0  }
0x2f0: {  	v15 =	vld.idx.msk [tilespmem:v15+s16+$0x0], $0xffff;
	v13 =	vor.u32 v13, v0  }
0x2f1: {  	v17 =	vor.u32 v17, v0;
	v4 =	vld.idx.msk [tilespmem:v4+s16+$0x0], $0xffff  }
0x2f2: {  	v2 =	vor.u32 v2, v0;
	v5 =	vld.idx.msk [tilespmem:v5+s16+$0x0], $0xffff  }
0x2f3: {  	v7 =	vor.u32 v7, v0;
	v12 =	vld.idx.msk [tilespmem:v12+s16+$0x0], $0xffff  }
0x2f4: {  	v6 =	vor.u32 v6, v0;
	v16 =	vld.idx.msk [tilespmem:v16+s16+$0x0], $0xffff  }
0x2f5: {  	v9 =	vor.u32 v9, v0;
	v13 =	vld.idx.msk [tilespmem:v13+s16+$0x0], $0xffff  }
0x2f6: {  	v18 =	vor.u32 v18, v1;
	v17 =	vld.idx.msk [tilespmem:v17+s16+$0x0], $0xffff  }
0x2f7: {  	v2 =	vld.idx.msk [tilespmem:v2+s16+$0x0], $0xffff  }
0x2f8: {  	v7 =	vld.idx.msk [tilespmem:v7+s16+$0x0], $0xffff  }
0x2f9: {  	v6 =	vld.idx.msk [tilespmem:v6+s16+$0x0], $0xffff  }
0x2fa: {  	v9 =	vld.idx.msk [tilespmem:v9+s16+$0x0], $0xffff  }
0x2fb: {  	[tilespmem:v18+s20+$0x0] =	vst.idx.msk $0xffff, v12;
	v12 =	vld [tilespmem:$0x1F8D0]  }
0x2fc: {  	v19 =	vor.u32 v32, v1  }
0x2fd: {  	v20 =	vor.u32 v37, v1  }
0x2fe: {  	v21 =	vor.u32 v38, v1  }
0x2ff: {  	v22 =	vor.u32 v22, v1  }
0x300: {  	v18 =	vld [tilespmem:$0x1F8E0];
	v12 =	vor.u32 v12, v1  }
0x301: {  	[tilespmem:v19+s20+$0x0] =	vst.idx.msk $0xffff, v4;
	v4 =	vld [tilespmem:$0x1F8F0]  }
0x302: {  	[tilespmem:v20+s20+$0x0] =	vst.idx.msk $0xffff, v5;
	v5 =	vld [tilespmem:$0x1F900]  }
0x303: {  	[tilespmem:v21+s20+$0x0] =	vst.idx.msk $0xffff, v2;
	v2 =	vld [tilespmem:$0x1F910]  }
0x304: {  	[tilespmem:v22+s20+$0x0] =	vst.idx.msk $0xffff, v7;
	v7 =	vld [tilespmem:$0x1F920]  }
0x305: {  	v18 =	vor.u32 v18, v1;
	[tilespmem:v12+s20+$0x0] =	vst.idx.msk $0xffff, v8;
	v8 =	vld [tilespmem:$0x1F930]  }
0x306: {  	v63 =	vld [tilespmem:$0x1FFF0];
	v4 =	vor.u32 v4, v1  }
0x307: {  	v5 =	vor.u32 v5, v1  }
0x308: {  	v2 =	vor.u32 v2, v1  }
0x309: {  	v7 =	vor.u32 v7, v1  }
0x30a: {  	[tilespmem:v18+s20+$0x0] =	vst.idx.msk $0xffff, v10;
	v8 =	vor.u32 v8, v1  }
0x30b: {  	[tilespmem:v4+s20+$0x0] =	vst.idx.msk $0xffff, v16;
	v4 =	vor.u32 v63, v1  }
0x30c: {  	[tilespmem:v5+s20+$0x0] =	vst.idx.msk $0xffff, v17;
	v5 =	vor.u32 v44, v1  }
0x30d: {  	v43 =	vld [tilespmem:$0x1FFE0];
	[tilespmem:v2+s20+$0x0] =	vst.idx.msk $0xffff, v15;
	v2 =	vor.u32 v31, v1  }
0x30e: {  	[tilespmem:v7+s20+$0x0] =	vst.idx.msk $0xffff, v14  }
0x30f: {  	[tilespmem:v8+s20+$0x0] =	vst.idx.msk $0xffff, v13  }
0x310: {  	v8 =	vld [tilespmem:$0x1F670];
	[tilespmem:v4+s20+$0x0] =	vst.idx.msk $0xffff, v9  }
0x311: {  	v4 =	vld [tilespmem:$0x1F6D0];
	[tilespmem:v5+s20+$0x0] =	vst.idx.msk $0xffff, v11  }
0x312: {  	v7 =	vor.u32 v43, v1;
	[tilespmem:v2+s20+$0x0] =	vst.idx.msk $0xffff, v3;
	v3 =	vld [tilespmem:$0x1F660];
	_ =	sdelay $0x2  }
0x313: {  	v2 =	vld [tilespmem:$0x1F6A0]  }
0x314: {  	v8 =	vor.u32 v8, v0;
	v9 =	vor.u32 v4, v0;
	v4 =	vld [tilespmem:$0x1F690]  }
0x315: {  	[tilespmem:v7+s20+$0x0] =	vst.idx.msk $0xffff, v6;
	v7 =	vor.u32 v3, v0;
	_ =	sdelay $0x1  }
0x316: {  	v3 =	vld [tilespmem:$0x1F6C0]  }
0x317: {  	v6 =	vld [tilespmem:$0x1F6E0];
	v2 =	vor.u32 v2, v0  }
0x318: {  	v5 =	vor.u32 v4, v0;
	v4 =	vld.idx.msk [tilespmem:v8+s16+$0x0], $0xffff  }
0x319: {  	v16 =	vld.idx.msk [tilespmem:v7+s16+$0x0], $0xffff  }
0x31a: {  	v7 =	vld [tilespmem:$0x1F700]  }
0x31b: {  	v8 =	vor.u32 v3, v0;
	v3 =	vld [tilespmem:$0x1F6B0]  }
0x31c: {  	v11 =	vor.u32 v6, v0;
	v6 =	vld.idx.msk [tilespmem:v2+s16+$0x0], $0xffff  }
0x31d: {  	v2 =	vld [tilespmem:$0x1F6F0]  }
0x31e: {  	v39 =	vld [tilespmem:$0x1FFC0]  }
0x31f: {  	v12 =	vor.u32 v7, v0;
	v7 =	vld [tilespmem:$0x1F650]  }
0x320: {  	v62 =	vld [tilespmem:$0x1FE70]  }
0x321: {  	v41 =	vld [tilespmem:$0x1FFD0];
	v10 =	vor.u32 v3, v0  }
0x322: {  	v3 =	vld.idx.msk [tilespmem:v9+s16+$0x0], $0xffff;
	v2 =	vor.u32 v2, v0  }
0x323: {  	v9 =	vld.idx.msk [tilespmem:v8+s16+$0x0], $0xffff  }
0x324: {  	v14 =	vor.u32 v7, v0;
	v7 =	vld [tilespmem:$0x1F710]  }
0x325: {  	v8 =	vld [tilespmem:$0x1F720]  }
0x326: {  	v13 =	vld.idx.msk [tilespmem:v10+s16+$0x0], $0xffff  }
0x327: {  	v10 =	vld.idx.msk [tilespmem:v2+s16+$0x0], $0xffff  }
0x328: {  	v2 =	vld [tilespmem:$0x1F730]  }
0x329: {  	v15 =	vor.u32 v7, v0;
	v7 =	vld.idx.msk [tilespmem:v11+s16+$0x0], $0xffff  }
0x32a: {  	v11 =	vor.u32 v8, v0;
	v8 =	vld [tilespmem:$0x1F680]  }
0x32b: {  	v31 =	vld [tilespmem:$0x1FFB0]  }
0x32c: {  	v5 =	vld.idx.msk [tilespmem:v5+s16+$0x0], $0xffff  }
0x32d: {  	v17 =	vld.idx.msk [tilespmem:v14+s16+$0x0], $0xffff  }
0x32e: {  	v20 =	vor.u32 v2, v0;
	v14 =	vld [tilespmem:$0x1F740]  }
0x32f: {  	v2 =	vld [tilespmem:$0x1F940];
	v18 =	vor.u32 v8, v0  }
0x330: {  	v8 =	vld.idx.msk [tilespmem:v12+s16+$0x0], $0xffff  }
0x331: {  	v12 =	vld.idx.msk [tilespmem:v15+s16+$0x0], $0xffff  }
0x332: {  	v19 =	vor.u32 v62, v1;
	v11 =	vld.idx.msk [tilespmem:v11+s16+$0x0], $0xffff  }
0x333: {  	[tilespmem:$0x1F570] =	vst v42;
	v62 =	vlaneseq.u32;
	v22 =	vor.u32 v39, v1;
	v21 =	vor.u32 v14, v0;
	v14 =	vld.idx.msk [tilespmem:v20+s16+$0x0], $0xffff  }
0x334: {  	s26 =	simm.s32 $0x10;
	v2 =	vor.u32 v2, v1;
	v15 =	vor.u32 v31, v1;
	v20 =	vor.u32 v41, v1;
	v18 =	vld.idx.msk [tilespmem:v18+s16+$0x0], $0xffff  }
.LBB2_5:
0x335: {  	_ =	sdelay $0x2  }
0x336: {  	v21 =	vld.idx.msk [tilespmem:v21+s16+$0x0], $0xffff  }
0x337: {  	[tilespmem:v15+s20+$0x0] =	vst.idx.msk $0xffff, v17;
	v15 =	vld [tilespmem:$0x1F950];
	_ =	sdelay $0x1  }
0x338: {  	[tilespmem:v22+s20+$0x0] =	vst.idx.msk $0xffff, v16;
	v16 =	vld [tilespmem:$0x1F960]  }
0x339: {  	v17 =	vld [tilespmem:$0x1FEE0]  }
0x33a: {  	[tilespmem:v19+s20+$0x0] =	vst.idx.msk $0xffff, v4;
	v4 =	vld [tilespmem:$0x1FED0]  }
0x33b: {  	v19 =	vld [tilespmem:$0x1FA40];
	v15 =	vor.u32 v15, v1  }
0x33c: {  	[tilespmem:v20+s20+$0x0] =	vst.idx.msk $0xffff, v18;
	v18 =	vld [tilespmem:$0x1FF70]  }
0x33d: {  	[tilespmem:v2+s20+$0x0] =	vst.idx.msk $0xffff, v5;
	v2 =	vld [tilespmem:$0x1FEF0];
	v16 =	vor.u32 v16, v1  }
0x33e: {  	v20 =	vld [tilespmem:$0x1FEA0]  }
0x33f: {  	v5 =	vld [tilespmem:$0x1FF00];
	v4 =	vor.u32 v4, v1  }
0x340: {  	[tilespmem:v15+s20+$0x0] =	vst.idx.msk $0xffff, v6;
	v6 =	vld [tilespmem:$0x1FF10]  }
0x341: {  	v17 =	vor.u32 v17, v1;
	v15 =	vld [tilespmem:$0x1F560]  }
0x342: {  	v2 =	vor.u32 v2, v1;
	[tilespmem:v16+s20+$0x0] =	vst.idx.msk $0xffff, v13;
	v13 =	vld [tilespmem:$0x1F7B0]  }
0x343: {  	v16 =	vld [tilespmem:$0x1F810]  }
0x344: {  	v5 =	vor.u32 v5, v1;
	[tilespmem:v4+s20+$0x0] =	vst.idx.msk $0xffff, v9;
	v4 =	vld [tilespmem:$0x1FF20]  }
0x345: {  	v9 =	vld [tilespmem:$0x1F770]  }
0x346: {  	[tilespmem:v17+s20+$0x0] =	vst.idx.msk $0xffff, v3;
	v3 =	vld [tilespmem:$0x1FF30]  }
0x347: {  	[tilespmem:v2+s20+$0x0] =	vst.idx.msk $0xffff, v7;
	v2 =	vld [tilespmem:$0x1FF40];
	v6 =	vor.u32 v6, v1  }
0x348: {  	v17 =	vld [tilespmem:$0x1FF60]  }
0x349: {  	[tilespmem:v5+s20+$0x0] =	vst.idx.msk $0xffff, v10;
	v5 =	vld [tilespmem:$0x1FF50];
	v4 =	vor.u32 v4, v1  }
0x34a: {  	v7 =	vld [tilespmem:$0x1F800]  }
0x34b: {  	v10 =	vld [tilespmem:$0x1F780];
	v3 =	vor.u32 v3, v1  }
0x34c: {  	v2 =	vor.u32 v2, v1;
	[tilespmem:v6+s20+$0x0] =	vst.idx.msk $0xffff, v8;
	v6 =	vld [tilespmem:$0x1F750]  }
0x34d: {  	v8 =	vld [tilespmem:$0x1F760]  }
0x34e: {  	v5 =	vor.u32 v5, v1;
	[tilespmem:v4+s20+$0x0] =	vst.idx.msk $0xffff, v12;
	v4 =	vld [tilespmem:$0x1F7D0]  }
0x34f: {  	v7 =	vor.u32 v7, v0;
	v12 =	vld [tilespmem:$0x1F7A0]  }
0x350: {  	v9 =	vor.u32 v9, v0;
	[tilespmem:v3+s20+$0x0] =	vst.idx.msk $0xffff, v11;
	v11 =	vld [tilespmem:$0x1F790]  }
0x351: {  	v10 =	vor.u32 v10, v0;
	[tilespmem:v2+s20+$0x0] =	vst.idx.msk $0xffff, v14;
	v2 =	vld [tilespmem:$0x1F7E0]  }
0x352: {  	v13 =	vor.u32 v13, v0;
	v14 =	vld [tilespmem:$0x1F7C0]  }
0x353: {  	v15 =	vor.u32 v15, v0;
	[tilespmem:v5+s20+$0x0] =	vst.idx.msk $0xffff, v21;
	v5 =	vld [tilespmem:$0x1F7F0]  }
0x354: {  	v16 =	vor.u32 v16, v0;
	v7 =	vld.idx.msk [tilespmem:v7+s16+$0x0], $0xffff  }
0x355: {  	v3 =	vor.u32 v55, v0;
	v9 =	vld.idx.msk [tilespmem:v9+s16+$0x0], $0xffff  }
0x356: {  	v6 =	vor.u32 v6, v0;
	v10 =	vld.idx.msk [tilespmem:v10+s16+$0x0], $0xffff  }
0x357: {  	v8 =	vor.u32 v8, v0;
	v13 =	vld.idx.msk [tilespmem:v13+s16+$0x0], $0xffff  }
0x358: {  	v15 =	vld.idx.msk [tilespmem:v15+s16+$0x0], $0xffff;
	v4 =	vor.u32 v4, v0  }
0x359: {  	v16 =	vld.idx.msk [tilespmem:v16+s16+$0x0], $0xffff;
	v12 =	vor.u32 v12, v0  }
0x35a: {  	v3 =	vld.idx.msk [tilespmem:v3+s16+$0x0], $0xffff;
	v11 =	vor.u32 v11, v0;
	v2 =	vor.u32 v2, v0  }
0x35b: {  	v14 =	vor.u32 v14, v0;
	v5 =	vor.u32 v5, v0;
	v6 =	vld.idx.msk [tilespmem:v6+s16+$0x0], $0xffff;
	v0 =	vor.u32 v42, v0  }
0x35c: {  	v8 =	vld.idx.msk [tilespmem:v8+s16+$0x0], $0xffff  }
0x35d: {  	v4 =	vld.idx.msk [tilespmem:v4+s16+$0x0], $0xffff  }
0x35e: {  	v12 =	vld.idx.msk [tilespmem:v12+s16+$0x0], $0xffff  }
0x35f: {  	v11 =	vld.idx.msk [tilespmem:v11+s16+$0x0], $0xffff  }
0x360: {  	v17 =	vor.u32 v17, v1;
	v21 =	vld.idx.msk [tilespmem:v0+s16+$0x0], $0xffff  }
0x361: {  	v0 =	vld [tilespmem:$0x1FEB0]  }
0x362: {  	v2 =	vld.idx.msk [tilespmem:v2+s16+$0x0], $0xffff  }
0x363: {  	v18 =	vor.u32 v18, v1;
	v14 =	vld.idx.msk [tilespmem:v14+s16+$0x0], $0xffff  }
0x364: {  	v19 =	vor.u32 v19, v1;
	v5 =	vld.idx.msk [tilespmem:v5+s16+$0x0], $0xffff  }
0x365: {  	v20 =	vor.u32 v20, v1;
	[tilespmem:v17+s20+$0x0] =	vst.idx.msk $0xffff, v6;
	v6 =	vld [tilespmem:$0x1FEC0]  }
0x366: {  	v0 =	vor.u32 v0, v1  }
0x367: {  	v17 =	vld [tilespmem:$0x1FF90]  }
0x368: {  	[tilespmem:v18+s20+$0x0] =	vst.idx.msk $0xffff, v8;
	v8 =	vld [tilespmem:$0x1FA70]  }
0x369: {  	v18 =	vld [tilespmem:$0x1FFA0];
	[tilespmem:v19+s20+$0x0] =	vst.idx.msk $0xffff, v9  }
0x36a: {  	v9 =	vld [tilespmem:$0x1FA80];
	[tilespmem:v20+s20+$0x0] =	vst.idx.msk $0xffff, v10;
	v6 =	vor.u32 v6, v1  }
0x36b: {  	[tilespmem:v0+s20+$0x0] =	vst.idx.msk $0xffff, v11;
	v0 =	vld [tilespmem:$0x1FAA0]  }
0x36c: {  	v19 =	vld [tilespmem:$0x1FF80]  }
0x36d: {  	v10 =	vld [tilespmem:$0x1FA90]  }
0x36e: {  	v20 =	vld [tilespmem:$0x1FE90]  }
0x36f: {  	[tilespmem:v6+s20+$0x0] =	vst.idx.msk $0xffff, v12;
	v6 =	vld [tilespmem:$0x1FAE0]  }
0x370: {  	v11 =	vor.u32 v0, v1;
	v0 =	vld [tilespmem:$0x1FE80]  }
0x371: {  	v8 =	vor.u32 v8, v1  }
0x372: {  	v9 =	vor.u32 v9, v1  }
0x373: {  	v10 =	vor.u32 v10, v1  }
0x374: {  	v17 =	vor.u32 v17, v1;
	v18 =	vor.u32 v18, v1;
	v19 =	vor.u32 v19, v1  }
0x375: {  	v20 =	vor.u32 v20, v1;
	v23 =	vor.u32 v0, v1;
	v1 =	vor.u32 v6, v1  }
0x376: {  	[tilespmem:v8+s20+$0x0] =	vst.idx.msk $0xffff, v13  }
0x377: {  	s28 =	smov.u32 s26;
	[tilespmem:v9+s20+$0x0] =	vst.idx.msk $0xffff, v14  }
0x378: {  	v22 =	vor.u32 s28, v62;
	[tilespmem:v10+s20+$0x0] =	vst.idx.msk $0xffff, v4  }
0x379: {  	v0 =	vshll.u32 v22, $0x7;
	[tilespmem:v11+s20+$0x0] =	vst.idx.msk $0xffff, v3  }
0x37a: {  	v6 =	vor.u32 v62, v0;
	v8 =	vor.u32 v25, v0;
	[tilespmem:v1+s20+$0x0] =	vst.idx.msk $0xffff, v2  }
0x37b: {  	v56 =	vmovc v48;
	v13 =	vor.u32 v27, v0;
	v9 =	vor.u32 v29, v0;
	v1 =	vmov s28;
	[tilespmem:v23+s20+$0x0] =	vst.idx.msk $0xffff, v5  }
0x37c: {  	v14 =	vor.u32 v45, v0;
	v10 =	vor.u32 v48, v0;
	v1 =	vshll.u32 v1, $0x3;
	[tilespmem:v20+s20+$0x0] =	vst.idx.msk $0xffff, v7  }
0x37d: {  	v22 =	vand.u32 $0x7F, v22;
	v48 =	vmovc v25;
	v25 =	vor.u32 v47, v0;
	v1 =	vand.u32 $0x400, v1;
	[tilespmem:v19+s20+$0x0] =	vst.idx.msk $0xffff, v21  }
0x37e: {  	v1 =	vor.u32 v1, v22;
	[tilespmem:v18+s20+$0x0] =	vst.idx.msk $0xffff, v15;
	v15 =	vor.u32 v51, v0  }
0x37f: {  	v32 =	vmovc v59;
	v22 =	vor.u32 v59, v1;
	v59 =	vmovc v51;
	v51 =	vmov v29;
	v29 =	vor.u32 v61, v1  }
0x380: {  	v38 =	vmovc v61;
	v61 =	vmov v53;
	[tilespmem:v17+s20+$0x0] =	vst.idx.msk $0xffff, v16;
	v16 =	vor.u32 v53, v1;
	v53 =	vmov v45;
	v45 =	vld [tilespmem:$0x1F830]  }
0x381: {  	v4 =	vor.u32 v46, v0;
	v14 =	vld.idx.msk [tilespmem:v14+s16+$0x0], $0xffff  }
0x382: {  	v5 =	vor.u32 v26, v0;
	v13 =	vld.idx.msk [tilespmem:v13+s16+$0x0], $0xffff  }
0x383: {  	v40 =	vmovc v41;
	v41 =	vmov v39;
	v39 =	vmov v43;
	v43 =	vmov v44;
	v10 =	vld.idx.msk [tilespmem:v10+s16+$0x0], $0xffff  }
0x384: {  	v44 =	vmovc v63;
	v63 =	vmovc v57;
	v31 =	vmov v58;
	v37 =	vmov v36;
	v12 =	vor.u32 v24, v0;
	v6 =	vld.idx.msk [tilespmem:v6+s16+$0x0], $0xffff  }
0x385: {  	v42 =	vmovc v55;
	v55 =	vmov v46;
	v3 =	vor.u32 v49, v0;
	v11 =	vor.u32 v50, v0;
	v20 =	vld.idx.msk [tilespmem:v25+s16+$0x0], $0xffff  }
0x386: {  	v46 =	vmovc v24;
	v24 =	vor.u32 v30, v0;
	v62 =	vmov v54;
	v7 =	vor.u32 v52, v0;
	v4 =	vld.idx.msk [tilespmem:v4+s16+$0x0], $0xffff  }
0x387: {  	v19 =	vor.u32 v28, v0;
	v18 =	vor.u32 v54, v1;
	v21 =	vor.u32 v58, v1;
	v5 =	vld.idx.msk [tilespmem:v5+s16+$0x0], $0xffff  }
0x388: {  	v23 =	vor.u32 v60, v1;
	v54 =	vmovc v47;
	v47 =	vmov v26;
	v26 =	vor.u32 v34, v1;
	v8 =	vld.idx.msk [tilespmem:v8+s16+$0x0], $0xffff  }
0x389: {  	v58 =	vmovc v50;
	v50 =	vmov v28;
	v28 =	vor.u32 v36, v1;
	v17 =	vor.u32 v57, v1;
	v12 =	vld.idx.msk [tilespmem:v12+s16+$0x0], $0xffff  }
0x38a: {  	v36 =	vmovc v35;
	v57 =	vmovc v49;
	v49 =	vmov v27;
	v27 =	vor.u32 v35, v1;
	v35 =	vmov v34;
	v9 =	vld.idx.msk [tilespmem:v9+s16+$0x0], $0xffff  }
0x38b: {  	v34 =	vmovc v33;
	v25 =	vor.u32 v33, v1;
	v33 =	vmovc v60;
	v60 =	vmov v52;
	v52 =	vmov v30;
	v30 =	vld [tilespmem:$0x1F820]  }
0x38c: {  	v3 =	vld.idx.msk [tilespmem:v3+s16+$0x0], $0xffff  }
0x38d: {  	v11 =	vld.idx.msk [tilespmem:v11+s16+$0x0], $0xffff  }
0x38e: {  	v24 =	vld.idx.msk [tilespmem:v24+s16+$0x0], $0xffff  }
0x38f: {  	v7 =	vld.idx.msk [tilespmem:v7+s16+$0x0], $0xffff  }
0x390: {  	v19 =	vld.idx.msk [tilespmem:v19+s16+$0x0], $0xffff  }
0x391: {  	v15 =	vld.idx.msk [tilespmem:v15+s16+$0x0], $0xffff  }
0x392: {  	[tilespmem:v16+s20+$0x0] =	vst.idx.msk $0xffff, v6;
	v6 =	vld [tilespmem:$0x1F840]  }
0x393: {  	v16 =	vld [tilespmem:$0x1FDF0]  }
0x394: {  	[tilespmem:v18+s20+$0x0] =	vst.idx.msk $0xffff, v12;
	v12 =	vld [tilespmem:$0x1F850]  }
0x395: {  	v18 =	vld [tilespmem:$0x1F5A0]  }
0x396: {  	[tilespmem:v17+s20+$0x0] =	vst.idx.msk $0xffff, v5;
	v5 =	vld [tilespmem:$0x1F860]  }
0x397: {  	[tilespmem:v21+s20+$0x0] =	vst.idx.msk $0xffff, v8;
	v8 =	vld [tilespmem:$0x1FD40]  }
0x398: {  	[tilespmem:v22+s20+$0x0] =	vst.idx.msk $0xffff, v13;
	v13 =	vld [tilespmem:$0x1F590]  }
0x399: {  	v22 =	vld [tilespmem:$0x1F5B0]  }
0x39a: {  	[tilespmem:v23+s20+$0x0] =	vst.idx.msk $0xffff, v19;
	v19 =	vld [tilespmem:$0x1F900]  }
0x39b: {  	v23 =	vld [tilespmem:$0x1F620]  }
0x39c: {  	[tilespmem:v25+s20+$0x0] =	vst.idx.msk $0xffff, v9;
	v9 =	vld [tilespmem:$0x1FDC0]  }
0x39d: {  	v25 =	vld [tilespmem:$0x1F5F0]  }
0x39e: {  	[tilespmem:v26+s20+$0x0] =	vst.idx.msk $0xffff, v24;
	v24 =	vld [tilespmem:$0x1F600]  }
0x39f: {  	v30 =	vor.u32 v30, v1;
	v26 =	vld [tilespmem:$0x1F5E0]  }
0x3a0: {  	[tilespmem:v27+s20+$0x0] =	vst.idx.msk $0xffff, v14;
	v14 =	vld [tilespmem:$0x1F8B0]  }
0x3a1: {  	v27 =	vld [tilespmem:$0x1F5C0]  }
0x3a2: {  	v45 =	vor.u32 v45, v1;
	[tilespmem:v28+s20+$0x0] =	vst.idx.msk $0xffff, v20;
	v20 =	vld [tilespmem:$0x1F610]  }
0x3a3: {  	v6 =	vor.u32 v6, v1;
	v12 =	vor.u32 v12, v1;
	v28 =	vld [tilespmem:$0x1F5D0];
	[tilespmem:v29+s20+$0x0] =	vst.idx.msk $0xffff, v4  }
0x3a4: {  	v29 =	vmovc v51;
	v51 =	vmovc v59;
	v59 =	vmov v32;
	v32 =	vld [tilespmem:$0x1FE30];
	[tilespmem:v30+s20+$0x0] =	vst.idx.msk $0xffff, v10;
	v30 =	vmov v52;
	v52 =	vmov v60  }
0x3a5: {  	v60 =	vmovc v33;
	v33 =	vmovc v34;
	v34 =	vmov v35;
	v35 =	vmov v36;
	v36 =	vmov v37;
	v37 =	vld [tilespmem:$0x1FE40]  }
0x3a6: {  	v10 =	vld [tilespmem:$0x1F630]  }
0x3a7: {  	v5 =	vor.u32 v5, v1;
	[tilespmem:v45+s20+$0x0] =	vst.idx.msk $0xffff, v3;
	v45 =	vmovc v53;
	v53 =	vmov v61;
	v61 =	vmov v38;
	v38 =	vld [tilespmem:$0x1FE50]  }
0x3a8: {  	[tilespmem:v6+s20+$0x0] =	vst.idx.msk $0xffff, v11;
	v6 =	vld [tilespmem:$0x1F8C0]  }
0x3a9: {  	v9 =	vor.u32 v9, v0;
	v11 =	vld [tilespmem:$0x1F580]  }
0x3aa: {  	v16 =	vor.u32 v16, v0;
	[tilespmem:v12+s20+$0x0] =	vst.idx.msk $0xffff, v15;
	v12 =	vld [tilespmem:$0x1F8D0]  }
0x3ab: {  	v13 =	vor.u32 v13, v0;
	v15 =	vld [tilespmem:$0x1F8F0]  }
0x3ac: {  	v18 =	vor.u32 v18, v0;
	[tilespmem:v5+s20+$0x0] =	vst.idx.msk $0xffff, v7;
	v5 =	vld [tilespmem:$0x1F640]  }
0x3ad: {  	v22 =	vor.u32 v22, v0;
	v7 =	vld [tilespmem:$0x1F8E0]  }
0x3ae: {  	v23 =	vor.u32 v23, v0;
	v9 =	vld.idx.msk [tilespmem:v9+s16+$0x0], $0xffff  }
0x3af: {  	v8 =	vor.u32 v8, v0;
	v16 =	vld.idx.msk [tilespmem:v16+s16+$0x0], $0xffff  }
0x3b0: {  	v25 =	vor.u32 v25, v0;
	v13 =	vld.idx.msk [tilespmem:v13+s16+$0x0], $0xffff  }
0x3b1: {  	v24 =	vor.u32 v24, v0;
	v18 =	vld.idx.msk [tilespmem:v18+s16+$0x0], $0xffff  }
0x3b2: {  	v26 =	vor.u32 v26, v0;
	v22 =	vld.idx.msk [tilespmem:v22+s16+$0x0], $0xffff  }
0x3b3: {  	v27 =	vor.u32 v27, v0;
	v23 =	vld.idx.msk [tilespmem:v23+s16+$0x0], $0xffff  }
0x3b4: {  	v20 =	vor.u32 v20, v0;
	v8 =	vld.idx.msk [tilespmem:v8+s16+$0x0], $0xffff  }
0x3b5: {  	v28 =	vor.u32 v28, v0;
	v25 =	vld.idx.msk [tilespmem:v25+s16+$0x0], $0xffff  }
0x3b6: {  	v24 =	vld.idx.msk [tilespmem:v24+s16+$0x0], $0xffff;
	v11 =	vor.u32 v11, v0  }
0x3b7: {  	v10 =	vor.u32 v10, v0;
	v26 =	vld.idx.msk [tilespmem:v26+s16+$0x0], $0xffff  }
0x3b8: {  	v14 =	vor.u32 v14, v1;
	v27 =	vld.idx.msk [tilespmem:v27+s16+$0x0], $0xffff;
	v5 =	vor.u32 v5, v0  }
0x3b9: {  	v4 =	vor.u32 v32, v1;
	v20 =	vld.idx.msk [tilespmem:v20+s16+$0x0], $0xffff  }
0x3ba: {  	v17 =	vor.u32 v37, v1;
	v28 =	vld.idx.msk [tilespmem:v28+s16+$0x0], $0xffff  }
0x3bb: {  	v3 =	vor.u32 v38, v1;
	v11 =	vld.idx.msk [tilespmem:v11+s16+$0x0], $0xffff  }
0x3bc: {  	v6 =	vor.u32 v6, v1;
	v10 =	vld.idx.msk [tilespmem:v10+s16+$0x0], $0xffff  }
0x3bd: {  	v12 =	vor.u32 v12, v1;
	v5 =	vld.idx.msk [tilespmem:v5+s16+$0x0], $0xffff;
	[tilespmem:v14+s20+$0x0] =	vst.idx.msk $0xffff, v8  }
0x3be: {  	v7 =	vor.u32 v7, v1;
	[tilespmem:v4+s20+$0x0] =	vst.idx.msk $0xffff, v9  }
0x3bf: {  	v15 =	vor.u32 v15, v1;
	[tilespmem:v17+s20+$0x0] =	vst.idx.msk $0xffff, v16  }
0x3c0: {  	v21 =	vld [tilespmem:$0x1F910];
	v19 =	vor.u32 v19, v1;
	[tilespmem:v3+s20+$0x0] =	vst.idx.msk $0xffff, v11  }
0x3c1: {  	v3 =	vld [tilespmem:$0x1F920];
	[tilespmem:v6+s20+$0x0] =	vst.idx.msk $0xffff, v13  }
0x3c2: {  	v4 =	vld [tilespmem:$0x1F930];
	[tilespmem:v12+s20+$0x0] =	vst.idx.msk $0xffff, v18  }
0x3c3: {  	[tilespmem:v7+s20+$0x0] =	vst.idx.msk $0xffff, v22  }
0x3c4: {  	[tilespmem:v15+s20+$0x0] =	vst.idx.msk $0xffff, v27  }
0x3c5: {  	v21 =	vor.u32 v21, v1;
	[tilespmem:v19+s20+$0x0] =	vst.idx.msk $0xffff, v28;
	v28 =	vmovc v50;
	v50 =	vmov v58;
	v58 =	vmov v31;
	v31 =	vld [tilespmem:$0x1FE60]  }
0x3c6: {  	v3 =	vor.u32 v3, v1  }
0x3c7: {  	v4 =	vor.u32 v4, v1;
	v27 =	vmovc v49;
	v49 =	vmovc v57;
	v57 =	vmov v63;
	v63 =	vmov v44  }
0x3c8: {  	v44 =	vmov v43;
	v6 =	vor.u32 v63, v1  }
0x3c9: {  	v7 =	vor.u32 v44, v1  }
0x3ca: {  	v43 =	vmov v39;
	[tilespmem:v21+s20+$0x0] =	vst.idx.msk $0xffff, v26;
	v8 =	vor.u32 v31, v1  }
0x3cb: {  	[tilespmem:v3+s20+$0x0] =	vst.idx.msk $0xffff, v25;
	v3 =	vor.u32 v43, v1  }
0x3cc: {  	[tilespmem:v4+s20+$0x0] =	vst.idx.msk $0xffff, v24  }
0x3cd: {  	[tilespmem:v6+s20+$0x0] =	vst.idx.msk $0xffff, v20  }
0x3ce: {  	[tilespmem:v7+s20+$0x0] =	vst.idx.msk $0xffff, v23  }
0x3cf: {  	[tilespmem:v8+s20+$0x0] =	vst.idx.msk $0xffff, v10  }
0x3d0: {  	[tilespmem:v3+s20+$0x0] =	vst.idx.msk $0xffff, v5;
	v3 =	vld [tilespmem:$0x1F660];
	_ =	sdelay $0x4  }
0x3d1: {  	v9 =	vor.u32 v3, v0;
	_ =	sdelay $0x1  }
0x3d2: {  	v6 =	vld [tilespmem:$0x1F6D0]  }
0x3d3: {  	v3 =	vld [tilespmem:$0x1F6C0];
	_ =	sdelay $0x1  }
0x3d4: {  	v16 =	vld.idx.msk [tilespmem:v9+s16+$0x0], $0xffff  }
0x3d5: {  	v9 =	vld [tilespmem:$0x1F700]  }
0x3d6: {  	v7 =	vld [tilespmem:$0x1F690]  }
0x3d7: {  	v6 =	vor.u32 v6, v0;
	v10 =	vor.u32 v3, v0;
	v3 =	vld [tilespmem:$0x1F6B0]  }
0x3d8: {  	v8 =	vld [tilespmem:$0x1F6A0];
	_ =	sdelay $0x1  }
0x3d9: {  	v12 =	vor.u32 v9, v0;
	v9 =	vld [tilespmem:$0x1F650];
	_ =	sdelay $0x1  }
0x3da: {  	v7 =	vor.u32 v7, v0;
	v11 =	vor.u32 v3, v0;
	v3 =	vld.idx.msk [tilespmem:v6+s16+$0x0], $0xffff  }
0x3db: {  	v8 =	vor.u32 v8, v0;
	v6 =	vld [tilespmem:$0x1F6E0];
	_ =	sdelay $0x1  }
0x3dc: {  	v14 =	vor.u32 v9, v0;
	v9 =	vld.idx.msk [tilespmem:v10+s16+$0x0], $0xffff  }
0x3dd: {  	v10 =	vld [tilespmem:$0x1F710]  }
0x3de: {  	v5 =	vld.idx.msk [tilespmem:v7+s16+$0x0], $0xffff  }
0x3df: {  	v7 =	vor.u32 v6, v0;
	v6 =	vld.idx.msk [tilespmem:v8+s16+$0x0], $0xffff  }
0x3e0: {  	v8 =	vld [tilespmem:$0x1F6F0]  }
0x3e1: {  	v13 =	vld.idx.msk [tilespmem:v11+s16+$0x0], $0xffff  }
0x3e2: {  	v11 =	vor.u32 v10, v0;
	v10 =	vld [tilespmem:$0x1F720];
	_ =	sdelay $0x4  }
0x3e3: {  	v8 =	vor.u32 v8, v0;
	v18 =	vor.u32 v10, v0;
	v10 =	vld [tilespmem:$0x1F680];
	_ =	sdelay $0x3  }
0x3e4: {  	v4 =	vld [tilespmem:$0x1F670]  }
0x3e5: {  	v19 =	vor.u32 v10, v0;
	v10 =	vld.idx.msk [tilespmem:v8+s16+$0x0], $0xffff  }
0x3e6: {  	v8 =	vld.idx.msk [tilespmem:v12+s16+$0x0], $0xffff  }
0x3e7: {  	v12 =	vld [tilespmem:$0x1F730];
	_ =	sdelay $0x1  }
0x3e8: {  	v2 =	vld [tilespmem:$0x1F940];
	v4 =	vor.u32 v4, v0  }
0x3e9: {  	v25 =	vmov v48;
	v48 =	vmov v56;
	v56 =	vld [tilespmem:$0x1FE70]  }
0x3ea: {  	v24 =	vmov v46;
	v46 =	vmov v55;
	v55 =	vmov v42;
	v42 =	vld [tilespmem:$0x1F570]  }
0x3eb: {  	v20 =	vor.u32 v12, v0;
	v12 =	vld [tilespmem:$0x1F740]  }
0x3ec: {  	v23 =	vld [tilespmem:$0x1FFB0]  }
0x3ed: {  	v4 =	vld.idx.msk [tilespmem:v4+s16+$0x0], $0xffff  }
0x3ee: {  	p0 =	sne.s32 s26, $0xF0;
	v7 =	vld.idx.msk [tilespmem:v7+s16+$0x0], $0xffff  }
.Ltmp1:
0x3ef: {  	v17 =	vld.idx.msk [tilespmem:v14+s16+$0x0], $0xffff;
	(pc) =	sbr.rel @p0 .LBB2_5-.Ltmp1, $4  }
0x3f0: {  	v21 =	vor.u32 v12, v0;
	v12 =	vld.idx.msk [tilespmem:v11+s16+$0x0], $0xffff  }
0x3f1: {  	v2 =	vor.u32 v2, v1;
	v39 =	vmov v41;
	v41 =	vmov v40;
	v11 =	vld.idx.msk [tilespmem:v18+s16+$0x0], $0xffff  }
0x3f2: {  	v22 =	vor.u32 v39, v1;
	v26 =	vmovc v47;
	v47 =	vmovc v54;
	v54 =	vmov v62;
	v62 =	vlaneseq.u32;
	v18 =	vld.idx.msk [tilespmem:v19+s16+$0x0], $0xffff  }
0x3f3: {  	s26 =	sadd.s32 $0x10, s26;
	v15 =	vor.u32 v23, v1;
	v19 =	vor.u32 v56, v1;
	v14 =	vld.idx.msk [tilespmem:v20+s16+$0x0], $0xffff;
	v20 =	vor.u32 v41, v1  }
0x3f4: {  	_ =	sdelay $0x3  }
0x3f5: {  	v21 =	vld.idx.msk [tilespmem:v21+s16+$0x0], $0xffff  }
0x3f6: {  	v43 =	vld [tilespmem:$0x1F950]  }
0x3f7: {  	v56 =	vld [tilespmem:$0x1F960]  }
0x3f8: {  	v62 =	vld [tilespmem:$0x1FED0]  }
0x3f9: {  	v63 =	vld [tilespmem:$0x1FEE0]  }
0x3fa: {  	v23 =	vld [tilespmem:$0x1FF10]  }
0x3fb: {  	v39 =	vld [tilespmem:$0x1FF20]  }
0x3fc: {  	[tilespmem:v15+s20+$0x0] =	vst.idx.msk $0xffff, v17;
	v40 =	vld [tilespmem:$0x1FF30]  }
0x3fd: {  	v41 =	vld [tilespmem:$0x1FF40];
	[tilespmem:v22+s20+$0x0] =	vst.idx.msk $0xffff, v16  }
0x3fe: {  	v22 =	vld [tilespmem:$0x1FF00];
	[tilespmem:v19+s20+$0x0] =	vst.idx.msk $0xffff, v4  }
0x3ff: {  	[tilespmem:v20+s20+$0x0] =	vst.idx.msk $0xffff, v18;
	v20 =	vld [tilespmem:$0x1FEF0]  }
0x400: {  	v18 =	vld [tilespmem:$0x1F790];
	v15 =	vor.u32 v43, v1  }
0x401: {  	v16 =	vor.u32 v56, v1;
	v43 =	vld [tilespmem:$0x1FF50]  }
0x402: {  	v4 =	vor.u32 v62, v1;
	v56 =	vld [tilespmem:$0x1F750]  }
0x403: {  	v17 =	vor.u32 v63, v1;
	v62 =	vld [tilespmem:$0x1F7D0]  }
0x404: {  	[tilespmem:v2+s20+$0x0] =	vst.idx.msk $0xffff, v5;
	v2 =	vor.u32 v20, v1;
	v20 =	vld [tilespmem:$0x1F810]  }
0x405: {  	v5 =	vor.u32 v22, v1;
	[tilespmem:v15+s20+$0x0] =	vst.idx.msk $0xffff, v6;
	v15 =	vld [tilespmem:$0x1F760]  }
0x406: {  	v6 =	vor.u32 v23, v1;
	v23 =	vld [tilespmem:$0x1F7A0];
	[tilespmem:v16+s20+$0x0] =	vst.idx.msk $0xffff, v13  }
0x407: {  	v13 =	vld [tilespmem:$0x1F7F0];
	[tilespmem:v4+s20+$0x0] =	vst.idx.msk $0xffff, v9;
	v4 =	vor.u32 v39, v1  }
0x408: {  	v16 =	vld [tilespmem:$0x1F770];
	[tilespmem:v17+s20+$0x0] =	vst.idx.msk $0xffff, v3;
	v3 =	vor.u32 v40, v1  }
0x409: {  	v17 =	vld [tilespmem:$0x1F780];
	[tilespmem:v2+s20+$0x0] =	vst.idx.msk $0xffff, v7;
	v2 =	vor.u32 v41, v1  }
0x40a: {  	[tilespmem:v5+s20+$0x0] =	vst.idx.msk $0xffff, v10;
	v5 =	vor.u32 v43, v1;
	v43 =	vld [tilespmem:$0x1F7C0]  }
0x40b: {  	v39 =	vor.u32 v23, v0;
	v23 =	vld [tilespmem:$0x1FF60];
	[tilespmem:v6+s20+$0x0] =	vst.idx.msk $0xffff, v8  }
0x40c: {  	v40 =	vld [tilespmem:$0x1F7B0];
	v6 =	vor.u32 v56, v0;
	[tilespmem:v4+s20+$0x0] =	vst.idx.msk $0xffff, v12  }
0x40d: {  	v63 =	vor.u32 v55, v0;
	v12 =	vld [tilespmem:$0x1F7E0];
	[tilespmem:v3+s20+$0x0] =	vst.idx.msk $0xffff, v11  }
0x40e: {  	v8 =	vor.u32 v15, v0;
	[tilespmem:v2+s20+$0x0] =	vst.idx.msk $0xffff, v14;
	v14 =	vld [tilespmem:$0x1F800]  }
0x40f: {  	v19 =	vor.u32 v18, v0;
	v9 =	vor.u32 v16, v0;
	v55 =	vor.u32 v43, v0;
	v43 =	vld [tilespmem:$0x1FEA0]  }
0x410: {  	v10 =	vor.u32 v17, v0;
	[tilespmem:v5+s20+$0x0] =	vst.idx.msk $0xffff, v21;
	v17 =	vor.u32 v23, v1;
	v23 =	vld [tilespmem:$0x1FEC0]  }
0x411: {  	v4 =	vor.u32 v62, v0;
	v6 =	vld.idx.msk [tilespmem:v6+s16+$0x0], $0xffff  }
0x412: {  	v3 =	vld.idx.msk [tilespmem:v63+s16+$0x0], $0xffff  }
0x413: {  	v5 =	vor.u32 v13, v0;
	v8 =	vld.idx.msk [tilespmem:v8+s16+$0x0], $0xffff  }
0x414: {  	v9 =	vld.idx.msk [tilespmem:v9+s16+$0x0], $0xffff  }
0x415: {  	v11 =	vld.idx.msk [tilespmem:v19+s16+$0x0], $0xffff  }
0x416: {  	v4 =	vld.idx.msk [tilespmem:v4+s16+$0x0], $0xffff  }
0x417: {  	v41 =	vor.u32 v40, v0;
	v2 =	vor.u32 v12, v0;
	v12 =	vld.idx.msk [tilespmem:v39+s16+$0x0], $0xffff  }
0x418: {  	v22 =	vld.idx.msk [tilespmem:v5+s16+$0x0], $0xffff  }
0x419: {  	v7 =	vor.u32 v14, v0;
	v5 =	vld [tilespmem:$0x1F560]  }
0x41a: {  	v39 =	vld [tilespmem:$0x1FF70]  }
0x41b: {  	v21 =	vor.u32 v20, v0;
	v10 =	vld.idx.msk [tilespmem:v10+s16+$0x0], $0xffff  }
0x41c: {  	v62 =	vld.idx.msk [tilespmem:v41+s16+$0x0], $0xffff  }
0x41d: {  	v41 =	vld [tilespmem:$0x1FA40]  }
0x41e: {  	[tilespmem:$0x1F550] =	vst v22;
	v22 =	vld.idx.msk [tilespmem:v7+s16+$0x0], $0xffff;
	v7 =	vor.u32 v5, v0  }
0x41f: {  	v14 =	vld.idx.msk [tilespmem:v55+s16+$0x0], $0xffff;
	v0 =	vor.u32 v42, v0  }
0x420: {  	v15 =	vld.idx.msk [tilespmem:v21+s16+$0x0], $0xffff;
	v40 =	vor.u32 v39, v1  }
0x421: {  	v56 =	vld.idx.msk [tilespmem:v2+s16+$0x0], $0xffff  }
0x422: {  	v42 =	vor.u32 v41, v1;
	v5 =	vld [tilespmem:$0x1FEB0]  }
0x423: {  	v7 =	vld.idx.msk [tilespmem:v7+s16+$0x0], $0xffff  }
0x424: {  	v0 =	vld.idx.msk [tilespmem:v0+s16+$0x0], $0xffff;
	[tilespmem:v17+s20+$0x0] =	vst.idx.msk $0xffff, v6  }
0x425: {  	[tilespmem:v40+s20+$0x0] =	vst.idx.msk $0xffff, v8;
	v40 =	vld [tilespmem:$0x1FA70]  }
0x426: {  	v41 =	vld [tilespmem:$0x1FA80]  }
0x427: {  	v63 =	vor.u32 v43, v1;
	[tilespmem:v42+s20+$0x0] =	vst.idx.msk $0xffff, v9;
	v42 =	vld [tilespmem:$0x1FA90]  }
0x428: {  	v43 =	vld [tilespmem:$0x1FAA0];
	v13 =	vor.u32 v5, v1  }
0x429: {  	v55 =	vld [tilespmem:$0x1FAE0];
	v39 =	vor.u32 v23, v1  }
0x42a: {  	v8 =	vor.u32 v40, v1  }
0x42b: {  	v9 =	vor.u32 v41, v1  }
0x42c: {  	[tilespmem:v63+s20+$0x0] =	vst.idx.msk $0xffff, v10;
	v10 =	vor.u32 v42, v1  }
0x42d: {  	[tilespmem:v13+s20+$0x0] =	vst.idx.msk $0xffff, v11;
	v11 =	vor.u32 v43, v1  }
0x42e: {  	v63 =	vor.u32 v55, v1;
	[tilespmem:v39+s20+$0x0] =	vst.idx.msk $0xffff, v12  }
0x42f: {  	v21 =	vld [tilespmem:$0x1FE80];
	[tilespmem:v8+s20+$0x0] =	vst.idx.msk $0xffff, v62  }
0x430: {  	v39 =	vld [tilespmem:$0x1FE90];
	[tilespmem:v9+s20+$0x0] =	vst.idx.msk $0xffff, v14  }
0x431: {  	v41 =	vld [tilespmem:$0x1FF80];
	[tilespmem:v10+s20+$0x0] =	vst.idx.msk $0xffff, v4  }
0x432: {  	v43 =	vld [tilespmem:$0x1FFA0];
	[tilespmem:v11+s20+$0x0] =	vst.idx.msk $0xffff, v3  }
0x433: {  	[tilespmem:v63+s20+$0x0] =	vst.idx.msk $0xffff, v56;
	v56 =	vld [tilespmem:$0x1FF90]  }
0x434: {  	v23 =	vor.u32 v21, v1;
	v63 =	vld [tilespmem:$0x1F550]  }
0x435: {  	v40 =	vor.u32 v39, v1  }
0x436: {  	v42 =	vor.u32 v41, v1  }
0x437: {  	v55 =	vor.u32 v43, v1  }
0x438: {  	s23 =	sadd.s32 $0x1, s23;
	v62 =	vor.u32 v56, v1  }
0x439: {  	p0 =	sne.s32 s23, $0x1A;
	[tilespmem:v23+s20+$0x0] =	vst.idx.msk $0xffff, v63  }
.Ltmp2:
0x43a: {  	[tilespmem:v40+s20+$0x0] =	vst.idx.msk $0xffff, v22;
	(pc) =	sbr.rel @p0 .LBB2_2-.Ltmp2, $4  }
0x43b: {  	s24 =	sshll.u32 s24, $0x11;
	[tilespmem:v42+s20+$0x0] =	vst.idx.msk $0xffff, v0  }
0x43c: {  	s24 =	sadd.s32 s3, s24;
	[tilespmem:v55+s20+$0x0] =	vst.idx.msk $0xffff, v7  }
0x43d: {  	s24 =	sadd.s32 s25, s24;
	[tilespmem:v62+s20+$0x0] =	vst.idx.msk $0xffff, v15  }
0x43e: {  	[hbm4b:s24+s15] =	stream.strided.scatter [tilespmem:s20], [sflag:$0x2], $0x4000, s9, s15, $0x38;
	[tilespmem:$0x1C000] =	vst v63  }
0x43f: {  	s22 =	sadd.s32 $0x1, s22  }
0x440: {  	_ =	swait.ge [sflag:s21], $0x4000;
	p0 =	sne.s32 s22, s7  }
.Ltmp3:
0x441: {  	[sflag:s21] =	ssyncset.done $0x0;
	(pc) =	sbr.rel @p0 .LBB2_1-.Ltmp3, $4  }
0x442: {  	[sflag:s21] =	ssyncadd.s32 $0xFFFFC000  }
0x443: {  	_ =	swait.ge [sflag:s21], $0x4000  }
0x444: {  	[sflag:s21] =	ssyncset.done $0x0  }
0x445: {  	[sflag:s21] =	ssyncadd.s32 $0xFFFFC000  }
0x446: {  	_ =	sfence.sel $0x180000  }
0x447: {  	[bflag:$0x0] =	sbarrier.arrive $0xFFFF  }
0x448: {  	p0 =	sne.s32 s2, $0x0;
	_ =	strace $0x90000047  }
0x449: {  	s0 =	sadd.s32 @!p0 $0x100000, s4;
	[bflag:$0x2] =	sbarrier.arrive $0xFFFF  }
0x44a: {  	[sflag:s0] =	ssyncadd.tile.s32 @!p0 $0x1;
	_ =	shalt  }
.Lfunc_end2:
_tile_overlayer_lowered:
.L_overlay_start_2:
0x44b: {  	(tag) =	ssettag $0x2  }
0x44c: {  	s0 =	rddreg [dreg:$0x0];
	s2 =	stileid.u32  }
0x44d: {  	s1 =	rddreg [dreg:$0x1];
	p0 =	sne.s32 s2, $0x0  }
0x44e: {  	s3 =	rddreg [dreg:$0x2];
	[bflag:$0x3] =	sbarrier.arrive $0xFFFF;
	s2 =	simm.s32 @!p0 $0x1C03  }
0x44f: {  	[timem:s3], [sflag:s2] =	dma.local @!p0 [hbm:s0], s1  }
0x450: {  	s0 =	simm.s32 @!p0 $0x3  }
0x451: {  	_ =	swait.ge @!p0 [sflag:s0], s1  }
0x452: {  	s1 =	ssub.s32 @!p0 $0x0, s1;
	[sflag:s0] =	ssyncset.done @!p0 $0x0  }
0x453: {  	[sflag:s0] =	ssyncadd.s32 @!p0 s1  }
0x454: {  	[bflag:$0x3] =	sbarrier.arrive $0xFFFF  }
0x455: {  	_ =	shalt  }

</sc_bundles>
